<compile_context>
chip_gen: v7x
topology: tpu7x:2x2x1
jax: 0.10.2.dev20260603
libtpu: 0.0.44.dev20260713+nightly
codegen_flags: <defaults>
</compile_context>

<pallas_src>
import functools

import jax
import jax.numpy as jnp
from jax import lax
from jax.experimental import pallas as pl
from jax.experimental.pallas import tpu as pltpu
from jax.experimental.pallas import tpu_sc as plsc

VOCAB = 1000
EMBED_DIM = 32
BATCH = 16384
FIELDS = 100

_INFO = plsc.get_sparse_core_info()
_NC = _INFO.num_cores
_NS = _INFO.num_subcores
_NW = _NC * _NS
_COLS = BATCH // _NW
_NVEC = _COLS // 16


_NBUF = 4


def _emb_body(tt_hbm, xt_hbm, out_hbm,
              tab_v, idx_bufs, out_bufs, isems, osems):
    wid = lax.axis_index("s") * _NC + lax.axis_index("c")
    col0 = wid * _COLS

    pltpu.sync_copy(tt_hbm, tab_v)

    dvecs = [jnp.full((16,), d, jnp.int32) for d in range(EMBED_DIM)]

    def compute(idx_v, out_v):
        @plsc.parallel_loop(0, _NVEC, 1, unroll=2)
        def group(i):
            idx16 = idx_v[pl.ds(i * 16, 16)]
            vals = [
                plsc.load_gather(tab_v, [dvecs[d], idx16])
                for d in range(EMBED_DIM)
            ]
            for d in range(EMBED_DIM):
                out_v[d, pl.ds(i * 16, 16)] = vals[d]

    def idx_start(f, k):
        pltpu.async_copy(xt_hbm.at[f, pl.ds(col0, _COLS)], idx_bufs[k], isems[k])

    def idx_wait(f, k):
        pltpu.make_async_copy(
            xt_hbm.at[f, pl.ds(col0, _COLS)], idx_bufs[k], isems[k]).wait()

    def out_start(f, k):
        pltpu.async_copy(
            out_bufs[k], out_hbm.at[f, :, pl.ds(col0, _COLS)], osems[k])

    def out_wait(f, k):
        pltpu.make_async_copy(
            out_bufs[k], out_hbm.at[f, :, pl.ds(col0, _COLS)], osems[k]).wait()

    for k in range(_NBUF):
        idx_start(k, k)

    def quad(g, carry):
        f0 = _NBUF * g
        for k in range(_NBUF):
            f = f0 + k
            idx_wait(f, k)

            @pl.when(g > 0)
            def _():
                out_wait(f - _NBUF, k)

            compute(idx_bufs[k], out_bufs[k])
            out_start(f, k)

            @pl.when(f + _NBUF < FIELDS)
            def _():
                idx_start(f + _NBUF, k)

        return carry

    lax.fori_loop(0, FIELDS // _NBUF, quad, 0)
    for k in range(_NBUF):
        out_wait(FIELDS - _NBUF + k, k)


_emb = pl.kernel(
    _emb_body,
    out_type=jax.ShapeDtypeStruct((FIELDS, EMBED_DIM, BATCH), jnp.float32),
    mesh=plsc.VectorSubcoreMesh(core_axis_name="c", subcore_axis_name="s"),
    compiler_params=pltpu.CompilerParams(needs_layout_passes=False),
    scratch_types=[
        pltpu.VMEM((EMBED_DIM, VOCAB), jnp.float32),
        [pltpu.VMEM((_COLS,), jnp.int32) for _ in range(_NBUF)],
        [pltpu.VMEM((EMBED_DIM, _COLS), jnp.float32) for _ in range(_NBUF)],
        [pltpu.SemaphoreType.DMA for _ in range(_NBUF)],
        [pltpu.SemaphoreType.DMA for _ in range(_NBUF)],
    ],
)


def kernel(x, table):
    xt = x.T.astype(jnp.int32)
    tt = table.T
    outt = _emb(tt, xt)
    return outt.transpose(2, 0, 1)

# --- scband reference (transcript-rebuilt; emitter-appended) ---
"""Pipeline reference for scband-categorical-encoder-29240137351539 (READ-ONLY COPY).

The authoritative reference and input builder live on the scoring server;
editing this copy changes nothing except your own understanding.
"""

import jax, jax.numpy as jnp
import numpy as np

VOCAB = 1000
EMBED_DIM = 32
BATCH = 16384
FIELDS = 100

def setup_inputs(seed: int = 0) -> dict:
    key = jax.random.key(seed)
    k_idx, k_tab = jax.random.split(key)
    x = jax.random.randint(k_idx, (BATCH, FIELDS), 0, VOCAB, dtype=jnp.int64) if jax.config.jax_enable_x64 else jax.random.randint(k_idx, (BATCH, FIELDS), 0, VOCAB, dtype=jnp.int32)
    table = jax.random.normal(k_tab, (VOCAB, EMBED_DIM), dtype=jnp.float32)
    return {"x": x, "table": table}

def reference(x, table):
    # CategoricalEncoder.forward: embedding lookup
    return jnp.take(table, x, axis=0)

if __name__ == "__main__":
    import jax
    _d = setup_inputs()
    print(jax.jit(kernel)(*tuple(_d.values())))

</pallas_src>

<mosaic_0001>
#map = affine_map<(d0, d1) -> (0, 0)>
#map1 = affine_map<(d0, d1) -> (0, 0, 0)>
module attributes {stable_mosaic.version = 14 : i64} {
  func.func @_emb_body(%arg0: i32, %arg1: i32, %arg2: memref<32x1000xf32, #tpu.memory_space<hbm>>, %arg3: memref<100x16384xi32, #tpu.memory_space<hbm>>, %arg4: memref<100x32x16384xf32, #tpu.memory_space<hbm>>, %arg5: memref<32x1000xf32, #tpu.memory_space<vmem>>, %arg6: memref<512xi32, #tpu.memory_space<vmem>>, %arg7: memref<512xi32, #tpu.memory_space<vmem>>, %arg8: memref<512xi32, #tpu.memory_space<vmem>>, %arg9: memref<512xi32, #tpu.memory_space<vmem>>, %arg10: memref<32x512xf32, #tpu.memory_space<vmem>>, %arg11: memref<32x512xf32, #tpu.memory_space<vmem>>, %arg12: memref<32x512xf32, #tpu.memory_space<vmem>>, %arg13: memref<32x512xf32, #tpu.memory_space<vmem>>, %arg14: memref<!tpu.dma_semaphore, #tpu.memory_space<semaphore_mem>>, %arg15: memref<!tpu.dma_semaphore, #tpu.memory_space<semaphore_mem>>, %arg16: memref<!tpu.dma_semaphore, #tpu.memory_space<semaphore_mem>>, %arg17: memref<!tpu.dma_semaphore, #tpu.memory_space<semaphore_mem>>, %arg18: memref<!tpu.dma_semaphore, #tpu.memory_space<semaphore_mem>>, %arg19: memref<!tpu.dma_semaphore, #tpu.memory_space<semaphore_mem>>, %arg20: memref<!tpu.dma_semaphore, #tpu.memory_space<semaphore_mem>>, %arg21: memref<!tpu.dma_semaphore, #tpu.memory_space<semaphore_mem>>) attributes {dimension_semantics = [#tpu.dimension_semantics<core_parallel>, #tpu.dimension_semantics<subcore_parallel>], iteration_bounds = array<i64: 2, 16>, scalar_prefetch = 0 : i64, scratch_operands = 17 : i64, tpu.core_type = #tpu.core_type<sc_vector_subcore>, window_params = [{transform_indices = #map}, {transform_indices = #map}, {transform_indices = #map1}]} {
    %mul3A = arith.constant 2 : i32
    %mul3A_0 = arith.muli %arg1, %mul3A : i32
    %add3A = arith.addi %mul3A_0, %arg0 : i32
    %mul3A_1 = arith.constant 512 : i32
    %mul3A_2 = arith.muli %add3A, %mul3A_1 : i32
    "tpu.region"() ({
      %run_scoped3A = tpu.sem_alloc : memref<!tpu.dma_semaphore, #tpu.memory_space<semaphore_mem>>
      tpu.enqueue_dma source(%arg2 : memref<32x1000xf32, #tpu.memory_space<hbm>>) target(%arg5 : memref<32x1000xf32, #tpu.memory_space<vmem>>) target_semaphore(%run_scoped3A : memref<!tpu.dma_semaphore, #tpu.memory_space<semaphore_mem>>)
      tpu.wait_dma2 semaphore(%run_scoped3A : memref<!tpu.dma_semaphore, #tpu.memory_space<semaphore_mem>>) src(%arg2 : memref<32x1000xf32, #tpu.memory_space<hbm>>) dst(%arg5 : memref<32x1000xf32, #tpu.memory_space<vmem>>)
      tpu.yield
    }) : () -> ()
    %broadcast_in_dim3A = arith.constant 0 : i32
    %broadcast_in_dim3A_3 = vector.broadcast %broadcast_in_dim3A : i32 to vector<16xi32>
    %broadcast_in_dim3A_4 = arith.constant 1 : i32
    %broadcast_in_dim3A_5 = vector.broadcast %broadcast_in_dim3A_4 : i32 to vector<16xi32>
    %broadcast_in_dim3A_6 = arith.constant 2 : i32
    %broadcast_in_dim3A_7 = vector.broadcast %broadcast_in_dim3A_6 : i32 to vector<16xi32>
    %broadcast_in_dim3A_8 = arith.constant 3 : i32
    %broadcast_in_dim3A_9 = vector.broadcast %broadcast_in_dim3A_8 : i32 to vector<16xi32>
    %broadcast_in_dim3A_10 = arith.constant 4 : i32
    %broadcast_in_dim3A_11 = vector.broadcast %broadcast_in_dim3A_10 : i32 to vector<16xi32>
    %broadcast_in_dim3A_12 = arith.constant 5 : i32
    %broadcast_in_dim3A_13 = vector.broadcast %broadcast_in_dim3A_12 : i32 to vector<16xi32>
    %broadcast_in_dim3A_14 = arith.constant 6 : i32
    %broadcast_in_dim3A_15 = vector.broadcast %broadcast_in_dim3A_14 : i32 to vector<16xi32>
    %broadcast_in_dim3A_16 = arith.constant 7 : i32
    %broadcast_in_dim3A_17 = vector.broadcast %broadcast_in_dim3A_16 : i32 to vector<16xi32>
    %broadcast_in_dim3A_18 = arith.constant 8 : i32
    %broadcast_in_dim3A_19 = vector.broadcast %broadcast_in_dim3A_18 : i32 to vector<16xi32>
    %broadcast_in_dim3A_20 = arith.constant 9 : i32
    %broadcast_in_dim3A_21 = vector.broadcast %broadcast_in_dim3A_20 : i32 to vector<16xi32>
    %broadcast_in_dim3A_22 = arith.constant 10 : i32
    %broadcast_in_dim3A_23 = vector.broadcast %broadcast_in_dim3A_22 : i32 to vector<16xi32>
    %broadcast_in_dim3A_24 = arith.constant 11 : i32
    %broadcast_in_dim3A_25 = vector.broadcast %broadcast_in_dim3A_24 : i32 to vector<16xi32>
    %broadcast_in_dim3A_26 = arith.constant 12 : i32
    %broadcast_in_dim3A_27 = vector.broadcast %broadcast_in_dim3A_26 : i32 to vector<16xi32>
    %broadcast_in_dim3A_28 = arith.constant 13 : i32
    %broadcast_in_dim3A_29 = vector.broadcast %broadcast_in_dim3A_28 : i32 to vector<16xi32>
    %broadcast_in_dim3A_30 = arith.constant 14 : i32
    %broadcast_in_dim3A_31 = vector.broadcast %broadcast_in_dim3A_30 : i32 to vector<16xi32>
    %broadcast_in_dim3A_32 = arith.constant 15 : i32
    %broadcast_in_dim3A_33 = vector.broadcast %broadcast_in_dim3A_32 : i32 to vector<16xi32>
    %broadcast_in_dim3A_34 = arith.constant 16 : i32
    %broadcast_in_dim3A_35 = vector.broadcast %broadcast_in_dim3A_34 : i32 to vector<16xi32>
    %broadcast_in_dim3A_36 = arith.constant 17 : i32
    %broadcast_in_dim3A_37 = vector.broadcast %broadcast_in_dim3A_36 : i32 to vector<16xi32>
    %broadcast_in_dim3A_38 = arith.constant 18 : i32
    %broadcast_in_dim3A_39 = vector.broadcast %broadcast_in_dim3A_38 : i32 to vector<16xi32>
    %broadcast_in_dim3A_40 = arith.constant 19 : i32
    %broadcast_in_dim3A_41 = vector.broadcast %broadcast_in_dim3A_40 : i32 to vector<16xi32>
    %broadcast_in_dim3A_42 = arith.constant 20 : i32
    %broadcast_in_dim3A_43 = vector.broadcast %broadcast_in_dim3A_42 : i32 to vector<16xi32>
    %broadcast_in_dim3A_44 = arith.constant 21 : i32
    %broadcast_in_dim3A_45 = vector.broadcast %broadcast_in_dim3A_44 : i32 to vector<16xi32>
    %broadcast_in_dim3A_46 = arith.constant 22 : i32
    %broadcast_in_dim3A_47 = vector.broadcast %broadcast_in_dim3A_46 : i32 to vector<16xi32>
    %broadcast_in_dim3A_48 = arith.constant 23 : i32
    %broadcast_in_dim3A_49 = vector.broadcast %broadcast_in_dim3A_48 : i32 to vector<16xi32>
    %broadcast_in_dim3A_50 = arith.constant 24 : i32
    %broadcast_in_dim3A_51 = vector.broadcast %broadcast_in_dim3A_50 : i32 to vector<16xi32>
    %broadcast_in_dim3A_52 = arith.constant 25 : i32
    %broadcast_in_dim3A_53 = vector.broadcast %broadcast_in_dim3A_52 : i32 to vector<16xi32>
    %broadcast_in_dim3A_54 = arith.constant 26 : i32
    %broadcast_in_dim3A_55 = vector.broadcast %broadcast_in_dim3A_54 : i32 to vector<16xi32>
    %broadcast_in_dim3A_56 = arith.constant 27 : i32
    %broadcast_in_dim3A_57 = vector.broadcast %broadcast_in_dim3A_56 : i32 to vector<16xi32>
    %broadcast_in_dim3A_58 = arith.constant 28 : i32
    %broadcast_in_dim3A_59 = vector.broadcast %broadcast_in_dim3A_58 : i32 to vector<16xi32>
    %broadcast_in_dim3A_60 = arith.constant 29 : i32
    %broadcast_in_dim3A_61 = vector.broadcast %broadcast_in_dim3A_60 : i32 to vector<16xi32>
    %broadcast_in_dim3A_62 = arith.constant 30 : i32
    %broadcast_in_dim3A_63 = vector.broadcast %broadcast_in_dim3A_62 : i32 to vector<16xi32>
    %broadcast_in_dim3A_64 = arith.constant 31 : i32
    %broadcast_in_dim3A_65 = vector.broadcast %broadcast_in_dim3A_64 : i32 to vector<16xi32>
    %dma_start3A = arith.constant 0 : i32
    %dma_start3A_66 = tpu.memref_slice %arg3[%dma_start3A, %mul3A_2] : memref<100x16384xi32, #tpu.memory_space<hbm>> -> memref<1x512xi32, #tpu.memory_space<hbm>>
    %dma_start3A_67 = tpu.memref_squeeze %dma_start3A_66 : memref<1x512xi32, #tpu.memory_space<hbm>> -> memref<512xi32, #tpu.memory_space<hbm>>
    %dma_start3A_68 = tpu.memref_slice %arg3[%dma_start3A, %mul3A_2] : memref<100x16384xi32, #tpu.memory_space<hbm>> -> memref<1x512xi32, #tpu.memory_space<hbm>>
    %dma_start3A_69 = tpu.memref_squeeze %dma_start3A_68 : memref<1x512xi32, #tpu.memory_space<hbm>> -> memref<512xi32, #tpu.memory_space<hbm>>
    tpu.enqueue_dma source(%dma_start3A_69 : memref<512xi32, #tpu.memory_space<hbm>>) target(%arg6 : memref<512xi32, #tpu.memory_space<vmem>>) target_semaphore(%arg14 : memref<!tpu.dma_semaphore, #tpu.memory_space<semaphore_mem>>)
    %dma_start3A_70 = arith.constant 1 : i32
    %dma_start3A_71 = tpu.memref_slice %arg3[%dma_start3A_70, %mul3A_2] : memref<100x16384xi32, #tpu.memory_space<hbm>> -> memref<1x512xi32, #tpu.memory_space<hbm>>
    %dma_start3A_72 = tpu.memref_squeeze %dma_start3A_71 : memref<1x512xi32, #tpu.memory_space<hbm>> -> memref<512xi32, #tpu.memory_space<hbm>>
    %dma_start3A_73 = tpu.memref_slice %arg3[%dma_start3A_70, %mul3A_2] : memref<100x16384xi32, #tpu.memory_space<hbm>> -> memref<1x512xi32, #tpu.memory_space<hbm>>
    %dma_start3A_74 = tpu.memref_squeeze %dma_start3A_73 : memref<1x512xi32, #tpu.memory_space<hbm>> -> memref<512xi32, #tpu.memory_space<hbm>>
    tpu.enqueue_dma source(%dma_start3A_74 : memref<512xi32, #tpu.memory_space<hbm>>) target(%arg7 : memref<512xi32, #tpu.memory_space<vmem>>) target_semaphore(%arg15 : memref<!tpu.dma_semaphore, #tpu.memory_space<semaphore_mem>>)
    %dma_start3A_75 = arith.constant 2 : i32
    %dma_start3A_76 = tpu.memref_slice %arg3[%dma_start3A_75, %mul3A_2] : memref<100x16384xi32, #tpu.memory_space<hbm>> -> memref<1x512xi32, #tpu.memory_space<hbm>>
    %dma_start3A_77 = tpu.memref_squeeze %dma_start3A_76 : memref<1x512xi32, #tpu.memory_space<hbm>> -> memref<512xi32, #tpu.memory_space<hbm>>
    %dma_start3A_78 = tpu.memref_slice %arg3[%dma_start3A_75, %mul3A_2] : memref<100x16384xi32, #tpu.memory_space<hbm>> -> memref<1x512xi32, #tpu.memory_space<hbm>>
    %dma_start3A_79 = tpu.memref_squeeze %dma_start3A_78 : memref<1x512xi32, #tpu.memory_space<hbm>> -> memref<512xi32, #tpu.memory_space<hbm>>
    tpu.enqueue_dma source(%dma_start3A_79 : memref<512xi32, #tpu.memory_space<hbm>>) target(%arg8 : memref<512xi32, #tpu.memory_space<vmem>>) target_semaphore(%arg16 : memref<!tpu.dma_semaphore, #tpu.memory_space<semaphore_mem>>)
    %dma_start3A_80 = arith.constant 3 : i32
    %dma_start3A_81 = tpu.memref_slice %arg3[%dma_start3A_80, %mul3A_2] : memref<100x16384xi32, #tpu.memory_space<hbm>> -> memref<1x512xi32, #tpu.memory_space<hbm>>
    %dma_start3A_82 = tpu.memref_squeeze %dma_start3A_81 : memref<1x512xi32, #tpu.memory_space<hbm>> -> memref<512xi32, #tpu.memory_space<hbm>>
    %dma_start3A_83 = tpu.memref_slice %arg3[%dma_start3A_80, %mul3A_2] : memref<100x16384xi32, #tpu.memory_space<hbm>> -> memref<1x512xi32, #tpu.memory_space<hbm>>
    %dma_start3A_84 = tpu.memref_squeeze %dma_start3A_83 : memref<1x512xi32, #tpu.memory_space<hbm>> -> memref<512xi32, #tpu.memory_space<hbm>>
    tpu.enqueue_dma source(%dma_start3A_84 : memref<512xi32, #tpu.memory_space<hbm>>) target(%arg9 : memref<512xi32, #tpu.memory_space<vmem>>) target_semaphore(%arg17 : memref<!tpu.dma_semaphore, #tpu.memory_space<semaphore_mem>>)
    %scan3A = arith.constant 0 : i32
    %scan3A_85 = arith.constant 0 : i32
    %scan3A_86 = arith.constant 25 : i32
    %scan3A_87 = arith.addi %scan3A_85, %scan3A_86 : i32
    %scan3A_88 = arith.constant 1 : i32
    scf.for %scan3A_117 = %scan3A_85 to %scan3A_87 step %scan3A_88  : i32 {
      %mul3A_118 = arith.constant 4 : i32
      %mul3A_119 = arith.muli %mul3A_118, %scan3A_117 : i32
      %add3A_120 = arith.constant 0 : i32
      %add3A_121 = arith.addi %mul3A_119, %add3A_120 : i32
      %dma_wait3A_122 = tpu.memref_slice %arg3[%add3A_121, %mul3A_2] : memref<100x16384xi32, #tpu.memory_space<hbm>> -> memref<1x512xi32, #tpu.memory_space<hbm>>
      %dma_wait3A_123 = tpu.memref_squeeze %dma_wait3A_122 : memref<1x512xi32, #tpu.memory_space<hbm>> -> memref<512xi32, #tpu.memory_space<hbm>>
      %dma_wait3A_124 = tpu.memref_slice %arg3[%add3A_121, %mul3A_2] : memref<100x16384xi32, #tpu.memory_space<hbm>> -> memref<1x512xi32, #tpu.memory_space<hbm>>
      %dma_wait3A_125 = tpu.memref_squeeze %dma_wait3A_124 : memref<1x512xi32, #tpu.memory_space<hbm>> -> memref<512xi32, #tpu.memory_space<hbm>>
      tpu.wait_dma2 semaphore(%arg14 : memref<!tpu.dma_semaphore, #tpu.memory_space<semaphore_mem>>) src(%dma_wait3A_125 : memref<512xi32, #tpu.memory_space<hbm>>) dst(%arg6 : memref<512xi32, #tpu.memory_space<vmem>>)
      %gt3A = arith.constant 0 : i32
      %gt3A_126 = arith.cmpi sgt, %scan3A_117, %gt3A : i32
      %convert_element_type3A = arith.extui %gt3A_126 : i1 to i32
      %cond3A = arith.constant 0 : i32
      %cond3A_127 = arith.cmpi ne, %convert_element_type3A, %cond3A : i32
      scf.if %cond3A_127 {
        %sub3A = arith.constant 4 : i32
        %sub3A_223 = arith.subi %add3A_121, %sub3A : i32
        %dma_wait3A_224 = arith.constant 0 : i32
        %dma_wait3A_225 = tpu.memref_slice %arg4[%sub3A_223, %dma_wait3A_224, %mul3A_2] : memref<100x32x16384xf32, #tpu.memory_space<hbm>> -> memref<1x32x512xf32, #tpu.memory_space<hbm>>
        %dma_wait3A_226 = tpu.memref_squeeze %dma_wait3A_225 : memref<1x32x512xf32, #tpu.memory_space<hbm>> -> memref<32x512xf32, #tpu.memory_space<hbm>>
        %dma_wait3A_227 = arith.constant 0 : i32
        %dma_wait3A_228 = tpu.memref_slice %arg4[%sub3A_223, %dma_wait3A_227, %mul3A_2] : memref<100x32x16384xf32, #tpu.memory_space<hbm>> -> memref<1x32x512xf32, #tpu.memory_space<hbm>>
        %dma_wait3A_229 = tpu.memref_squeeze %dma_wait3A_228 : memref<1x32x512xf32, #tpu.memory_space<hbm>> -> memref<32x512xf32, #tpu.memory_space<hbm>>
        tpu.wait_dma2 semaphore(%arg18 : memref<!tpu.dma_semaphore, #tpu.memory_space<semaphore_mem>>) src(%arg10 : memref<32x512xf32, #tpu.memory_space<vmem>>) dst(%dma_wait3A_229 : memref<32x512xf32, #tpu.memory_space<hbm>>)
      } else {
      }
      %parallel_loop3A = arith.constant 0 : i32
      %parallel_loop3A_128 = arith.constant 32 : i32
      %parallel_loop3A_129 = arith.constant 1 : i32
      scf.for %parallel_loop3A_223 = %parallel_loop3A to %parallel_loop3A_128 step %parallel_loop3A_129  : i32 {
        %parallel_loop3A_224 = arith.constant 16 : i32
        %parallel_loop3A_225 = arith.muli %parallel_loop3A_223, %parallel_loop3A_224 : i32
        %parallel_loop3A_226 = arith.index_cast %parallel_loop3A_225 : i32 to index
        %parallel_loop3A_227 = tpu.vector_load %arg6[%parallel_loop3A_226] {strides = array<i32>} : memref<512xi32, #tpu.memory_space<vmem>>, vector<16xi32>,
        %parallel_loop3A_228 = tpu.vector_load_idx %arg5[%broadcast_in_dim3A_3, %parallel_loop3A_227] : memref<32x1000xf32, #tpu.memory_space<vmem>>[vector<16xi32>, vector<16xi32>], vector<16xf32>,
        %parallel_loop3A_229 = tpu.vector_load_idx %arg5[%broadcast_in_dim3A_5, %parallel_loop3A_227] : memref<32x1000xf32, #tpu.memory_space<vmem>>[vector<16xi32>, vector<16xi32>], vector<16xf32>,
        %parallel_loop3A_230 = tpu.vector_load_idx %arg5[%broadcast_in_dim3A_7, %parallel_loop3A_227] : memref<32x1000xf32, #tpu.memory_space<vmem>>[vector<16xi32>, vector<16xi32>], vector<16xf32>,
        %parallel_loop3A_231 = tpu.vector_load_idx %arg5[%broadcast_in_dim3A_9, %parallel_loop3A_227] : memref<32x1000xf32, #tpu.memory_space<vmem>>[vector<16xi32>, vector<16xi32>], vector<16xf32>,
        %parallel_loop3A_232 = tpu.vector_load_idx %arg5[%broadcast_in_dim3A_11, %parallel_loop3A_227] : memref<32x1000xf32, #tpu.memory_space<vmem>>[vector<16xi32>, vector<16xi32>], vector<16xf32>,
        %parallel_loop3A_233 = tpu.vector_load_idx %arg5[%broadcast_in_dim3A_13, %parallel_loop3A_227] : memref<32x1000xf32, #tpu.memory_space<vmem>>[vector<16xi32>, vector<16xi32>], vector<16xf32>,
        %parallel_loop3A_234 = tpu.vector_load_idx %arg5[%broadcast_in_dim3A_15, %parallel_loop3A_227] : memref<32x1000xf32, #tpu.memory_space<vmem>>[vector<16xi32>, vector<16xi32>], vector<16xf32>,
        %parallel_loop3A_235 = tpu.vector_load_idx %arg5[%broadcast_in_dim3A_17, %parallel_loop3A_227] : memref<32x1000xf32, #tpu.memory_space<vmem>>[vector<16xi32>, vector<16xi32>], vector<16xf32>,
        %parallel_loop3A_236 = tpu.vector_load_idx %arg5[%broadcast_in_dim3A_19, %parallel_loop3A_227] : memref<32x1000xf32, #tpu.memory_space<vmem>>[vector<16xi32>, vector<16xi32>], vector<16xf32>,
        %parallel_loop3A_237 = tpu.vector_load_idx %arg5[%broadcast_in_dim3A_21, %parallel_loop3A_227] : memref<32x1000xf32, #tpu.memory_space<vmem>>[vector<16xi32>, vector<16xi32>], vector<16xf32>,
        %parallel_loop3A_238 = tpu.vector_load_idx %arg5[%broadcast_in_dim3A_23, %parallel_loop3A_227] : memref<32x1000xf32, #tpu.memory_space<vmem>>[vector<16xi32>, vector<16xi32>], vector<16xf32>,
        %parallel_loop3A_239 = tpu.vector_load_idx %arg5[%broadcast_in_dim3A_25, %parallel_loop3A_227] : memref<32x1000xf32, #tpu.memory_space<vmem>>[vector<16xi32>, vector<16xi32>], vector<16xf32>,
        %parallel_loop3A_240 = tpu.vector_load_idx %arg5[%broadcast_in_dim3A_27, %parallel_loop3A_227] : memref<32x1000xf32, #tpu.memory_space<vmem>>[vector<16xi32>, vector<16xi32>], vector<16xf32>,
        %parallel_loop3A_241 = tpu.vector_load_idx %arg5[%broadcast_in_dim3A_29, %parallel_loop3A_227] : memref<32x1000xf32, #tpu.memory_space<vmem>>[vector<16xi32>, vector<16xi32>], vector<16xf32>,
        %parallel_loop3A_242 = tpu.vector_load_idx %arg5[%broadcast_in_dim3A_31, %parallel_loop3A_227] : memref<32x1000xf32, #tpu.memory_space<vmem>>[vector<16xi32>, vector<16xi32>], vector<16xf32>,
        %parallel_loop3A_243 = tpu.vector_load_idx %arg5[%broadcast_in_dim3A_33, %parallel_loop3A_227] : memref<32x1000xf32, #tpu.memory_space<vmem>>[vector<16xi32>, vector<16xi32>], vector<16xf32>,
        %parallel_loop3A_244 = tpu.vector_load_idx %arg5[%broadcast_in_dim3A_35, %parallel_loop3A_227] : memref<32x1000xf32, #tpu.memory_space<vmem>>[vector<16xi32>, vector<16xi32>], vector<16xf32>,
        %parallel_loop3A_245 = tpu.vector_load_idx %arg5[%broadcast_in_dim3A_37, %parallel_loop3A_227] : memref<32x1000xf32, #tpu.memory_space<vmem>>[vector<16xi32>, vector<16xi32>], vector<16xf32>,
        %parallel_loop3A_246 = tpu.vector_load_idx %arg5[%broadcast_in_dim3A_39, %parallel_loop3A_227] : memref<32x1000xf32, #tpu.memory_space<vmem>>[vector<16xi32>, vector<16xi32>], vector<16xf32>,
        %parallel_loop3A_247 = tpu.vector_load_idx %arg5[%broadcast_in_dim3A_41, %parallel_loop3A_227] : memref<32x1000xf32, #tpu.memory_space<vmem>>[vector<16xi32>, vector<16xi32>], vector<16xf32>,
        %parallel_loop3A_248 = tpu.vector_load_idx %arg5[%broadcast_in_dim3A_43, %parallel_loop3A_227] : memref<32x1000xf32, #tpu.memory_space<vmem>>[vector<16xi32>, vector<16xi32>], vector<16xf32>,
        %parallel_loop3A_249 = tpu.vector_load_idx %arg5[%broadcast_in_dim3A_45, %parallel_loop3A_227] : memref<32x1000xf32, #tpu.memory_space<vmem>>[vector<16xi32>, vector<16xi32>], vector<16xf32>,
        %parallel_loop3A_250 = tpu.vector_load_idx %arg5[%broadcast_in_dim3A_47, %parallel_loop3A_227] : memref<32x1000xf32, #tpu.memory_space<vmem>>[vector<16xi32>, vector<16xi32>], vector<16xf32>,
        %parallel_loop3A_251 = tpu.vector_load_idx %arg5[%broadcast_in_dim3A_49, %parallel_loop3A_227] : memref<32x1000xf32, #tpu.memory_space<vmem>>[vector<16xi32>, vector<16xi32>], vector<16xf32>,
        %parallel_loop3A_252 = tpu.vector_load_idx %arg5[%broadcast_in_dim3A_51, %parallel_loop3A_227] : memref<32x1000xf32, #tpu.memory_space<vmem>>[vector<16xi32>, vector<16xi32>], vector<16xf32>,
        %parallel_loop3A_253 = tpu.vector_load_idx %arg5[%broadcast_in_dim3A_53, %parallel_loop3A_227] : memref<32x1000xf32, #tpu.memory_space<vmem>>[vector<16xi32>, vector<16xi32>], vector<16xf32>,
        %parallel_loop3A_254 = tpu.vector_load_idx %arg5[%broadcast_in_dim3A_55, %parallel_loop3A_227] : memref<32x1000xf32, #tpu.memory_space<vmem>>[vector<16xi32>, vector<16xi32>], vector<16xf32>,
        %parallel_loop3A_255 = tpu.vector_load_idx %arg5[%broadcast_in_dim3A_57, %parallel_loop3A_227] : memref<32x1000xf32, #tpu.memory_space<vmem>>[vector<16xi32>, vector<16xi32>], vector<16xf32>,
        %parallel_loop3A_256 = tpu.vector_load_idx %arg5[%broadcast_in_dim3A_59, %parallel_loop3A_227] : memref<32x1000xf32, #tpu.memory_space<vmem>>[vector<16xi32>, vector<16xi32>], vector<16xf32>,
        %parallel_loop3A_257 = tpu.vector_load_idx %arg5[%broadcast_in_dim3A_61, %parallel_loop3A_227] : memref<32x1000xf32, #tpu.memory_space<vmem>>[vector<16xi32>, vector<16xi32>], vector<16xf32>,
        %parallel_loop3A_258 = tpu.vector_load_idx %arg5[%broadcast_in_dim3A_63, %parallel_loop3A_227] : memref<32x1000xf32, #tpu.memory_space<vmem>>[vector<16xi32>, vector<16xi32>], vector<16xf32>,
        %parallel_loop3A_259 = tpu.vector_load_idx %arg5[%broadcast_in_dim3A_65, %parallel_loop3A_227] : memref<32x1000xf32, #tpu.memory_space<vmem>>[vector<16xi32>, vector<16xi32>], vector<16xf32>,
        %parallel_loop3A_260 = arith.constant 16 : i32
        %parallel_loop3A_261 = arith.muli %parallel_loop3A_223, %parallel_loop3A_260 : i32
        %parallel_loop3A_262 = arith.constant 0 : i32
        %parallel_loop3A_263 = arith.index_cast %parallel_loop3A_262 : i32 to index
        %parallel_loop3A_264 = arith.index_cast %parallel_loop3A_261 : i32 to index
        %parallel_loop3A_265 = tpu.vector_load %arg10[%parallel_loop3A_263, %parallel_loop3A_264] {strides = array<i32>} : memref<32x512xf32, #tpu.memory_space<vmem>>, vector<16xf32>,
        tpu.vector_store %arg10[%parallel_loop3A_263, %parallel_loop3A_264], %parallel_loop3A_228 {strides = array<i32>} : memref<32x512xf32, #tpu.memory_space<vmem>>, vector<16xf32>,
        %parallel_loop3A_266 = arith.constant 16 : i32
        %parallel_loop3A_267 = arith.muli %parallel_loop3A_223, %parallel_loop3A_266 : i32
        %parallel_loop3A_268 = arith.constant 1 : i32
        %parallel_loop3A_269 = arith.index_cast %parallel_loop3A_268 : i32 to index
        %parallel_loop3A_270 = arith.index_cast %parallel_loop3A_267 : i32 to index
        %parallel_loop3A_271 = tpu.vector_load %arg10[%parallel_loop3A_269, %parallel_loop3A_270] {strides = array<i32>} : memref<32x512xf32, #tpu.memory_space<vmem>>, vector<16xf32>,
        tpu.vector_store %arg10[%parallel_loop3A_269, %parallel_loop3A_270], %parallel_loop3A_229 {strides = array<i32>} : memref<32x512xf32, #tpu.memory_space<vmem>>, vector<16xf32>,
        %parallel_loop3A_272 = arith.constant 16 : i32
        %parallel_loop3A_273 = arith.muli %parallel_loop3A_223, %parallel_loop3A_272 : i32
        %parallel_loop3A_274 = arith.constant 2 : i32
        %parallel_loop3A_275 = arith.index_cast %parallel_loop3A_274 : i32 to index
        %parallel_loop3A_276 = arith.index_cast %parallel_loop3A_273 : i32 to index
        %parallel_loop3A_277 = tpu.vector_load %arg10[%parallel_loop3A_275, %parallel_loop3A_276] {strides = array<i32>} : memref<32x512xf32, #tpu.memory_space<vmem>>, vector<16xf32>,
        tpu.vector_store %arg10[%parallel_loop3A_275, %parallel_loop3A_276], %parallel_loop3A_230 {strides = array<i32>} : memref<32x512xf32, #tpu.memory_space<vmem>>, vector<16xf32>,
        %parallel_loop3A_278 = arith.constant 16 : i32
        %parallel_loop3A_279 = arith.muli %parallel_loop3A_223, %parallel_loop3A_278 : i32
        %parallel_loop3A_280 = arith.constant 3 : i32
        %parallel_loop3A_281 = arith.index_cast %parallel_loop3A_280 : i32 to index
        %parallel_loop3A_282 = arith.index_cast %parallel_loop3A_279 : i32 to index
        %parallel_loop3A_283 = tpu.vector_load %arg10[%parallel_loop3A_281, %parallel_loop3A_282] {strides = array<i32>} : memref<32x512xf32, #tpu.memory_space<vmem>>, vector<16xf32>,
        tpu.vector_store %arg10[%parallel_loop3A_281, %parallel_loop3A_282], %parallel_loop3A_231 {strides = array<i32>} : memref<32x512xf32, #tpu.memory_space<vmem>>, vector<16xf32>,
        %parallel_loop3A_284 = arith.constant 16 : i32
        %parallel_loop3A_285 = arith.muli %parallel_loop3A_223, %parallel_loop3A_284 : i32
        %parallel_loop3A_286 = arith.constant 4 : i32
        %parallel_loop3A_287 = arith.index_cast %parallel_loop3A_286 : i32 to index
        %parallel_loop3A_288 = arith.index_cast %parallel_loop3A_285 : i32 to index
        %parallel_loop3A_289 = tpu.vector_load %arg10[%parallel_loop3A_287, %parallel_loop3A_288] {strides = array<i32>} : memref<32x512xf32, #tpu.memory_space<vmem>>, vector<16xf32>,
        tpu.vector_store %arg10[%parallel_loop3A_287, %parallel_loop3A_288], %parallel_loop3A_232 {strides = array<i32>} : memref<32x512xf32, #tpu.memory_space<vmem>>, vector<16xf32>,
        %parallel_loop3A_290 = arith.constant 16 : i32
        %parallel_loop3A_291 = arith.muli %parallel_loop3A_223, %parallel_loop3A_290 : i32
        %parallel_loop3A_292 = arith.constant 5 : i32
        %parallel_loop3A_293 = arith.index_cast %parallel_loop3A_292 : i32 to index
        %parallel_loop3A_294 = arith.index_cast %parallel_loop3A_291 : i32 to index
        %parallel_loop3A_295 = tpu.vector_load %arg10[%parallel_loop3A_293, %parallel_loop3A_294] {strides = array<i32>} : memref<32x512xf32, #tpu.memory_space<vmem>>, vector<16xf32>,
        tpu.vector_store %arg10[%parallel_loop3A_293, %parallel_loop3A_294], %parallel_loop3A_233 {strides = array<i32>} : memref<32x512xf32, #tpu.memory_space<vmem>>, vector<16xf32>,
        %parallel_loop3A_296 = arith.constant 16 : i32
        %parallel_loop3A_297 = arith.muli %parallel_loop3A_223, %parallel_loop3A_296 : i32
        %parallel_loop3A_298 = arith.constant 6 : i32
        %parallel_loop3A_299 = arith.index_cast %parallel_loop3A_298 : i32 to index
        %parallel_loop3A_300 = arith.index_cast %parallel_loop3A_297 : i32 to index
        %parallel_loop3A_301 = tpu.vector_load %arg10[%parallel_loop3A_299, %parallel_loop3A_300] {strides = array<i32>} : memref<32x512xf32, #tpu.memory_space<vmem>>, vector<16xf32>,
        tpu.vector_store %arg10[%parallel_loop3A_299, %parallel_loop3A_300], %parallel_loop3A_234 {strides = array<i32>} : memref<32x512xf32, #tpu.memory_space<vmem>>, vector<16xf32>,
        %parallel_loop3A_302 = arith.constant 16 : i32
        %parallel_loop3A_303 = arith.muli %parallel_loop3A_223, %parallel_loop3A_302 : i32
        %parallel_loop3A_304 = arith.constant 7 : i32
        %parallel_loop3A_305 = arith.index_cast %parallel_loop3A_304 : i32 to index
        %parallel_loop3A_306 = arith.index_cast %parallel_loop3A_303 : i32 to index
        %parallel_loop3A_307 = tpu.vector_load %arg10[%parallel_loop3A_305, %parallel_loop3A_306] {strides = array<i32>} : memref<32x512xf32, #tpu.memory_space<vmem>>, vector<16xf32>,
        tpu.vector_store %arg10[%parallel_loop3A_305, %parallel_loop3A_306], %parallel_loop3A_235 {strides = array<i32>} : memref<32x512xf32, #tpu.memory_space<vmem>>, vector<16xf32>,
        %parallel_loop3A_308 = arith.constant 16 : i32
        %parallel_loop3A_309 = arith.muli %parallel_loop3A_223, %parallel_loop3A_308 : i32
        %parallel_loop3A_310 = arith.constant 8 : i32
        %parallel_loop3A_311 = arith.index_cast %parallel_loop3A_310 : i32 to index
        %parallel_loop3A_312 = arith.index_cast %parallel_loop3A_309 : i32 to index
        %parallel_loop3A_313 = tpu.vector_load %arg10[%parallel_loop3A_311, %parallel_loop3A_312] {strides = array<i32>} : memref<32x512xf32, #tpu.memory_space<vmem>>, vector<16xf32>,
        tpu.vector_store %arg10[%parallel_loop3A_311, %parallel_loop3A_312], %parallel_loop3A_236 {strides = array<i32>} : memref<32x512xf32, #tpu.memory_space<vmem>>, vector<16xf32>,
        %parallel_loop3A_314 = arith.constant 16 : i32
        %parallel_loop3A_315 = arith.muli %parallel_loop3A_223, %parallel_loop3A_314 : i32
        %parallel_loop3A_316 = arith.constant 9 : i32
        %parallel_loop3A_317 = arith.index_cast %parallel_loop3A_316 : i32 to index
        %parallel_loop3A_318 = arith.index_cast %parallel_loop3A_315 : i32 to index
        %parallel_loop3A_319 = tpu.vector_load %arg10[%parallel_loop3A_317, %parallel_loop3A_318] {strides = array<i32>} : memref<32x512xf32, #tpu.memory_space<vmem>>, vector<16xf32>,
        tpu.vector_store %arg10[%parallel_loop3A_317, %parallel_loop3A_318], %parallel_loop3A_237 {strides = array<i32>} : memref<32x512xf32, #tpu.memory_space<vmem>>, vector<16xf32>,
        %parallel_loop3A_320 = arith.constant 16 : i32
        %parallel_loop3A_321 = arith.muli %parallel_loop3A_223, %parallel_loop3A_320 : i32
        %parallel_loop3A_322 = arith.constant 10 : i32
        %parallel_loop3A_323 = arith.index_cast %parallel_loop3A_322 : i32 to index
        %parallel_loop3A_324 = arith.index_cast %parallel_loop3A_321 : i32 to index
        %parallel_loop3A_325 = tpu.vector_load %arg10[%parallel_loop3A_323, %parallel_loop3A_324] {strides = array<i32>} : memref<32x512xf32, #tpu.memory_space<vmem>>, vector<16xf32>,
        tpu.vector_store %arg10[%parallel_loop3A_323, %parallel_loop3A_324], %parallel_loop3A_238 {strides = array<i32>} : memref<32x512xf32, #tpu.memory_space<vmem>>, vector<16xf32>,
        %parallel_loop3A_326 = arith.constant 16 : i32
        %parallel_loop3A_327 = arith.muli %parallel_loop3A_223, %parallel_loop3A_326 : i32
        %parallel_loop3A_328 = arith.constant 11 : i32
        %parallel_loop3A_329 = arith.index_cast %parallel_loop3A_328 : i32 to index
        %parallel_loop3A_330 = arith.index_cast %parallel_loop3A_327 : i32 to index
        %parallel_loop3A_331 = tpu.vector_load %arg10[%parallel_loop3A_329, %parallel_loop3A_330] {strides = array<i32>} : memref<32x512xf32, #tpu.memory_space<vmem>>, vector<16xf32>,
        tpu.vector_store %arg10[%parallel_loop3A_329, %parallel_loop3A_330], %parallel_loop3A_239 {strides = array<i32>} : memref<32x512xf32, #tpu.memory_space<vmem>>, vector<16xf32>,
        %parallel_loop3A_332 = arith.constant 16 : i32
        %parallel_loop3A_333 = arith.muli %parallel_loop3A_223, %parallel_loop3A_332 : i32
        %parallel_loop3A_334 = arith.constant 12 : i32
        %parallel_loop3A_335 = arith.index_cast %parallel_loop3A_334 : i32 to index
        %parallel_loop3A_336 = arith.index_cast %parallel_loop3A_333 : i32 to index
        %parallel_loop3A_337 = tpu.vector_load %arg10[%parallel_loop3A_335, %parallel_loop3A_336] {strides = array<i32>} : memref<32x512xf32, #tpu.memory_space<vmem>>, vector<16xf32>,
        tpu.vector_store %arg10[%parallel_loop3A_335, %parallel_loop3A_336], %parallel_loop3A_240 {strides = array<i32>} : memref<32x512xf32, #tpu.memory_space<vmem>>, vector<16xf32>,
        %parallel_loop3A_338 = arith.constant 16 : i32
        %parallel_loop3A_339 = arith.muli %parallel_loop3A_223, %parallel_loop3A_338 : i32
        %parallel_loop3A_340 = arith.constant 13 : i32
        %parallel_loop3A_341 = arith.index_cast %parallel_loop3A_340 : i32 to index
        %parallel_loop3A_342 = arith.index_cast %parallel_loop3A_339 : i32 to index
        %parallel_loop3A_343 = tpu.vector_load %arg10[%parallel_loop3A_341, %parallel_loop3A_342] {strides = array<i32>} : memref<32x512xf32, #tpu.memory_space<vmem>>, vector<16xf32>,
        tpu.vector_store %arg10[%parallel_loop3A_341, %parallel_loop3A_342], %parallel_loop3A_241 {strides = array<i32>} : memref<32x512xf32, #tpu.memory_space<vmem>>, vector<16xf32>,
        %parallel_loop3A_344 = arith.constant 16 : i32
        %parallel_loop3A_345 = arith.muli %parallel_loop3A_223, %parallel_loop3A_344 : i32
        %parallel_loop3A_346 = arith.constant 14 : i32
        %parallel_loop3A_347 = arith.index_cast %parallel_loop3A_346 : i32 to index
        %parallel_loop3A_348 = arith.index_cast %parallel_loop3A_345 : i32 to index
        %parallel_loop3A_349 = tpu.vector_load %arg10[%parallel_loop3A_347, %parallel_loop3A_348] {strides = array<i32>} : memref<32x512xf32, #tpu.memory_space<vmem>>, vector<16xf32>,
        tpu.vector_store %arg10[%parallel_loop3A_347, %parallel_loop3A_348], %parallel_loop3A_242 {strides = array<i32>} : memref<32x512xf32, #tpu.memory_space<vmem>>, vector<16xf32>,
        %parallel_loop3A_350 = arith.constant 16 : i32
        %parallel_loop3A_351 = arith.muli %parallel_loop3A_223, %parallel_loop3A_350 : i32
        %parallel_loop3A_352 = arith.constant 15 : i32
        %parallel_loop3A_353 = arith.index_cast %parallel_loop3A_352 : i32 to index
        %parallel_loop3A_354 = arith.index_cast %parallel_loop3A_351 : i32 to index
        %parallel_loop3A_355 = tpu.vector_load %arg10[%parallel_loop3A_353, %parallel_loop3A_354] {strides = array<i32>} : memref<32x512xf32, #tpu.memory_space<vmem>>, vector<16xf32>,
        tpu.vector_store %arg10[%parallel_loop3A_353, %parallel_loop3A_354], %parallel_loop3A_243 {strides = array<i32>} : memref<32x512xf32, #tpu.memory_space<vmem>>, vector<16xf32>,
        %parallel_loop3A_356 = arith.constant 16 : i32
        %parallel_loop3A_357 = arith.muli %parallel_loop3A_223, %parallel_loop3A_356 : i32
        %parallel_loop3A_358 = arith.constant 16 : i32
        %parallel_loop3A_359 = arith.index_cast %parallel_loop3A_358 : i32 to index
        %parallel_loop3A_360 = arith.index_cast %parallel_loop3A_357 : i32 to index
        %parallel_loop3A_361 = tpu.vector_load %arg10[%parallel_loop3A_359, %parallel_loop3A_360] {strides = array<i32>} : memref<32x512xf32, #tpu.memory_space<vmem>>, vector<16xf32>,
        tpu.vector_store %arg10[%parallel_loop3A_359, %parallel_loop3A_360], %parallel_loop3A_244 {strides = array<i32>} : memref<32x512xf32, #tpu.memory_space<vmem>>, vector<16xf32>,
        %parallel_loop3A_362 = arith.constant 16 : i32
        %parallel_loop3A_363 = arith.muli %parallel_loop3A_223, %parallel_loop3A_362 : i32
        %parallel_loop3A_364 = arith.constant 17 : i32
        %parallel_loop3A_365 = arith.index_cast %parallel_loop3A_364 : i32 to index
        %parallel_loop3A_366 = arith.index_cast %parallel_loop3A_363 : i32 to index
        %parallel_loop3A_367 = tpu.vector_load %arg10[%parallel_loop3A_365, %parallel_loop3A_366] {strides = array<i32>} : memref<32x512xf32, #tpu.memory_space<vmem>>, vector<16xf32>,
        tpu.vector_store %arg10[%parallel_loop3A_365, %parallel_loop3A_366], %parallel_loop3A_245 {strides = array<i32>} : memref<32x512xf32, #tpu.memory_space<vmem>>, vector<16xf32>,
        %parallel_loop3A_368 = arith.constant 16 : i32
        %parallel_loop3A_369 = arith.muli %parallel_loop3A_223, %parallel_loop3A_368 : i32
        %parallel_loop3A_370 = arith.constant 18 : i32
        %parallel_loop3A_371 = arith.index_cast %parallel_loop3A_370 : i32 to index
        %parallel_loop3A_372 = arith.index_cast %parallel_loop3A_369 : i32 to index
        %parallel_loop3A_373 = tpu.vector_load %arg10[%parallel_loop3A_371, %parallel_loop3A_372] {strides = array<i32>} : memref<32x512xf32, #tpu.memory_space<vmem>>, vector<16xf32>,
        tpu.vector_store %arg10[%parallel_loop3A_371, %parallel_loop3A_372], %parallel_loop3A_246 {strides = array<i32>} : memref<32x512xf32, #tpu.memory_space<vmem>>, vector<16xf32>,
        %parallel_loop3A_374 = arith.constant 16 : i32
        %parallel_loop3A_375 = arith.muli %parallel_loop3A_223, %parallel_loop3A_374 : i32
        %parallel_loop3A_376 = arith.constant 19 : i32
        %parallel_loop3A_377 = arith.index_cast %parallel_loop3A_376 : i32 to index
        %parallel_loop3A_378 = arith.index_cast %parallel_loop3A_375 : i32 to index
        %parallel_loop3A_379 = tpu.vector_load %arg10[%parallel_loop3A_377, %parallel_loop3A_378] {strides = array<i32>} : memref<32x512xf32, #tpu.memory_space<vmem>>, vector<16xf32>,
        tpu.vector_store %arg10[%parallel_loop3A_377, %parallel_loop3A_378], %parallel_loop3A_247 {strides = array<i32>} : memref<32x512xf32, #tpu.memory_space<vmem>>, vector<16xf32>,
        %parallel_loop3A_380 = arith.constant 16 : i32
        %parallel_loop3A_381 = arith.muli %parallel_loop3A_223, %parallel_loop3A_380 : i32
        %parallel_loop3A_382 = arith.constant 20 : i32
        %parallel_loop3A_383 = arith.index_cast %parallel_loop3A_382 : i32 to index
        %parallel_loop3A_384 = arith.index_cast %parallel_loop3A_381 : i32 to index
        %parallel_loop3A_385 = tpu.vector_load %arg10[%parallel_loop3A_383, %parallel_loop3A_384] {strides = array<i32>} : memref<32x512xf32, #tpu.memory_space<vmem>>, vector<16xf32>,
        tpu.vector_store %arg10[%parallel_loop3A_383, %parallel_loop3A_384], %parallel_loop3A_248 {strides = array<i32>} : memref<32x512xf32, #tpu.memory_space<vmem>>, vector<16xf32>,
        %parallel_loop3A_386 = arith.constant 16 : i32
        %parallel_loop3A_387 = arith.muli %parallel_loop3A_223, %parallel_loop3A_386 : i32
        %parallel_loop3A_388 = arith.constant 21 : i32
        %parallel_loop3A_389 = arith.index_cast %parallel_loop3A_388 : i32 to index
        %parallel_loop3A_390 = arith.index_cast %parallel_loop3A_387 : i32 to index
        %parallel_loop3A_391 = tpu.vector_load %arg10[%parallel_loop3A_389, %parallel_loop3A_390] {strides = array<i32>} : memref<32x512xf32, #tpu.memory_space<vmem>>, vector<16xf32>,
        tpu.vector_store %arg10[%parallel_loop3A_389, %parallel_loop3A_390], %parallel_loop3A_249 {strides = array<i32>} : memref<32x512xf32, #tpu.memory_space<vmem>>, vector<16xf32>,
        %parallel_loop3A_392 = arith.constant 16 : i32
        %parallel_loop3A_393 = arith.muli %parallel_loop3A_223, %parallel_loop3A_392 : i32
        %parallel_loop3A_394 = arith.constant 22 : i32
        %parallel_loop3A_395 = arith.index_cast %parallel_loop3A_394 : i32 to index
        %parallel_loop3A_396 = arith.index_cast %parallel_loop3A_393 : i32 to index
        %parallel_loop3A_397 = tpu.vector_load %arg10[%parallel_loop3A_395, %parallel_loop3A_396] {strides = array<i32>} : memref<32x512xf32, #tpu.memory_space<vmem>>, vector<16xf32>,
        tpu.vector_store %arg10[%parallel_loop3A_395, %parallel_loop3A_396], %parallel_loop3A_250 {strides = array<i32>} : memref<32x512xf32, #tpu.memory_space<vmem>>, vector<16xf32>,
        %parallel_loop3A_398 = arith.constant 16 : i32
        %parallel_loop3A_399 = arith.muli %parallel_loop3A_223, %parallel_loop3A_398 : i32
        %parallel_loop3A_400 = arith.constant 23 : i32
        %parallel_loop3A_401 = arith.index_cast %parallel_loop3A_400 : i32 to index
        %parallel_loop3A_402 = arith.index_cast %parallel_loop3A_399 : i32 to index
        %parallel_loop3A_403 = tpu.vector_load %arg10[%parallel_loop3A_401, %parallel_loop3A_402] {strides = array<i32>} : memref<32x512xf32, #tpu.memory_space<vmem>>, vector<16xf32>,
        tpu.vector_store %arg10[%parallel_loop3A_401, %parallel_loop3A_402], %parallel_loop3A_251 {strides = array<i32>} : memref<32x512xf32, #tpu.memory_space<vmem>>, vector<16xf32>,
        %parallel_loop3A_404 = arith.constant 16 : i32
        %parallel_loop3A_405 = arith.muli %parallel_loop3A_223, %parallel_loop3A_404 : i32
        %parallel_loop3A_406 = arith.constant 24 : i32
        %parallel_loop3A_407 = arith.index_cast %parallel_loop3A_406 : i32 to index
        %parallel_loop3A_408 = arith.index_cast %parallel_loop3A_405 : i32 to index
        %parallel_loop3A_409 = tpu.vector_load %arg10[%parallel_loop3A_407, %parallel_loop3A_408] {strides = array<i32>} : memref<32x512xf32, #tpu.memory_space<vmem>>, vector<16xf32>,
        tpu.vector_store %arg10[%parallel_loop3A_407, %parallel_loop3A_408], %parallel_loop3A_252 {strides = array<i32>} : memref<32x512xf32, #tpu.memory_space<vmem>>, vector<16xf32>,
        %parallel_loop3A_410 = arith.constant 16 : i32
        %parallel_loop3A_411 = arith.muli %parallel_loop3A_223, %parallel_loop3A_410 : i32
        %parallel_loop3A_412 = arith.constant 25 : i32
        %parallel_loop3A_413 = arith.index_cast %parallel_loop3A_412 : i32 to index
        %parallel_loop3A_414 = arith.index_cast %parallel_loop3A_411 : i32 to index
        %parallel_loop3A_415 = tpu.vector_load %arg10[%parallel_loop3A_413, %parallel_loop3A_414] {strides = array<i32>} : memref<32x512xf32, #tpu.memory_space<vmem>>, vector<16xf32>,
        tpu.vector_store %arg10[%parallel_loop3A_413, %parallel_loop3A_414], %parallel_loop3A_253 {strides = array<i32>} : memref<32x512xf32, #tpu.memory_space<vmem>>, vector<16xf32>,
        %parallel_loop3A_416 = arith.constant 16 : i32
        %parallel_loop3A_417 = arith.muli %parallel_loop3A_223, %parallel_loop3A_416 : i32
        %parallel_loop3A_418 = arith.constant 26 : i32
        %parallel_loop3A_419 = arith.index_cast %parallel_loop3A_418 : i32 to index
        %parallel_loop3A_420 = arith.index_cast %parallel_loop3A_417 : i32 to index
        %parallel_loop3A_421 = tpu.vector_load %arg10[%parallel_loop3A_419, %parallel_loop3A_420] {strides = array<i32>} : memref<32x512xf32, #tpu.memory_space<vmem>>, vector<16xf32>,
        tpu.vector_store %arg10[%parallel_loop3A_419, %parallel_loop3A_420], %parallel_loop3A_254 {strides = array<i32>} : memref<32x512xf32, #tpu.memory_space<vmem>>, vector<16xf32>,
        %parallel_loop3A_422 = arith.constant 16 : i32
        %parallel_loop3A_423 = arith.muli %parallel_loop3A_223, %parallel_loop3A_422 : i32
        %parallel_loop3A_424 = arith.constant 27 : i32
        %parallel_loop3A_425 = arith.index_cast %parallel_loop3A_424 : i32 to index
        %parallel_loop3A_426 = arith.index_cast %parallel_loop3A_423 : i32 to index
        %parallel_loop3A_427 = tpu.vector_load %arg10[%parallel_loop3A_425, %parallel_loop3A_426] {strides = array<i32>} : memref<32x512xf32, #tpu.memory_space<vmem>>, vector<16xf32>,
        tpu.vector_store %arg10[%parallel_loop3A_425, %parallel_loop3A_426], %parallel_loop3A_255 {strides = array<i32>} : memref<32x512xf32, #tpu.memory_space<vmem>>, vector<16xf32>,
        %parallel_loop3A_428 = arith.constant 16 : i32
        %parallel_loop3A_429 = arith.muli %parallel_loop3A_223, %parallel_loop3A_428 : i32
        %parallel_loop3A_430 = arith.constant 28 : i32
        %parallel_loop3A_431 = arith.index_cast %parallel_loop3A_430 : i32 to index
        %parallel_loop3A_432 = arith.index_cast %parallel_loop3A_429 : i32 to index
        %parallel_loop3A_433 = tpu.vector_load %arg10[%parallel_loop3A_431, %parallel_loop3A_432] {strides = array<i32>} : memref<32x512xf32, #tpu.memory_space<vmem>>, vector<16xf32>,
        tpu.vector_store %arg10[%parallel_loop3A_431, %parallel_loop3A_432], %parallel_loop3A_256 {strides = array<i32>} : memref<32x512xf32, #tpu.memory_space<vmem>>, vector<16xf32>,
        %parallel_loop3A_434 = arith.constant 16 : i32
        %parallel_loop3A_435 = arith.muli %parallel_loop3A_223, %parallel_loop3A_434 : i32
        %parallel_loop3A_436 = arith.constant 29 : i32
        %parallel_loop3A_437 = arith.index_cast %parallel_loop3A_436 : i32 to index
        %parallel_loop3A_438 = arith.index_cast %parallel_loop3A_435 : i32 to index
        %parallel_loop3A_439 = tpu.vector_load %arg10[%parallel_loop3A_437, %parallel_loop3A_438] {strides = array<i32>} : memref<32x512xf32, #tpu.memory_space<vmem>>, vector<16xf32>,
        tpu.vector_store %arg10[%parallel_loop3A_437, %parallel_loop3A_438], %parallel_loop3A_257 {strides = array<i32>} : memref<32x512xf32, #tpu.memory_space<vmem>>, vector<16xf32>,
        %parallel_loop3A_440 = arith.constant 16 : i32
        %parallel_loop3A_441 = arith.muli %parallel_loop3A_223, %parallel_loop3A_440 : i32
        %parallel_loop3A_442 = arith.constant 30 : i32
        %parallel_loop3A_443 = arith.index_cast %parallel_loop3A_442 : i32 to index
        %parallel_loop3A_444 = arith.index_cast %parallel_loop3A_441 : i32 to index
        %parallel_loop3A_445 = tpu.vector_load %arg10[%parallel_loop3A_443, %parallel_loop3A_444] {strides = array<i32>} : memref<32x512xf32, #tpu.memory_space<vmem>>, vector<16xf32>,
        tpu.vector_store %arg10[%parallel_loop3A_443, %parallel_loop3A_444], %parallel_loop3A_258 {strides = array<i32>} : memref<32x512xf32, #tpu.memory_space<vmem>>, vector<16xf32>,
        %parallel_loop3A_446 = arith.constant 16 : i32
        %parallel_loop3A_447 = arith.muli %parallel_loop3A_223, %parallel_loop3A_446 : i32
        %parallel_loop3A_448 = arith.constant 31 : i32
        %parallel_loop3A_449 = arith.index_cast %parallel_loop3A_448 : i32 to index
        %parallel_loop3A_450 = arith.index_cast %parallel_loop3A_447 : i32 to index
        %parallel_loop3A_451 = tpu.vector_load %arg10[%parallel_loop3A_449, %parallel_loop3A_450] {strides = array<i32>} : memref<32x512xf32, #tpu.memory_space<vmem>>, vector<16xf32>,
        tpu.vector_store %arg10[%parallel_loop3A_449, %parallel_loop3A_450], %parallel_loop3A_259 {strides = array<i32>} : memref<32x512xf32, #tpu.memory_space<vmem>>, vector<16xf32>,
      } {sc.loop_unroll_factor = 2 : i64, sc.parallel_access}
      %dma_start3A_130 = arith.constant 0 : i32
      %dma_start3A_131 = tpu.memref_slice %arg4[%add3A_121, %dma_start3A_130, %mul3A_2] : memref<100x32x16384xf32, #tpu.memory_space<hbm>> -> memref<1x32x512xf32, #tpu.memory_space<hbm>>
      %dma_start3A_132 = tpu.memref_squeeze %dma_start3A_131 : memref<1x32x512xf32, #tpu.memory_space<hbm>> -> memref<32x512xf32, #tpu.memory_space<hbm>>
      %dma_start3A_133 = arith.constant 0 : i32
      %dma_start3A_134 = tpu.memref_slice %arg4[%add3A_121, %dma_start3A_133, %mul3A_2] : memref<100x32x16384xf32, #tpu.memory_space<hbm>> -> memref<1x32x512xf32, #tpu.memory_space<hbm>>
      %dma_start3A_135 = tpu.memref_squeeze %dma_start3A_134 : memref<1x32x512xf32, #tpu.memory_space<hbm>> -> memref<32x512xf32, #tpu.memory_space<hbm>>
      tpu.enqueue_dma source(%arg10 : memref<32x512xf32, #tpu.memory_space<vmem>>) target(%dma_start3A_135 : memref<32x512xf32, #tpu.memory_space<hbm>>) target_semaphore(%arg18 : memref<!tpu.dma_semaphore, #tpu.memory_space<semaphore_mem>>)
      %add3A_136 = arith.constant 4 : i32
      %add3A_137 = arith.addi %add3A_121, %add3A_136 : i32
      %lt3A = arith.constant 100 : i32
      %lt3A_138 = arith.cmpi slt, %add3A_137, %lt3A : i32
      %convert_element_type3A_139 = arith.extui %lt3A_138 : i1 to i32
      %cond3A_140 = arith.constant 0 : i32
      %cond3A_141 = arith.cmpi ne, %convert_element_type3A_139, %cond3A_140 : i32
      scf.if %cond3A_141 {
        %add3A_223 = arith.constant 4 : i32
        %add3A_224 = arith.addi %add3A_121, %add3A_223 : i32
        %dma_start3A_225 = tpu.memref_slice %arg3[%add3A_224, %mul3A_2] : memref<100x16384xi32, #tpu.memory_space<hbm>> -> memref<1x512xi32, #tpu.memory_space<hbm>>
        %dma_start3A_226 = tpu.memref_squeeze %dma_start3A_225 : memref<1x512xi32, #tpu.memory_space<hbm>> -> memref<512xi32, #tpu.memory_space<hbm>>
        %dma_start3A_227 = tpu.memref_slice %arg3[%add3A_224, %mul3A_2] : memref<100x16384xi32, #tpu.memory_space<hbm>> -> memref<1x512xi32, #tpu.memory_space<hbm>>
        %dma_start3A_228 = tpu.memref_squeeze %dma_start3A_227 : memref<1x512xi32, #tpu.memory_space<hbm>> -> memref<512xi32, #tpu.memory_space<hbm>>
        tpu.enqueue_dma source(%dma_start3A_228 : memref<512xi32, #tpu.memory_space<hbm>>) target(%arg6 : memref<512xi32, #tpu.memory_space<vmem>>) target_semaphore(%arg14 : memref<!tpu.dma_semaphore, #tpu.memory_space<semaphore_mem>>)
      } else {
      }
      %add3A_142 = arith.constant 1 : i32
      %add3A_143 = arith.addi %mul3A_119, %add3A_142 : i32
      %dma_wait3A_144 = tpu.memref_slice %arg3[%add3A_143, %mul3A_2] : memref<100x16384xi32, #tpu.memory_space<hbm>> -> memref<1x512xi32, #tpu.memory_space<hbm>>
      %dma_wait3A_145 = tpu.memref_squeeze %dma_wait3A_144 : memref<1x512xi32, #tpu.memory_space<hbm>> -> memref<512xi32, #tpu.memory_space<hbm>>
      %dma_wait3A_146 = tpu.memref_slice %arg3[%add3A_143, %mul3A_2] : memref<100x16384xi32, #tpu.memory_space<hbm>> -> memref<1x512xi32, #tpu.memory_space<hbm>>
      %dma_wait3A_147 = tpu.memref_squeeze %dma_wait3A_146 : memref<1x512xi32, #tpu.memory_space<hbm>> -> memref<512xi32, #tpu.memory_space<hbm>>
      tpu.wait_dma2 semaphore(%arg15 : memref<!tpu.dma_semaphore, #tpu.memory_space<semaphore_mem>>) src(%dma_wait3A_147 : memref<512xi32, #tpu.memory_space<hbm>>) dst(%arg7 : memref<512xi32, #tpu.memory_space<vmem>>)
      %gt3A_148 = arith.constant 0 : i32
      %gt3A_149 = arith.cmpi sgt, %scan3A_117, %gt3A_148 : i32
      %convert_element_type3A_150 = arith.extui %gt3A_149 : i1 to i32
      %cond3A_151 = arith.constant 0 : i32
      %cond3A_152 = arith.cmpi ne, %convert_element_type3A_150, %cond3A_151 : i32
      scf.if %cond3A_152 {
        %sub3A = arith.constant 4 : i32
        %sub3A_223 = arith.subi %add3A_143, %sub3A : i32
        %dma_wait3A_224 = arith.constant 0 : i32
        %dma_wait3A_225 = tpu.memref_slice %arg4[%sub3A_223, %dma_wait3A_224, %mul3A_2] : memref<100x32x16384xf32, #tpu.memory_space<hbm>> -> memref<1x32x512xf32, #tpu.memory_space<hbm>>
        %dma_wait3A_226 = tpu.memref_squeeze %dma_wait3A_225 : memref<1x32x512xf32, #tpu.memory_space<hbm>> -> memref<32x512xf32, #tpu.memory_space<hbm>>
        %dma_wait3A_227 = arith.constant 0 : i32
        %dma_wait3A_228 = tpu.memref_slice %arg4[%sub3A_223, %dma_wait3A_227, %mul3A_2] : memref<100x32x16384xf32, #tpu.memory_space<hbm>> -> memref<1x32x512xf32, #tpu.memory_space<hbm>>
        %dma_wait3A_229 = tpu.memref_squeeze %dma_wait3A_228 : memref<1x32x512xf32, #tpu.memory_space<hbm>> -> memref<32x512xf32, #tpu.memory_space<hbm>>
        tpu.wait_dma2 semaphore(%arg19 : memref<!tpu.dma_semaphore, #tpu.memory_space<semaphore_mem>>) src(%arg11 : memref<32x512xf32, #tpu.memory_space<vmem>>) dst(%dma_wait3A_229 : memref<32x512xf32, #tpu.memory_space<hbm>>)
      } else {
      }
      %parallel_loop3A_153 = arith.constant 0 : i32
      %parallel_loop3A_154 = arith.constant 32 : i32
      %parallel_loop3A_155 = arith.constant 1 : i32
      scf.for %parallel_loop3A_223 = %parallel_loop3A_153 to %parallel_loop3A_154 step %parallel_loop3A_155  : i32 {
        %parallel_loop3A_224 = arith.constant 16 : i32
        %parallel_loop3A_225 = arith.muli %parallel_loop3A_223, %parallel_loop3A_224 : i32
        %parallel_loop3A_226 = arith.index_cast %parallel_loop3A_225 : i32 to index
        %parallel_loop3A_227 = tpu.vector_load %arg7[%parallel_loop3A_226] {strides = array<i32>} : memref<512xi32, #tpu.memory_space<vmem>>, vector<16xi32>,
        %parallel_loop3A_228 = tpu.vector_load_idx %arg5[%broadcast_in_dim3A_3, %parallel_loop3A_227] : memref<32x1000xf32, #tpu.memory_space<vmem>>[vector<16xi32>, vector<16xi32>], vector<16xf32>,
        %parallel_loop3A_229 = tpu.vector_load_idx %arg5[%broadcast_in_dim3A_5, %parallel_loop3A_227] : memref<32x1000xf32, #tpu.memory_space<vmem>>[vector<16xi32>, vector<16xi32>], vector<16xf32>,
        %parallel_loop3A_230 = tpu.vector_load_idx %arg5[%broadcast_in_dim3A_7, %parallel_loop3A_227] : memref<32x1000xf32, #tpu.memory_space<vmem>>[vector<16xi32>, vector<16xi32>], vector<16xf32>,
        %parallel_loop3A_231 = tpu.vector_load_idx %arg5[%broadcast_in_dim3A_9, %parallel_loop3A_227] : memref<32x1000xf32, #tpu.memory_space<vmem>>[vector<16xi32>, vector<16xi32>], vector<16xf32>,
        %parallel_loop3A_232 = tpu.vector_load_idx %arg5[%broadcast_in_dim3A_11, %parallel_loop3A_227] : memref<32x1000xf32, #tpu.memory_space<vmem>>[vector<16xi32>, vector<16xi32>], vector<16xf32>,
        %parallel_loop3A_233 = tpu.vector_load_idx %arg5[%broadcast_in_dim3A_13, %parallel_loop3A_227] : memref<32x1000xf32, #tpu.memory_space<vmem>>[vector<16xi32>, vector<16xi32>], vector<16xf32>,
        %parallel_loop3A_234 = tpu.vector_load_idx %arg5[%broadcast_in_dim3A_15, %parallel_loop3A_227] : memref<32x1000xf32, #tpu.memory_space<vmem>>[vector<16xi32>, vector<16xi32>], vector<16xf32>,
        %parallel_loop3A_235 = tpu.vector_load_idx %arg5[%broadcast_in_dim3A_17, %parallel_loop3A_227] : memref<32x1000xf32, #tpu.memory_space<vmem>>[vector<16xi32>, vector<16xi32>], vector<16xf32>,
        %parallel_loop3A_236 = tpu.vector_load_idx %arg5[%broadcast_in_dim3A_19, %parallel_loop3A_227] : memref<32x1000xf32, #tpu.memory_space<vmem>>[vector<16xi32>, vector<16xi32>], vector<16xf32>,
        %parallel_loop3A_237 = tpu.vector_load_idx %arg5[%broadcast_in_dim3A_21, %parallel_loop3A_227] : memref<32x1000xf32, #tpu.memory_space<vmem>>[vector<16xi32>, vector<16xi32>], vector<16xf32>,
        %parallel_loop3A_238 = tpu.vector_load_idx %arg5[%broadcast_in_dim3A_23, %parallel_loop3A_227] : memref<32x1000xf32, #tpu.memory_space<vmem>>[vector<16xi32>, vector<16xi32>], vector<16xf32>,
        %parallel_loop3A_239 = tpu.vector_load_idx %arg5[%broadcast_in_dim3A_25, %parallel_loop3A_227] : memref<32x1000xf32, #tpu.memory_space<vmem>>[vector<16xi32>, vector<16xi32>], vector<16xf32>,
        %parallel_loop3A_240 = tpu.vector_load_idx %arg5[%broadcast_in_dim3A_27, %parallel_loop3A_227] : memref<32x1000xf32, #tpu.memory_space<vmem>>[vector<16xi32>, vector<16xi32>], vector<16xf32>,
        %parallel_loop3A_241 = tpu.vector_load_idx %arg5[%broadcast_in_dim3A_29, %parallel_loop3A_227] : memref<32x1000xf32, #tpu.memory_space<vmem>>[vector<16xi32>, vector<16xi32>], vector<16xf32>,
        %parallel_loop3A_242 = tpu.vector_load_idx %arg5[%broadcast_in_dim3A_31, %parallel_loop3A_227] : memref<32x1000xf32, #tpu.memory_space<vmem>>[vector<16xi32>, vector<16xi32>], vector<16xf32>,
        %parallel_loop3A_243 = tpu.vector_load_idx %arg5[%broadcast_in_dim3A_33, %parallel_loop3A_227] : memref<32x1000xf32, #tpu.memory_space<vmem>>[vector<16xi32>, vector<16xi32>], vector<16xf32>,
        %parallel_loop3A_244 = tpu.vector_load_idx %arg5[%broadcast_in_dim3A_35, %parallel_loop3A_227] : memref<32x1000xf32, #tpu.memory_space<vmem>>[vector<16xi32>, vector<16xi32>], vector<16xf32>,
        %parallel_loop3A_245 = tpu.vector_load_idx %arg5[%broadcast_in_dim3A_37, %parallel_loop3A_227] : memref<32x1000xf32, #tpu.memory_space<vmem>>[vector<16xi32>, vector<16xi32>], vector<16xf32>,
        %parallel_loop3A_246 = tpu.vector_load_idx %arg5[%broadcast_in_dim3A_39, %parallel_loop3A_227] : memref<32x1000xf32, #tpu.memory_space<vmem>>[vector<16xi32>, vector<16xi32>], vector<16xf32>,
        %parallel_loop3A_247 = tpu.vector_load_idx %arg5[%broadcast_in_dim3A_41, %parallel_loop3A_227] : memref<32x1000xf32, #tpu.memory_space<vmem>>[vector<16xi32>, vector<16xi32>], vector<16xf32>,
        %parallel_loop3A_248 = tpu.vector_load_idx %arg5[%broadcast_in_dim3A_43, %parallel_loop3A_227] : memref<32x1000xf32, #tpu.memory_space<vmem>>[vector<16xi32>, vector<16xi32>], vector<16xf32>,
        %parallel_loop3A_249 = tpu.vector_load_idx %arg5[%broadcast_in_dim3A_45, %parallel_loop3A_227] : memref<32x1000xf32, #tpu.memory_space<vmem>>[vector<16xi32>, vector<16xi32>], vector<16xf32>,
        %parallel_loop3A_250 = tpu.vector_load_idx %arg5[%broadcast_in_dim3A_47, %parallel_loop3A_227] : memref<32x1000xf32, #tpu.memory_space<vmem>>[vector<16xi32>, vector<16xi32>], vector<16xf32>,
        %parallel_loop3A_251 = tpu.vector_load_idx %arg5[%broadcast_in_dim3A_49, %parallel_loop3A_227] : memref<32x1000xf32, #tpu.memory_space<vmem>>[vector<16xi32>, vector<16xi32>], vector<16xf32>,
        %parallel_loop3A_252 = tpu.vector_load_idx %arg5[%broadcast_in_dim3A_51, %parallel_loop3A_227] : memref<32x1000xf32, #tpu.memory_space<vmem>>[vector<16xi32>, vector<16xi32>], vector<16xf32>,
        %parallel_loop3A_253 = tpu.vector_load_idx %arg5[%broadcast_in_dim3A_53, %parallel_loop3A_227] : memref<32x1000xf32, #tpu.memory_space<vmem>>[vector<16xi32>, vector<16xi32>], vector<16xf32>,
        %parallel_loop3A_254 = tpu.vector_load_idx %arg5[%broadcast_in_dim3A_55, %parallel_loop3A_227] : memref<32x1000xf32, #tpu.memory_space<vmem>>[vector<16xi32>, vector<16xi32>], vector<16xf32>,
        %parallel_loop3A_255 = tpu.vector_load_idx %arg5[%broadcast_in_dim3A_57, %parallel_loop3A_227] : memref<32x1000xf32, #tpu.memory_space<vmem>>[vector<16xi32>, vector<16xi32>], vector<16xf32>,
        %parallel_loop3A_256 = tpu.vector_load_idx %arg5[%broadcast_in_dim3A_59, %parallel_loop3A_227] : memref<32x1000xf32, #tpu.memory_space<vmem>>[vector<16xi32>, vector<16xi32>], vector<16xf32>,
        %parallel_loop3A_257 = tpu.vector_load_idx %arg5[%broadcast_in_dim3A_61, %parallel_loop3A_227] : memref<32x1000xf32, #tpu.memory_space<vmem>>[vector<16xi32>, vector<16xi32>], vector<16xf32>,
        %parallel_loop3A_258 = tpu.vector_load_idx %arg5[%broadcast_in_dim3A_63, %parallel_loop3A_227] : memref<32x1000xf32, #tpu.memory_space<vmem>>[vector<16xi32>, vector<16xi32>], vector<16xf32>,
        %parallel_loop3A_259 = tpu.vector_load_idx %arg5[%broadcast_in_dim3A_65, %parallel_loop3A_227] : memref<32x1000xf32, #tpu.memory_space<vmem>>[vector<16xi32>, vector<16xi32>], vector<16xf32>,
        %parallel_loop3A_260 = arith.constant 16 : i32
        %parallel_loop3A_261 = arith.muli %parallel_loop3A_223, %parallel_loop3A_260 : i32
        %parallel_loop3A_262 = arith.constant 0 : i32
        %parallel_loop3A_263 = arith.index_cast %parallel_loop3A_262 : i32 to index
        %parallel_loop3A_264 = arith.index_cast %parallel_loop3A_261 : i32 to index
        %parallel_loop3A_265 = tpu.vector_load %arg11[%parallel_loop3A_263, %parallel_loop3A_264] {strides = array<i32>} : memref<32x512xf32, #tpu.memory_space<vmem>>, vector<16xf32>,
        tpu.vector_store %arg11[%parallel_loop3A_263, %parallel_loop3A_264], %parallel_loop3A_228 {strides = array<i32>} : memref<32x512xf32, #tpu.memory_space<vmem>>, vector<16xf32>,
        %parallel_loop3A_266 = arith.constant 16 : i32
        %parallel_loop3A_267 = arith.muli %parallel_loop3A_223, %parallel_loop3A_266 : i32
        %parallel_loop3A_268 = arith.constant 1 : i32
        %parallel_loop3A_269 = arith.index_cast %parallel_loop3A_268 : i32 to index
        %parallel_loop3A_270 = arith.index_cast %parallel_loop3A_267 : i32 to index
        %parallel_loop3A_271 = tpu.vector_load %arg11[%parallel_loop3A_269, %parallel_loop3A_270] {strides = array<i32>} : memref<32x512xf32, #tpu.memory_space<vmem>>, vector<16xf32>,
        tpu.vector_store %arg11[%parallel_loop3A_269, %parallel_loop3A_270], %parallel_loop3A_229 {strides = array<i32>} : memref<32x512xf32, #tpu.memory_space<vmem>>, vector<16xf32>,
        %parallel_loop3A_272 = arith.constant 16 : i32
        %parallel_loop3A_273 = arith.muli %parallel_loop3A_223, %parallel_loop3A_272 : i32
        %parallel_loop3A_274 = arith.constant 2 : i32
        %parallel_loop3A_275 = arith.index_cast %parallel_loop3A_274 : i32 to index
        %parallel_loop3A_276 = arith.index_cast %parallel_loop3A_273 : i32 to index
        %parallel_loop3A_277 = tpu.vector_load %arg11[%parallel_loop3A_275, %parallel_loop3A_276] {strides = array<i32>} : memref<32x512xf32, #tpu.memory_space<vmem>>, vector<16xf32>,
        tpu.vector_store %arg11[%parallel_loop3A_275, %parallel_loop3A_276], %parallel_loop3A_230 {strides = array<i32>} : memref<32x512xf32, #tpu.memory_space<vmem>>, vector<16xf32>,
        %parallel_loop3A_278 = arith.constant 16 : i32
        %parallel_loop3A_279 = arith.muli %parallel_loop3A_223, %parallel_loop3A_278 : i32
        %parallel_loop3A_280 = arith.constant 3 : i32
        %parallel_loop3A_281 = arith.index_cast %parallel_loop3A_280 : i32 to index
        %parallel_loop3A_282 = arith.index_cast %parallel_loop3A_279 : i32 to index
        %parallel_loop3A_283 = tpu.vector_load %arg11[%parallel_loop3A_281, %parallel_loop3A_282] {strides = array<i32>} : memref<32x512xf32, #tpu.memory_space<vmem>>, vector<16xf32>,
        tpu.vector_store %arg11[%parallel_loop3A_281, %parallel_loop3A_282], %parallel_loop3A_231 {strides = array<i32>} : memref<32x512xf32, #tpu.memory_space<vmem>>, vector<16xf32>,
        %parallel_loop3A_284 = arith.constant 16 : i32
        %parallel_loop3A_285 = arith.muli %parallel_loop3A_223, %parallel_loop3A_284 : i32
        %parallel_loop3A_286 = arith.constant 4 : i32
        %parallel_loop3A_287 = arith.index_cast %parallel_loop3A_286 : i32 to index
        %parallel_loop3A_288 = arith.index_cast %parallel_loop3A_285 : i32 to index
        %parallel_loop3A_289 = tpu.vector_load %arg11[%parallel_loop3A_287, %parallel_loop3A_288] {strides = array<i32>} : memref<32x512xf32, #tpu.memory_space<vmem>>, vector<16xf32>,
        tpu.vector_store %arg11[%parallel_loop3A_287, %parallel_loop3A_288], %parallel_loop3A_232 {strides = array<i32>} : memref<32x512xf32, #tpu.memory_space<vmem>>, vector<16xf32>,
        %parallel_loop3A_290 = arith.constant 16 : i32
        %parallel_loop3A_291 = arith.muli %parallel_loop3A_223, %parallel_loop3A_290 : i32
        %parallel_loop3A_292 = arith.constant 5 : i32
        %parallel_loop3A_293 = arith.index_cast %parallel_loop3A_292 : i32 to index
        %parallel_loop3A_294 = arith.index_cast %parallel_loop3A_291 : i32 to index
        %parallel_loop3A_295 = tpu.vector_load %arg11[%parallel_loop3A_293, %parallel_loop3A_294] {strides = array<i32>} : memref<32x512xf32, #tpu.memory_space<vmem>>, vector<16xf32>,
        tpu.vector_store %arg11[%parallel_loop3A_293, %parallel_loop3A_294], %parallel_loop3A_233 {strides = array<i32>} : memref<32x512xf32, #tpu.memory_space<vmem>>, vector<16xf32>,
        %parallel_loop3A_296 = arith.constant 16 : i32
        %parallel_loop3A_297 = arith.muli %parallel_loop3A_223, %parallel_loop3A_296 : i32
        %parallel_loop3A_298 = arith.constant 6 : i32
        %parallel_loop3A_299 = arith.index_cast %parallel_loop3A_298 : i32 to index
        %parallel_loop3A_300 = arith.index_cast %parallel_loop3A_297 : i32 to index
        %parallel_loop3A_301 = tpu.vector_load %arg11[%parallel_loop3A_299, %parallel_loop3A_300] {strides = array<i32>} : memref<32x512xf32, #tpu.memory_space<vmem>>, vector<16xf32>,
        tpu.vector_store %arg11[%parallel_loop3A_299, %parallel_loop3A_300], %parallel_loop3A_234 {strides = array<i32>} : memref<32x512xf32, #tpu.memory_space<vmem>>, vector<16xf32>,
        %parallel_loop3A_302 = arith.constant 16 : i32
        %parallel_loop3A_303 = arith.muli %parallel_loop3A_223, %parallel_loop3A_302 : i32
        %parallel_loop3A_304 = arith.constant 7 : i32
        %parallel_loop3A_305 = arith.index_cast %parallel_loop3A_304 : i32 to index
        %parallel_loop3A_306 = arith.index_cast %parallel_loop3A_303 : i32 to index
        %parallel_loop3A_307 = tpu.vector_load %arg11[%parallel_loop3A_305, %parallel_loop3A_306] {strides = array<i32>} : memref<32x512xf32, #tpu.memory_space<vmem>>, vector<16xf32>,
        tpu.vector_store %arg11[%parallel_loop3A_305, %parallel_loop3A_306], %parallel_loop3A_235 {strides = array<i32>} : memref<32x512xf32, #tpu.memory_space<vmem>>, vector<16xf32>,
        %parallel_loop3A_308 = arith.constant 16 : i32
        %parallel_loop3A_309 = arith.muli %parallel_loop3A_223, %parallel_loop3A_308 : i32
        %parallel_loop3A_310 = arith.constant 8 : i32
        %parallel_loop3A_311 = arith.index_cast %parallel_loop3A_310 : i32 to index
        %parallel_loop3A_312 = arith.index_cast %parallel_loop3A_309 : i32 to index
        %parallel_loop3A_313 = tpu.vector_load %arg11[%parallel_loop3A_311, %parallel_loop3A_312] {strides = array<i32>} : memref<32x512xf32, #tpu.memory_space<vmem>>, vector<16xf32>,
        tpu.vector_store %arg11[%parallel_loop3A_311, %parallel_loop3A_312], %parallel_loop3A_236 {strides = array<i32>} : memref<32x512xf32, #tpu.memory_space<vmem>>, vector<16xf32>,
        %parallel_loop3A_314 = arith.constant 16 : i32
        %parallel_loop3A_315 = arith.muli %parallel_loop3A_223, %parallel_loop3A_314 : i32
        %parallel_loop3A_316 = arith.constant 9 : i32
        %parallel_loop3A_317 = arith.index_cast %parallel_loop3A_316 : i32 to index
        %parallel_loop3A_318 = arith.index_cast %parallel_loop3A_315 : i32 to index
        %parallel_loop3A_319 = tpu.vector_load %arg11[%parallel_loop3A_317, %parallel_loop3A_318] {strides = array<i32>} : memref<32x512xf32, #tpu.memory_space<vmem>>, vector<16xf32>,
        tpu.vector_store %arg11[%parallel_loop3A_317, %parallel_loop3A_318], %parallel_loop3A_237 {strides = array<i32>} : memref<32x512xf32, #tpu.memory_space<vmem>>, vector<16xf32>,
        %parallel_loop3A_320 = arith.constant 16 : i32
        %parallel_loop3A_321 = arith.muli %parallel_loop3A_223, %parallel_loop3A_320 : i32
        %parallel_loop3A_322 = arith.constant 10 : i32
        %parallel_loop3A_323 = arith.index_cast %parallel_loop3A_322 : i32 to index
        %parallel_loop3A_324 = arith.index_cast %parallel_loop3A_321 : i32 to index
        %parallel_loop3A_325 = tpu.vector_load %arg11[%parallel_loop3A_323, %parallel_loop3A_324] {strides = array<i32>} : memref<32x512xf32, #tpu.memory_space<vmem>>, vector<16xf32>,
        tpu.vector_store %arg11[%parallel_loop3A_323, %parallel_loop3A_324], %parallel_loop3A_238 {strides = array<i32>} : memref<32x512xf32, #tpu.memory_space<vmem>>, vector<16xf32>,
        %parallel_loop3A_326 = arith.constant 16 : i32
        %parallel_loop3A_327 = arith.muli %parallel_loop3A_223, %parallel_loop3A_326 : i32
        %parallel_loop3A_328 = arith.constant 11 : i32
        %parallel_loop3A_329 = arith.index_cast %parallel_loop3A_328 : i32 to index
        %parallel_loop3A_330 = arith.index_cast %parallel_loop3A_327 : i32 to index
        %parallel_loop3A_331 = tpu.vector_load %arg11[%parallel_loop3A_329, %parallel_loop3A_330] {strides = array<i32>} : memref<32x512xf32, #tpu.memory_space<vmem>>, vector<16xf32>,
        tpu.vector_store %arg11[%parallel_loop3A_329, %parallel_loop3A_330], %parallel_loop3A_239 {strides = array<i32>} : memref<32x512xf32, #tpu.memory_space<vmem>>, vector<16xf32>,
        %parallel_loop3A_332 = arith.constant 16 : i32
        %parallel_loop3A_333 = arith.muli %parallel_loop3A_223, %parallel_loop3A_332 : i32
        %parallel_loop3A_334 = arith.constant 12 : i32
        %parallel_loop3A_335 = arith.index_cast %parallel_loop3A_334 : i32 to index
        %parallel_loop3A_336 = arith.index_cast %parallel_loop3A_333 : i32 to index
        %parallel_loop3A_337 = tpu.vector_load %arg11[%parallel_loop3A_335, %parallel_loop3A_336] {strides = array<i32>} : memref<32x512xf32, #tpu.memory_space<vmem>>, vector<16xf32>,
        tpu.vector_store %arg11[%parallel_loop3A_335, %parallel_loop3A_336], %parallel_loop3A_240 {strides = array<i32>} : memref<32x512xf32, #tpu.memory_space<vmem>>, vector<16xf32>,
        %parallel_loop3A_338 = arith.constant 16 : i32
        %parallel_loop3A_339 = arith.muli %parallel_loop3A_223, %parallel_loop3A_338 : i32
        %parallel_loop3A_340 = arith.constant 13 : i32
        %parallel_loop3A_341 = arith.index_cast %parallel_loop3A_340 : i32 to index
        %parallel_loop3A_342 = arith.index_cast %parallel_loop3A_339 : i32 to index
        %parallel_loop3A_343 = tpu.vector_load %arg11[%parallel_loop3A_341, %parallel_loop3A_342] {strides = array<i32>} : memref<32x512xf32, #tpu.memory_space<vmem>>, vector<16xf32>,
        tpu.vector_store %arg11[%parallel_loop3A_341, %parallel_loop3A_342], %parallel_loop3A_241 {strides = array<i32>} : memref<32x512xf32, #tpu.memory_space<vmem>>, vector<16xf32>,
        %parallel_loop3A_344 = arith.constant 16 : i32
        %parallel_loop3A_345 = arith.muli %parallel_loop3A_223, %parallel_loop3A_344 : i32
        %parallel_loop3A_346 = arith.constant 14 : i32
        %parallel_loop3A_347 = arith.index_cast %parallel_loop3A_346 : i32 to index
        %parallel_loop3A_348 = arith.index_cast %parallel_loop3A_345 : i32 to index
        %parallel_loop3A_349 = tpu.vector_load %arg11[%parallel_loop3A_347, %parallel_loop3A_348] {strides = array<i32>} : memref<32x512xf32, #tpu.memory_space<vmem>>, vector<16xf32>,
        tpu.vector_store %arg11[%parallel_loop3A_347, %parallel_loop3A_348], %parallel_loop3A_242 {strides = array<i32>} : memref<32x512xf32, #tpu.memory_space<vmem>>, vector<16xf32>,
        %parallel_loop3A_350 = arith.constant 16 : i32
        %parallel_loop3A_351 = arith.muli %parallel_loop3A_223, %parallel_loop3A_350 : i32
        %parallel_loop3A_352 = arith.constant 15 : i32
        %parallel_loop3A_353 = arith.index_cast %parallel_loop3A_352 : i32 to index
        %parallel_loop3A_354 = arith.index_cast %parallel_loop3A_351 : i32 to index
        %parallel_loop3A_355 = tpu.vector_load %arg11[%parallel_loop3A_353, %parallel_loop3A_354] {strides = array<i32>} : memref<32x512xf32, #tpu.memory_space<vmem>>, vector<16xf32>,
        tpu.vector_store %arg11[%parallel_loop3A_353, %parallel_loop3A_354], %parallel_loop3A_243 {strides = array<i32>} : memref<32x512xf32, #tpu.memory_space<vmem>>, vector<16xf32>,
        %parallel_loop3A_356 = arith.constant 16 : i32
        %parallel_loop3A_357 = arith.muli %parallel_loop3A_223, %parallel_loop3A_356 : i32
        %parallel_loop3A_358 = arith.constant 16 : i32
        %parallel_loop3A_359 = arith.index_cast %parallel_loop3A_358 : i32 to index
        %parallel_loop3A_360 = arith.index_cast %parallel_loop3A_357 : i32 to index
        %parallel_loop3A_361 = tpu.vector_load %arg11[%parallel_loop3A_359, %parallel_loop3A_360] {strides = array<i32>} : memref<32x512xf32, #tpu.memory_space<vmem>>, vector<16xf32>,
        tpu.vector_store %arg11[%parallel_loop3A_359, %parallel_loop3A_360], %parallel_loop3A_244 {strides = array<i32>} : memref<32x512xf32, #tpu.memory_space<vmem>>, vector<16xf32>,
        %parallel_loop3A_362 = arith.constant 16 : i32
        %parallel_loop3A_363 = arith.muli %parallel_loop3A_223, %parallel_loop3A_362 : i32
        %parallel_loop3A_364 = arith.constant 17 : i32
        %parallel_loop3A_365 = arith.index_cast %parallel_loop3A_364 : i32 to index
        %parallel_loop3A_366 = arith.index_cast %parallel_loop3A_363 : i32 to index
        %parallel_loop3A_367 = tpu.vector_load %arg11[%parallel_loop3A_365, %parallel_loop3A_366] {strides = array<i32>} : memref<32x512xf32, #tpu.memory_space<vmem>>, vector<16xf32>,
        tpu.vector_store %arg11[%parallel_loop3A_365, %parallel_loop3A_366], %parallel_loop3A_245 {strides = array<i32>} : memref<32x512xf32, #tpu.memory_space<vmem>>, vector<16xf32>,
        %parallel_loop3A_368 = arith.constant 16 : i32
        %parallel_loop3A_369 = arith.muli %parallel_loop3A_223, %parallel_loop3A_368 : i32
        %parallel_loop3A_370 = arith.constant 18 : i32
        %parallel_loop3A_371 = arith.index_cast %parallel_loop3A_370 : i32 to index
        %parallel_loop3A_372 = arith.index_cast %parallel_loop3A_369 : i32 to index
        %parallel_loop3A_373 = tpu.vector_load %arg11[%parallel_loop3A_371, %parallel_loop3A_372] {strides = array<i32>} : memref<32x512xf32, #tpu.memory_space<vmem>>, vector<16xf32>,
        tpu.vector_store %arg11[%parallel_loop3A_371, %parallel_loop3A_372], %parallel_loop3A_246 {strides = array<i32>} : memref<32x512xf32, #tpu.memory_space<vmem>>, vector<16xf32>,
        %parallel_loop3A_374 = arith.constant 16 : i32
        %parallel_loop3A_375 = arith.muli %parallel_loop3A_223, %parallel_loop3A_374 : i32
        %parallel_loop3A_376 = arith.constant 19 : i32
        %parallel_loop3A_377 = arith.index_cast %parallel_loop3A_376 : i32 to index
        %parallel_loop3A_378 = arith.index_cast %parallel_loop3A_375 : i32 to index
        %parallel_loop3A_379 = tpu.vector_load %arg11[%parallel_loop3A_377, %parallel_loop3A_378] {strides = array<i32>} : memref<32x512xf32, #tpu.memory_space<vmem>>, vector<16xf32>,
        tpu.vector_store %arg11[%parallel_loop3A_377, %parallel_loop3A_378], %parallel_loop3A_247 {strides = array<i32>} : memref<32x512xf32, #tpu.memory_space<vmem>>, vector<16xf32>,
        %parallel_loop3A_380 = arith.constant 16 : i32
        %parallel_loop3A_381 = arith.muli %parallel_loop3A_223, %parallel_loop3A_380 : i32
        %parallel_loop3A_382 = arith.constant 20 : i32
        %parallel_loop3A_383 = arith.index_cast %parallel_loop3A_382 : i32 to index
        %parallel_loop3A_384 = arith.index_cast %parallel_loop3A_381 : i32 to index
        %parallel_loop3A_385 = tpu.vector_load %arg11[%parallel_loop3A_383, %parallel_loop3A_384] {strides = array<i32>} : memref<32x512xf32, #tpu.memory_space<vmem>>, vector<16xf32>,
        tpu.vector_store %arg11[%parallel_loop3A_383, %parallel_loop3A_384], %parallel_loop3A_248 {strides = array<i32>} : memref<32x512xf32, #tpu.memory_space<vmem>>, vector<16xf32>,
        %parallel_loop3A_386 = arith.constant 16 : i32
        %parallel_loop3A_387 = arith.muli %parallel_loop3A_223, %parallel_loop3A_386 : i32
        %parallel_loop3A_388 = arith.constant 21 : i32
        %parallel_loop3A_389 = arith.index_cast %parallel_loop3A_388 : i32 to index
        %parallel_loop3A_390 = arith.index_cast %parallel_loop3A_387 : i32 to index
        %parallel_loop3A_391 = tpu.vector_load %arg11[%parallel_loop3A_389, %parallel_loop3A_390] {strides = array<i32>} : memref<32x512xf32, #tpu.memory_space<vmem>>, vector<16xf32>,
        tpu.vector_store %arg11[%parallel_loop3A_389, %parallel_loop3A_390], %parallel_loop3A_249 {strides = array<i32>} : memref<32x512xf32, #tpu.memory_space<vmem>>, vector<16xf32>,
        %parallel_loop3A_392 = arith.constant 16 : i32
        %parallel_loop3A_393 = arith.muli %parallel_loop3A_223, %parallel_loop3A_392 : i32
        %parallel_loop3A_394 = arith.constant 22 : i32
        %parallel_loop3A_395 = arith.index_cast %parallel_loop3A_394 : i32 to index
        %parallel_loop3A_396 = arith.index_cast %parallel_loop3A_393 : i32 to index
        %parallel_loop3A_397 = tpu.vector_load %arg11[%parallel_loop3A_395, %parallel_loop3A_396] {strides = array<i32>} : memref<32x512xf32, #tpu.memory_space<vmem>>, vector<16xf32>,
        tpu.vector_store %arg11[%parallel_loop3A_395, %parallel_loop3A_396], %parallel_loop3A_250 {strides = array<i32>} : memref<32x512xf32, #tpu.memory_space<vmem>>, vector<16xf32>,
        %parallel_loop3A_398 = arith.constant 16 : i32
        %parallel_loop3A_399 = arith.muli %parallel_loop3A_223, %parallel_loop3A_398 : i32
        %parallel_loop3A_400 = arith.constant 23 : i32
        %parallel_loop3A_401 = arith.index_cast %parallel_loop3A_400 : i32 to index
        %parallel_loop3A_402 = arith.index_cast %parallel_loop3A_399 : i32 to index
        %parallel_loop3A_403 = tpu.vector_load %arg11[%parallel_loop3A_401, %parallel_loop3A_402] {strides = array<i32>} : memref<32x512xf32, #tpu.memory_space<vmem>>, vector<16xf32>,
        tpu.vector_store %arg11[%parallel_loop3A_401, %parallel_loop3A_402], %parallel_loop3A_251 {strides = array<i32>} : memref<32x512xf32, #tpu.memory_space<vmem>>, vector<16xf32>,
        %parallel_loop3A_404 = arith.constant 16 : i32
        %parallel_loop3A_405 = arith.muli %parallel_loop3A_223, %parallel_loop3A_404 : i32
        %parallel_loop3A_406 = arith.constant 24 : i32
        %parallel_loop3A_407 = arith.index_cast %parallel_loop3A_406 : i32 to index
        %parallel_loop3A_408 = arith.index_cast %parallel_loop3A_405 : i32 to index
        %parallel_loop3A_409 = tpu.vector_load %arg11[%parallel_loop3A_407, %parallel_loop3A_408] {strides = array<i32>} : memref<32x512xf32, #tpu.memory_space<vmem>>, vector<16xf32>,
        tpu.vector_store %arg11[%parallel_loop3A_407, %parallel_loop3A_408], %parallel_loop3A_252 {strides = array<i32>} : memref<32x512xf32, #tpu.memory_space<vmem>>, vector<16xf32>,
        %parallel_loop3A_410 = arith.constant 16 : i32
        %parallel_loop3A_411 = arith.muli %parallel_loop3A_223, %parallel_loop3A_410 : i32
        %parallel_loop3A_412 = arith.constant 25 : i32
        %parallel_loop3A_413 = arith.index_cast %parallel_loop3A_412 : i32 to index
        %parallel_loop3A_414 = arith.index_cast %parallel_loop3A_411 : i32 to index
        %parallel_loop3A_415 = tpu.vector_load %arg11[%parallel_loop3A_413, %parallel_loop3A_414] {strides = array<i32>} : memref<32x512xf32, #tpu.memory_space<vmem>>, vector<16xf32>,
        tpu.vector_store %arg11[%parallel_loop3A_413, %parallel_loop3A_414], %parallel_loop3A_253 {strides = array<i32>} : memref<32x512xf32, #tpu.memory_space<vmem>>, vector<16xf32>,
        %parallel_loop3A_416 = arith.constant 16 : i32
        %parallel_loop3A_417 = arith.muli %parallel_loop3A_223, %parallel_loop3A_416 : i32
        %parallel_loop3A_418 = arith.constant 26 : i32
        %parallel_loop3A_419 = arith.index_cast %parallel_loop3A_418 : i32 to index
        %parallel_loop3A_420 = arith.index_cast %parallel_loop3A_417 : i32 to index
        %parallel_loop3A_421 = tpu.vector_load %arg11[%parallel_loop3A_419, %parallel_loop3A_420] {strides = array<i32>} : memref<32x512xf32, #tpu.memory_space<vmem>>, vector<16xf32>,
        tpu.vector_store %arg11[%parallel_loop3A_419, %parallel_loop3A_420], %parallel_loop3A_254 {strides = array<i32>} : memref<32x512xf32, #tpu.memory_space<vmem>>, vector<16xf32>,
        %parallel_loop3A_422 = arith.constant 16 : i32
        %parallel_loop3A_423 = arith.muli %parallel_loop3A_223, %parallel_loop3A_422 : i32
        %parallel_loop3A_424 = arith.constant 27 : i32
        %parallel_loop3A_425 = arith.index_cast %parallel_loop3A_424 : i32 to index
        %parallel_loop3A_426 = arith.index_cast %parallel_loop3A_423 : i32 to index
        %parallel_loop3A_427 = tpu.vector_load %arg11[%parallel_loop3A_425, %parallel_loop3A_426] {strides = array<i32>} : memref<32x512xf32, #tpu.memory_space<vmem>>, vector<16xf32>,
        tpu.vector_store %arg11[%parallel_loop3A_425, %parallel_loop3A_426], %parallel_loop3A_255 {strides = array<i32>} : memref<32x512xf32, #tpu.memory_space<vmem>>, vector<16xf32>,
        %parallel_loop3A_428 = arith.constant 16 : i32
        %parallel_loop3A_429 = arith.muli %parallel_loop3A_223, %parallel_loop3A_428 : i32
        %parallel_loop3A_430 = arith.constant 28 : i32
        %parallel_loop3A_431 = arith.index_cast %parallel_loop3A_430 : i32 to index
        %parallel_loop3A_432 = arith.index_cast %parallel_loop3A_429 : i32 to index
        %parallel_loop3A_433 = tpu.vector_load %arg11[%parallel_loop3A_431, %parallel_loop3A_432] {strides = array<i32>} : memref<32x512xf32, #tpu.memory_space<vmem>>, vector<16xf32>,
        tpu.vector_store %arg11[%parallel_loop3A_431, %parallel_loop3A_432], %parallel_loop3A_256 {strides = array<i32>} : memref<32x512xf32, #tpu.memory_space<vmem>>, vector<16xf32>,
        %parallel_loop3A_434 = arith.constant 16 : i32
        %parallel_loop3A_435 = arith.muli %parallel_loop3A_223, %parallel_loop3A_434 : i32
        %parallel_loop3A_436 = arith.constant 29 : i32
        %parallel_loop3A_437 = arith.index_cast %parallel_loop3A_436 : i32 to index
        %parallel_loop3A_438 = arith.index_cast %parallel_loop3A_435 : i32 to index
        %parallel_loop3A_439 = tpu.vector_load %arg11[%parallel_loop3A_437, %parallel_loop3A_438] {strides = array<i32>} : memref<32x512xf32, #tpu.memory_space<vmem>>, vector<16xf32>,
        tpu.vector_store %arg11[%parallel_loop3A_437, %parallel_loop3A_438], %parallel_loop3A_257 {strides = array<i32>} : memref<32x512xf32, #tpu.memory_space<vmem>>, vector<16xf32>,
        %parallel_loop3A_440 = arith.constant 16 : i32
        %parallel_loop3A_441 = arith.muli %parallel_loop3A_223, %parallel_loop3A_440 : i32
        %parallel_loop3A_442 = arith.constant 30 : i32
        %parallel_loop3A_443 = arith.index_cast %parallel_loop3A_442 : i32 to index
        %parallel_loop3A_444 = arith.index_cast %parallel_loop3A_441 : i32 to index
        %parallel_loop3A_445 = tpu.vector_load %arg11[%parallel_loop3A_443, %parallel_loop3A_444] {strides = array<i32>} : memref<32x512xf32, #tpu.memory_space<vmem>>, vector<16xf32>,
        tpu.vector_store %arg11[%parallel_loop3A_443, %parallel_loop3A_444], %parallel_loop3A_258 {strides = array<i32>} : memref<32x512xf32, #tpu.memory_space<vmem>>, vector<16xf32>,
        %parallel_loop3A_446 = arith.constant 16 : i32
        %parallel_loop3A_447 = arith.muli %parallel_loop3A_223, %parallel_loop3A_446 : i32
        %parallel_loop3A_448 = arith.constant 31 : i32
        %parallel_loop3A_449 = arith.index_cast %parallel_loop3A_448 : i32 to index
        %parallel_loop3A_450 = arith.index_cast %parallel_loop3A_447 : i32 to index
        %parallel_loop3A_451 = tpu.vector_load %arg11[%parallel_loop3A_449, %parallel_loop3A_450] {strides = array<i32>} : memref<32x512xf32, #tpu.memory_space<vmem>>, vector<16xf32>,
        tpu.vector_store %arg11[%parallel_loop3A_449, %parallel_loop3A_450], %parallel_loop3A_259 {strides = array<i32>} : memref<32x512xf32, #tpu.memory_space<vmem>>, vector<16xf32>,
      } {sc.loop_unroll_factor = 2 : i64, sc.parallel_access}
      %dma_start3A_156 = arith.constant 0 : i32
      %dma_start3A_157 = tpu.memref_slice %arg4[%add3A_143, %dma_start3A_156, %mul3A_2] : memref<100x32x16384xf32, #tpu.memory_space<hbm>> -> memref<1x32x512xf32, #tpu.memory_space<hbm>>
      %dma_start3A_158 = tpu.memref_squeeze %dma_start3A_157 : memref<1x32x512xf32, #tpu.memory_space<hbm>> -> memref<32x512xf32, #tpu.memory_space<hbm>>
      %dma_start3A_159 = arith.constant 0 : i32
      %dma_start3A_160 = tpu.memref_slice %arg4[%add3A_143, %dma_start3A_159, %mul3A_2] : memref<100x32x16384xf32, #tpu.memory_space<hbm>> -> memref<1x32x512xf32, #tpu.memory_space<hbm>>
      %dma_start3A_161 = tpu.memref_squeeze %dma_start3A_160 : memref<1x32x512xf32, #tpu.memory_space<hbm>> -> memref<32x512xf32, #tpu.memory_space<hbm>>
      tpu.enqueue_dma source(%arg11 : memref<32x512xf32, #tpu.memory_space<vmem>>) target(%dma_start3A_161 : memref<32x512xf32, #tpu.memory_space<hbm>>) target_semaphore(%arg19 : memref<!tpu.dma_semaphore, #tpu.memory_space<semaphore_mem>>)
      %add3A_162 = arith.constant 4 : i32
      %add3A_163 = arith.addi %add3A_143, %add3A_162 : i32
      %lt3A_164 = arith.constant 100 : i32
      %lt3A_165 = arith.cmpi slt, %add3A_163, %lt3A_164 : i32
      %convert_element_type3A_166 = arith.extui %lt3A_165 : i1 to i32
      %cond3A_167 = arith.constant 0 : i32
      %cond3A_168 = arith.cmpi ne, %convert_element_type3A_166, %cond3A_167 : i32
      scf.if %cond3A_168 {
        %add3A_223 = arith.constant 4 : i32
        %add3A_224 = arith.addi %add3A_143, %add3A_223 : i32
        %dma_start3A_225 = tpu.memref_slice %arg3[%add3A_224, %mul3A_2] : memref<100x16384xi32, #tpu.memory_space<hbm>> -> memref<1x512xi32, #tpu.memory_space<hbm>>
        %dma_start3A_226 = tpu.memref_squeeze %dma_start3A_225 : memref<1x512xi32, #tpu.memory_space<hbm>> -> memref<512xi32, #tpu.memory_space<hbm>>
        %dma_start3A_227 = tpu.memref_slice %arg3[%add3A_224, %mul3A_2] : memref<100x16384xi32, #tpu.memory_space<hbm>> -> memref<1x512xi32, #tpu.memory_space<hbm>>
        %dma_start3A_228 = tpu.memref_squeeze %dma_start3A_227 : memref<1x512xi32, #tpu.memory_space<hbm>> -> memref<512xi32, #tpu.memory_space<hbm>>
        tpu.enqueue_dma source(%dma_start3A_228 : memref<512xi32, #tpu.memory_space<hbm>>) target(%arg7 : memref<512xi32, #tpu.memory_space<vmem>>) target_semaphore(%arg15 : memref<!tpu.dma_semaphore, #tpu.memory_space<semaphore_mem>>)
      } else {
      }
      %add3A_169 = arith.constant 2 : i32
      %add3A_170 = arith.addi %mul3A_119, %add3A_169 : i32
      %dma_wait3A_171 = tpu.memref_slice %arg3[%add3A_170, %mul3A_2] : memref<100x16384xi32, #tpu.memory_space<hbm>> -> memref<1x512xi32, #tpu.memory_space<hbm>>
      %dma_wait3A_172 = tpu.memref_squeeze %dma_wait3A_171 : memref<1x512xi32, #tpu.memory_space<hbm>> -> memref<512xi32, #tpu.memory_space<hbm>>
      %dma_wait3A_173 = tpu.memref_slice %arg3[%add3A_170, %mul3A_2] : memref<100x16384xi32, #tpu.memory_space<hbm>> -> memref<1x512xi32, #tpu.memory_space<hbm>>
      %dma_wait3A_174 = tpu.memref_squeeze %dma_wait3A_173 : memref<1x512xi32, #tpu.memory_space<hbm>> -> memref<512xi32, #tpu.memory_space<hbm>>
      tpu.wait_dma2 semaphore(%arg16 : memref<!tpu.dma_semaphore, #tpu.memory_space<semaphore_mem>>) src(%dma_wait3A_174 : memref<512xi32, #tpu.memory_space<hbm>>) dst(%arg8 : memref<512xi32, #tpu.memory_space<vmem>>)
      %gt3A_175 = arith.constant 0 : i32
      %gt3A_176 = arith.cmpi sgt, %scan3A_117, %gt3A_175 : i32
      %convert_element_type3A_177 = arith.extui %gt3A_176 : i1 to i32
      %cond3A_178 = arith.constant 0 : i32
      %cond3A_179 = arith.cmpi ne, %convert_element_type3A_177, %cond3A_178 : i32
      scf.if %cond3A_179 {
        %sub3A = arith.constant 4 : i32
        %sub3A_223 = arith.subi %add3A_170, %sub3A : i32
        %dma_wait3A_224 = arith.constant 0 : i32
        %dma_wait3A_225 = tpu.memref_slice %arg4[%sub3A_223, %dma_wait3A_224, %mul3A_2] : memref<100x32x16384xf32, #tpu.memory_space<hbm>> -> memref<1x32x512xf32, #tpu.memory_space<hbm>>
        %dma_wait3A_226 = tpu.memref_squeeze %dma_wait3A_225 : memref<1x32x512xf32, #tpu.memory_space<hbm>> -> memref<32x512xf32, #tpu.memory_space<hbm>>
        %dma_wait3A_227 = arith.constant 0 : i32
        %dma_wait3A_228 = tpu.memref_slice %arg4[%sub3A_223, %dma_wait3A_227, %mul3A_2] : memref<100x32x16384xf32, #tpu.memory_space<hbm>> -> memref<1x32x512xf32, #tpu.memory_space<hbm>>
        %dma_wait3A_229 = tpu.memref_squeeze %dma_wait3A_228 : memref<1x32x512xf32, #tpu.memory_space<hbm>> -> memref<32x512xf32, #tpu.memory_space<hbm>>
        tpu.wait_dma2 semaphore(%arg20 : memref<!tpu.dma_semaphore, #tpu.memory_space<semaphore_mem>>) src(%arg12 : memref<32x512xf32, #tpu.memory_space<vmem>>) dst(%dma_wait3A_229 : memref<32x512xf32, #tpu.memory_space<hbm>>)
      } else {
      }
      %parallel_loop3A_180 = arith.constant 0 : i32
      %parallel_loop3A_181 = arith.constant 32 : i32
      %parallel_loop3A_182 = arith.constant 1 : i32
      scf.for %parallel_loop3A_223 = %parallel_loop3A_180 to %parallel_loop3A_181 step %parallel_loop3A_182  : i32 {
        %parallel_loop3A_224 = arith.constant 16 : i32
        %parallel_loop3A_225 = arith.muli %parallel_loop3A_223, %parallel_loop3A_224 : i32
        %parallel_loop3A_226 = arith.index_cast %parallel_loop3A_225 : i32 to index
        %parallel_loop3A_227 = tpu.vector_load %arg8[%parallel_loop3A_226] {strides = array<i32>} : memref<512xi32, #tpu.memory_space<vmem>>, vector<16xi32>,
        %parallel_loop3A_228 = tpu.vector_load_idx %arg5[%broadcast_in_dim3A_3, %parallel_loop3A_227] : memref<32x1000xf32, #tpu.memory_space<vmem>>[vector<16xi32>, vector<16xi32>], vector<16xf32>,
        %parallel_loop3A_229 = tpu.vector_load_idx %arg5[%broadcast_in_dim3A_5, %parallel_loop3A_227] : memref<32x1000xf32, #tpu.memory_space<vmem>>[vector<16xi32>, vector<16xi32>], vector<16xf32>,
        %parallel_loop3A_230 = tpu.vector_load_idx %arg5[%broadcast_in_dim3A_7, %parallel_loop3A_227] : memref<32x1000xf32, #tpu.memory_space<vmem>>[vector<16xi32>, vector<16xi32>], vector<16xf32>,
        %parallel_loop3A_231 = tpu.vector_load_idx %arg5[%broadcast_in_dim3A_9, %parallel_loop3A_227] : memref<32x1000xf32, #tpu.memory_space<vmem>>[vector<16xi32>, vector<16xi32>], vector<16xf32>,
        %parallel_loop3A_232 = tpu.vector_load_idx %arg5[%broadcast_in_dim3A_11, %parallel_loop3A_227] : memref<32x1000xf32, #tpu.memory_space<vmem>>[vector<16xi32>, vector<16xi32>], vector<16xf32>,
        %parallel_loop3A_233 = tpu.vector_load_idx %arg5[%broadcast_in_dim3A_13, %parallel_loop3A_227] : memref<32x1000xf32, #tpu.memory_space<vmem>>[vector<16xi32>, vector<16xi32>], vector<16xf32>,
        %parallel_loop3A_234 = tpu.vector_load_idx %arg5[%broadcast_in_dim3A_15, %parallel_loop3A_227] : memref<32x1000xf32, #tpu.memory_space<vmem>>[vector<16xi32>, vector<16xi32>], vector<16xf32>,
        %parallel_loop3A_235 = tpu.vector_load_idx %arg5[%broadcast_in_dim3A_17, %parallel_loop3A_227] : memref<32x1000xf32, #tpu.memory_space<vmem>>[vector<16xi32>, vector<16xi32>], vector<16xf32>,
        %parallel_loop3A_236 = tpu.vector_load_idx %arg5[%broadcast_in_dim3A_19, %parallel_loop3A_227] : memref<32x1000xf32, #tpu.memory_space<vmem>>[vector<16xi32>, vector<16xi32>], vector<16xf32>,
        %parallel_loop3A_237 = tpu.vector_load_idx %arg5[%broadcast_in_dim3A_21, %parallel_loop3A_227] : memref<32x1000xf32, #tpu.memory_space<vmem>>[vector<16xi32>, vector<16xi32>], vector<16xf32>,
        %parallel_loop3A_238 = tpu.vector_load_idx %arg5[%broadcast_in_dim3A_23, %parallel_loop3A_227] : memref<32x1000xf32, #tpu.memory_space<vmem>>[vector<16xi32>, vector<16xi32>], vector<16xf32>,
        %parallel_loop3A_239 = tpu.vector_load_idx %arg5[%broadcast_in_dim3A_25, %parallel_loop3A_227] : memref<32x1000xf32, #tpu.memory_space<vmem>>[vector<16xi32>, vector<16xi32>], vector<16xf32>,
        %parallel_loop3A_240 = tpu.vector_load_idx %arg5[%broadcast_in_dim3A_27, %parallel_loop3A_227] : memref<32x1000xf32, #tpu.memory_space<vmem>>[vector<16xi32>, vector<16xi32>], vector<16xf32>,
        %parallel_loop3A_241 = tpu.vector_load_idx %arg5[%broadcast_in_dim3A_29, %parallel_loop3A_227] : memref<32x1000xf32, #tpu.memory_space<vmem>>[vector<16xi32>, vector<16xi32>], vector<16xf32>,
        %parallel_loop3A_242 = tpu.vector_load_idx %arg5[%broadcast_in_dim3A_31, %parallel_loop3A_227] : memref<32x1000xf32, #tpu.memory_space<vmem>>[vector<16xi32>, vector<16xi32>], vector<16xf32>,
        %parallel_loop3A_243 = tpu.vector_load_idx %arg5[%broadcast_in_dim3A_33, %parallel_loop3A_227] : memref<32x1000xf32, #tpu.memory_space<vmem>>[vector<16xi32>, vector<16xi32>], vector<16xf32>,
        %parallel_loop3A_244 = tpu.vector_load_idx %arg5[%broadcast_in_dim3A_35, %parallel_loop3A_227] : memref<32x1000xf32, #tpu.memory_space<vmem>>[vector<16xi32>, vector<16xi32>], vector<16xf32>,
        %parallel_loop3A_245 = tpu.vector_load_idx %arg5[%broadcast_in_dim3A_37, %parallel_loop3A_227] : memref<32x1000xf32, #tpu.memory_space<vmem>>[vector<16xi32>, vector<16xi32>], vector<16xf32>,
        %parallel_loop3A_246 = tpu.vector_load_idx %arg5[%broadcast_in_dim3A_39, %parallel_loop3A_227] : memref<32x1000xf32, #tpu.memory_space<vmem>>[vector<16xi32>, vector<16xi32>], vector<16xf32>,
        %parallel_loop3A_247 = tpu.vector_load_idx %arg5[%broadcast_in_dim3A_41, %parallel_loop3A_227] : memref<32x1000xf32, #tpu.memory_space<vmem>>[vector<16xi32>, vector<16xi32>], vector<16xf32>,
        %parallel_loop3A_248 = tpu.vector_load_idx %arg5[%broadcast_in_dim3A_43, %parallel_loop3A_227] : memref<32x1000xf32, #tpu.memory_space<vmem>>[vector<16xi32>, vector<16xi32>], vector<16xf32>,
        %parallel_loop3A_249 = tpu.vector_load_idx %arg5[%broadcast_in_dim3A_45, %parallel_loop3A_227] : memref<32x1000xf32, #tpu.memory_space<vmem>>[vector<16xi32>, vector<16xi32>], vector<16xf32>,
        %parallel_loop3A_250 = tpu.vector_load_idx %arg5[%broadcast_in_dim3A_47, %parallel_loop3A_227] : memref<32x1000xf32, #tpu.memory_space<vmem>>[vector<16xi32>, vector<16xi32>], vector<16xf32>,
        %parallel_loop3A_251 = tpu.vector_load_idx %arg5[%broadcast_in_dim3A_49, %parallel_loop3A_227] : memref<32x1000xf32, #tpu.memory_space<vmem>>[vector<16xi32>, vector<16xi32>], vector<16xf32>,
        %parallel_loop3A_252 = tpu.vector_load_idx %arg5[%broadcast_in_dim3A_51, %parallel_loop3A_227] : memref<32x1000xf32, #tpu.memory_space<vmem>>[vector<16xi32>, vector<16xi32>], vector<16xf32>,
        %parallel_loop3A_253 = tpu.vector_load_idx %arg5[%broadcast_in_dim3A_53, %parallel_loop3A_227] : memref<32x1000xf32, #tpu.memory_space<vmem>>[vector<16xi32>, vector<16xi32>], vector<16xf32>,
        %parallel_loop3A_254 = tpu.vector_load_idx %arg5[%broadcast_in_dim3A_55, %parallel_loop3A_227] : memref<32x1000xf32, #tpu.memory_space<vmem>>[vector<16xi32>, vector<16xi32>], vector<16xf32>,
        %parallel_loop3A_255 = tpu.vector_load_idx %arg5[%broadcast_in_dim3A_57, %parallel_loop3A_227] : memref<32x1000xf32, #tpu.memory_space<vmem>>[vector<16xi32>, vector<16xi32>], vector<16xf32>,
        %parallel_loop3A_256 = tpu.vector_load_idx %arg5[%broadcast_in_dim3A_59, %parallel_loop3A_227] : memref<32x1000xf32, #tpu.memory_space<vmem>>[vector<16xi32>, vector<16xi32>], vector<16xf32>,
        %parallel_loop3A_257 = tpu.vector_load_idx %arg5[%broadcast_in_dim3A_61, %parallel_loop3A_227] : memref<32x1000xf32, #tpu.memory_space<vmem>>[vector<16xi32>, vector<16xi32>], vector<16xf32>,
        %parallel_loop3A_258 = tpu.vector_load_idx %arg5[%broadcast_in_dim3A_63, %parallel_loop3A_227] : memref<32x1000xf32, #tpu.memory_space<vmem>>[vector<16xi32>, vector<16xi32>], vector<16xf32>,
        %parallel_loop3A_259 = tpu.vector_load_idx %arg5[%broadcast_in_dim3A_65, %parallel_loop3A_227] : memref<32x1000xf32, #tpu.memory_space<vmem>>[vector<16xi32>, vector<16xi32>], vector<16xf32>,
        %parallel_loop3A_260 = arith.constant 16 : i32
        %parallel_loop3A_261 = arith.muli %parallel_loop3A_223, %parallel_loop3A_260 : i32
        %parallel_loop3A_262 = arith.constant 0 : i32
        %parallel_loop3A_263 = arith.index_cast %parallel_loop3A_262 : i32 to index
        %parallel_loop3A_264 = arith.index_cast %parallel_loop3A_261 : i32 to index
        %parallel_loop3A_265 = tpu.vector_load %arg12[%parallel_loop3A_263, %parallel_loop3A_264] {strides = array<i32>} : memref<32x512xf32, #tpu.memory_space<vmem>>, vector<16xf32>,
        tpu.vector_store %arg12[%parallel_loop3A_263, %parallel_loop3A_264], %parallel_loop3A_228 {strides = array<i32>} : memref<32x512xf32, #tpu.memory_space<vmem>>, vector<16xf32>,
        %parallel_loop3A_266 = arith.constant 16 : i32
        %parallel_loop3A_267 = arith.muli %parallel_loop3A_223, %parallel_loop3A_266 : i32
        %parallel_loop3A_268 = arith.constant 1 : i32
        %parallel_loop3A_269 = arith.index_cast %parallel_loop3A_268 : i32 to index
        %parallel_loop3A_270 = arith.index_cast %parallel_loop3A_267 : i32 to index
        %parallel_loop3A_271 = tpu.vector_load %arg12[%parallel_loop3A_269, %parallel_loop3A_270] {strides = array<i32>} : memref<32x512xf32, #tpu.memory_space<vmem>>, vector<16xf32>,
        tpu.vector_store %arg12[%parallel_loop3A_269, %parallel_loop3A_270], %parallel_loop3A_229 {strides = array<i32>} : memref<32x512xf32, #tpu.memory_space<vmem>>, vector<16xf32>,
        %parallel_loop3A_272 = arith.constant 16 : i32
        %parallel_loop3A_273 = arith.muli %parallel_loop3A_223, %parallel_loop3A_272 : i32
        %parallel_loop3A_274 = arith.constant 2 : i32
        %parallel_loop3A_275 = arith.index_cast %parallel_loop3A_274 : i32 to index
        %parallel_loop3A_276 = arith.index_cast %parallel_loop3A_273 : i32 to index
        %parallel_loop3A_277 = tpu.vector_load %arg12[%parallel_loop3A_275, %parallel_loop3A_276] {strides = array<i32>} : memref<32x512xf32, #tpu.memory_space<vmem>>, vector<16xf32>,
        tpu.vector_store %arg12[%parallel_loop3A_275, %parallel_loop3A_276], %parallel_loop3A_230 {strides = array<i32>} : memref<32x512xf32, #tpu.memory_space<vmem>>, vector<16xf32>,
        %parallel_loop3A_278 = arith.constant 16 : i32
        %parallel_loop3A_279 = arith.muli %parallel_loop3A_223, %parallel_loop3A_278 : i32
        %parallel_loop3A_280 = arith.constant 3 : i32
        %parallel_loop3A_281 = arith.index_cast %parallel_loop3A_280 : i32 to index
        %parallel_loop3A_282 = arith.index_cast %parallel_loop3A_279 : i32 to index
        %parallel_loop3A_283 = tpu.vector_load %arg12[%parallel_loop3A_281, %parallel_loop3A_282] {strides = array<i32>} : memref<32x512xf32, #tpu.memory_space<vmem>>, vector<16xf32>,
        tpu.vector_store %arg12[%parallel_loop3A_281, %parallel_loop3A_282], %parallel_loop3A_231 {strides = array<i32>} : memref<32x512xf32, #tpu.memory_space<vmem>>, vector<16xf32>,
        %parallel_loop3A_284 = arith.constant 16 : i32
        %parallel_loop3A_285 = arith.muli %parallel_loop3A_223, %parallel_loop3A_284 : i32
        %parallel_loop3A_286 = arith.constant 4 : i32
        %parallel_loop3A_287 = arith.index_cast %parallel_loop3A_286 : i32 to index
        %parallel_loop3A_288 = arith.index_cast %parallel_loop3A_285 : i32 to index
        %parallel_loop3A_289 = tpu.vector_load %arg12[%parallel_loop3A_287, %parallel_loop3A_288] {strides = array<i32>} : memref<32x512xf32, #tpu.memory_space<vmem>>, vector<16xf32>,
        tpu.vector_store %arg12[%parallel_loop3A_287, %parallel_loop3A_288], %parallel_loop3A_232 {strides = array<i32>} : memref<32x512xf32, #tpu.memory_space<vmem>>, vector<16xf32>,
        %parallel_loop3A_290 = arith.constant 16 : i32
        %parallel_loop3A_291 = arith.muli %parallel_loop3A_223, %parallel_loop3A_290 : i32
        %parallel_loop3A_292 = arith.constant 5 : i32
        %parallel_loop3A_293 = arith.index_cast %parallel_loop3A_292 : i32 to index
        %parallel_loop3A_294 = arith.index_cast %parallel_loop3A_291 : i32 to index
        %parallel_loop3A_295 = tpu.vector_load %arg12[%parallel_loop3A_293, %parallel_loop3A_294] {strides = array<i32>} : memref<32x512xf32, #tpu.memory_space<vmem>>, vector<16xf32>,
        tpu.vector_store %arg12[%parallel_loop3A_293, %parallel_loop3A_294], %parallel_loop3A_233 {strides = array<i32>} : memref<32x512xf32, #tpu.memory_space<vmem>>, vector<16xf32>,
        %parallel_loop3A_296 = arith.constant 16 : i32
        %parallel_loop3A_297 = arith.muli %parallel_loop3A_223, %parallel_loop3A_296 : i32
        %parallel_loop3A_298 = arith.constant 6 : i32
        %parallel_loop3A_299 = arith.index_cast %parallel_loop3A_298 : i32 to index
        %parallel_loop3A_300 = arith.index_cast %parallel_loop3A_297 : i32 to index
        %parallel_loop3A_301 = tpu.vector_load %arg12[%parallel_loop3A_299, %parallel_loop3A_300] {strides = array<i32>} : memref<32x512xf32, #tpu.memory_space<vmem>>, vector<16xf32>,
        tpu.vector_store %arg12[%parallel_loop3A_299, %parallel_loop3A_300], %parallel_loop3A_234 {strides = array<i32>} : memref<32x512xf32, #tpu.memory_space<vmem>>, vector<16xf32>,
        %parallel_loop3A_302 = arith.constant 16 : i32
        %parallel_loop3A_303 = arith.muli %parallel_loop3A_223, %parallel_loop3A_302 : i32
        %parallel_loop3A_304 = arith.constant 7 : i32
        %parallel_loop3A_305 = arith.index_cast %parallel_loop3A_304 : i32 to index
        %parallel_loop3A_306 = arith.index_cast %parallel_loop3A_303 : i32 to index
        %parallel_loop3A_307 = tpu.vector_load %arg12[%parallel_loop3A_305, %parallel_loop3A_306] {strides = array<i32>} : memref<32x512xf32, #tpu.memory_space<vmem>>, vector<16xf32>,
        tpu.vector_store %arg12[%parallel_loop3A_305, %parallel_loop3A_306], %parallel_loop3A_235 {strides = array<i32>} : memref<32x512xf32, #tpu.memory_space<vmem>>, vector<16xf32>,
        %parallel_loop3A_308 = arith.constant 16 : i32
        %parallel_loop3A_309 = arith.muli %parallel_loop3A_223, %parallel_loop3A_308 : i32
        %parallel_loop3A_310 = arith.constant 8 : i32
        %parallel_loop3A_311 = arith.index_cast %parallel_loop3A_310 : i32 to index
        %parallel_loop3A_312 = arith.index_cast %parallel_loop3A_309 : i32 to index
        %parallel_loop3A_313 = tpu.vector_load %arg12[%parallel_loop3A_311, %parallel_loop3A_312] {strides = array<i32>} : memref<32x512xf32, #tpu.memory_space<vmem>>, vector<16xf32>,
        tpu.vector_store %arg12[%parallel_loop3A_311, %parallel_loop3A_312], %parallel_loop3A_236 {strides = array<i32>} : memref<32x512xf32, #tpu.memory_space<vmem>>, vector<16xf32>,
        %parallel_loop3A_314 = arith.constant 16 : i32
        %parallel_loop3A_315 = arith.muli %parallel_loop3A_223, %parallel_loop3A_314 : i32
        %parallel_loop3A_316 = arith.constant 9 : i32
        %parallel_loop3A_317 = arith.index_cast %parallel_loop3A_316 : i32 to index
        %parallel_loop3A_318 = arith.index_cast %parallel_loop3A_315 : i32 to index
        %parallel_loop3A_319 = tpu.vector_load %arg12[%parallel_loop3A_317, %parallel_loop3A_318] {strides = array<i32>} : memref<32x512xf32, #tpu.memory_space<vmem>>, vector<16xf32>,
        tpu.vector_store %arg12[%parallel_loop3A_317, %parallel_loop3A_318], %parallel_loop3A_237 {strides = array<i32>} : memref<32x512xf32, #tpu.memory_space<vmem>>, vector<16xf32>,
        %parallel_loop3A_320 = arith.constant 16 : i32
        %parallel_loop3A_321 = arith.muli %parallel_loop3A_223, %parallel_loop3A_320 : i32
        %parallel_loop3A_322 = arith.constant 10 : i32
        %parallel_loop3A_323 = arith.index_cast %parallel_loop3A_322 : i32 to index
        %parallel_loop3A_324 = arith.index_cast %parallel_loop3A_321 : i32 to index
        %parallel_loop3A_325 = tpu.vector_load %arg12[%parallel_loop3A_323, %parallel_loop3A_324] {strides = array<i32>} : memref<32x512xf32, #tpu.memory_space<vmem>>, vector<16xf32>,
        tpu.vector_store %arg12[%parallel_loop3A_323, %parallel_loop3A_324], %parallel_loop3A_238 {strides = array<i32>} : memref<32x512xf32, #tpu.memory_space<vmem>>, vector<16xf32>,
        %parallel_loop3A_326 = arith.constant 16 : i32
        %parallel_loop3A_327 = arith.muli %parallel_loop3A_223, %parallel_loop3A_326 : i32
        %parallel_loop3A_328 = arith.constant 11 : i32
        %parallel_loop3A_329 = arith.index_cast %parallel_loop3A_328 : i32 to index
        %parallel_loop3A_330 = arith.index_cast %parallel_loop3A_327 : i32 to index
        %parallel_loop3A_331 = tpu.vector_load %arg12[%parallel_loop3A_329, %parallel_loop3A_330] {strides = array<i32>} : memref<32x512xf32, #tpu.memory_space<vmem>>, vector<16xf32>,
        tpu.vector_store %arg12[%parallel_loop3A_329, %parallel_loop3A_330], %parallel_loop3A_239 {strides = array<i32>} : memref<32x512xf32, #tpu.memory_space<vmem>>, vector<16xf32>,
        %parallel_loop3A_332 = arith.constant 16 : i32
        %parallel_loop3A_333 = arith.muli %parallel_loop3A_223, %parallel_loop3A_332 : i32
        %parallel_loop3A_334 = arith.constant 12 : i32
        %parallel_loop3A_335 = arith.index_cast %parallel_loop3A_334 : i32 to index
        %parallel_loop3A_336 = arith.index_cast %parallel_loop3A_333 : i32 to index
        %parallel_loop3A_337 = tpu.vector_load %arg12[%parallel_loop3A_335, %parallel_loop3A_336] {strides = array<i32>} : memref<32x512xf32, #tpu.memory_space<vmem>>, vector<16xf32>,
        tpu.vector_store %arg12[%parallel_loop3A_335, %parallel_loop3A_336], %parallel_loop3A_240 {strides = array<i32>} : memref<32x512xf32, #tpu.memory_space<vmem>>, vector<16xf32>,
        %parallel_loop3A_338 = arith.constant 16 : i32
        %parallel_loop3A_339 = arith.muli %parallel_loop3A_223, %parallel_loop3A_338 : i32
        %parallel_loop3A_340 = arith.constant 13 : i32
        %parallel_loop3A_341 = arith.index_cast %parallel_loop3A_340 : i32 to index
        %parallel_loop3A_342 = arith.index_cast %parallel_loop3A_339 : i32 to index
        %parallel_loop3A_343 = tpu.vector_load %arg12[%parallel_loop3A_341, %parallel_loop3A_342] {strides = array<i32>} : memref<32x512xf32, #tpu.memory_space<vmem>>, vector<16xf32>,
        tpu.vector_store %arg12[%parallel_loop3A_341, %parallel_loop3A_342], %parallel_loop3A_241 {strides = array<i32>} : memref<32x512xf32, #tpu.memory_space<vmem>>, vector<16xf32>,
        %parallel_loop3A_344 = arith.constant 16 : i32
        %parallel_loop3A_345 = arith.muli %parallel_loop3A_223, %parallel_loop3A_344 : i32
        %parallel_loop3A_346 = arith.constant 14 : i32
        %parallel_loop3A_347 = arith.index_cast %parallel_loop3A_346 : i32 to index
        %parallel_loop3A_348 = arith.index_cast %parallel_loop3A_345 : i32 to index
        %parallel_loop3A_349 = tpu.vector_load %arg12[%parallel_loop3A_347, %parallel_loop3A_348] {strides = array<i32>} : memref<32x512xf32, #tpu.memory_space<vmem>>, vector<16xf32>,
        tpu.vector_store %arg12[%parallel_loop3A_347, %parallel_loop3A_348], %parallel_loop3A_242 {strides = array<i32>} : memref<32x512xf32, #tpu.memory_space<vmem>>, vector<16xf32>,
        %parallel_loop3A_350 = arith.constant 16 : i32
        %parallel_loop3A_351 = arith.muli %parallel_loop3A_223, %parallel_loop3A_350 : i32
        %parallel_loop3A_352 = arith.constant 15 : i32
        %parallel_loop3A_353 = arith.index_cast %parallel_loop3A_352 : i32 to index
        %parallel_loop3A_354 = arith.index_cast %parallel_loop3A_351 : i32 to index
        %parallel_loop3A_355 = tpu.vector_load %arg12[%parallel_loop3A_353, %parallel_loop3A_354] {strides = array<i32>} : memref<32x512xf32, #tpu.memory_space<vmem>>, vector<16xf32>,
        tpu.vector_store %arg12[%parallel_loop3A_353, %parallel_loop3A_354], %parallel_loop3A_243 {strides = array<i32>} : memref<32x512xf32, #tpu.memory_space<vmem>>, vector<16xf32>,
        %parallel_loop3A_356 = arith.constant 16 : i32
        %parallel_loop3A_357 = arith.muli %parallel_loop3A_223, %parallel_loop3A_356 : i32
        %parallel_loop3A_358 = arith.constant 16 : i32
        %parallel_loop3A_359 = arith.index_cast %parallel_loop3A_358 : i32 to index
        %parallel_loop3A_360 = arith.index_cast %parallel_loop3A_357 : i32 to index
        %parallel_loop3A_361 = tpu.vector_load %arg12[%parallel_loop3A_359, %parallel_loop3A_360] {strides = array<i32>} : memref<32x512xf32, #tpu.memory_space<vmem>>, vector<16xf32>,
        tpu.vector_store %arg12[%parallel_loop3A_359, %parallel_loop3A_360], %parallel_loop3A_244 {strides = array<i32>} : memref<32x512xf32, #tpu.memory_space<vmem>>, vector<16xf32>,
        %parallel_loop3A_362 = arith.constant 16 : i32
        %parallel_loop3A_363 = arith.muli %parallel_loop3A_223, %parallel_loop3A_362 : i32
        %parallel_loop3A_364 = arith.constant 17 : i32
        %parallel_loop3A_365 = arith.index_cast %parallel_loop3A_364 : i32 to index
        %parallel_loop3A_366 = arith.index_cast %parallel_loop3A_363 : i32 to index
        %parallel_loop3A_367 = tpu.vector_load %arg12[%parallel_loop3A_365, %parallel_loop3A_366] {strides = array<i32>} : memref<32x512xf32, #tpu.memory_space<vmem>>, vector<16xf32>,
        tpu.vector_store %arg12[%parallel_loop3A_365, %parallel_loop3A_366], %parallel_loop3A_245 {strides = array<i32>} : memref<32x512xf32, #tpu.memory_space<vmem>>, vector<16xf32>,
        %parallel_loop3A_368 = arith.constant 16 : i32
        %parallel_loop3A_369 = arith.muli %parallel_loop3A_223, %parallel_loop3A_368 : i32
        %parallel_loop3A_370 = arith.constant 18 : i32
        %parallel_loop3A_371 = arith.index_cast %parallel_loop3A_370 : i32 to index
        %parallel_loop3A_372 = arith.index_cast %parallel_loop3A_369 : i32 to index
        %parallel_loop3A_373 = tpu.vector_load %arg12[%parallel_loop3A_371, %parallel_loop3A_372] {strides = array<i32>} : memref<32x512xf32, #tpu.memory_space<vmem>>, vector<16xf32>,
        tpu.vector_store %arg12[%parallel_loop3A_371, %parallel_loop3A_372], %parallel_loop3A_246 {strides = array<i32>} : memref<32x512xf32, #tpu.memory_space<vmem>>, vector<16xf32>,
        %parallel_loop3A_374 = arith.constant 16 : i32
        %parallel_loop3A_375 = arith.muli %parallel_loop3A_223, %parallel_loop3A_374 : i32
        %parallel_loop3A_376 = arith.constant 19 : i32
        %parallel_loop3A_377 = arith.index_cast %parallel_loop3A_376 : i32 to index
        %parallel_loop3A_378 = arith.index_cast %parallel_loop3A_375 : i32 to index
        %parallel_loop3A_379 = tpu.vector_load %arg12[%parallel_loop3A_377, %parallel_loop3A_378] {strides = array<i32>} : memref<32x512xf32, #tpu.memory_space<vmem>>, vector<16xf32>,
        tpu.vector_store %arg12[%parallel_loop3A_377, %parallel_loop3A_378], %parallel_loop3A_247 {strides = array<i32>} : memref<32x512xf32, #tpu.memory_space<vmem>>, vector<16xf32>,
        %parallel_loop3A_380 = arith.constant 16 : i32
        %parallel_loop3A_381 = arith.muli %parallel_loop3A_223, %parallel_loop3A_380 : i32
        %parallel_loop3A_382 = arith.constant 20 : i32
        %parallel_loop3A_383 = arith.index_cast %parallel_loop3A_382 : i32 to index
        %parallel_loop3A_384 = arith.index_cast %parallel_loop3A_381 : i32 to index
        %parallel_loop3A_385 = tpu.vector_load %arg12[%parallel_loop3A_383, %parallel_loop3A_384] {strides = array<i32>} : memref<32x512xf32, #tpu.memory_space<vmem>>, vector<16xf32>,
        tpu.vector_store %arg12[%parallel_loop3A_383, %parallel_loop3A_384], %parallel_loop3A_248 {strides = array<i32>} : memref<32x512xf32, #tpu.memory_space<vmem>>, vector<16xf32>,
        %parallel_loop3A_386 = arith.constant 16 : i32
        %parallel_loop3A_387 = arith.muli %parallel_loop3A_223, %parallel_loop3A_386 : i32
        %parallel_loop3A_388 = arith.constant 21 : i32
        %parallel_loop3A_389 = arith.index_cast %parallel_loop3A_388 : i32 to index
        %parallel_loop3A_390 = arith.index_cast %parallel_loop3A_387 : i32 to index
        %parallel_loop3A_391 = tpu.vector_load %arg12[%parallel_loop3A_389, %parallel_loop3A_390] {strides = array<i32>} : memref<32x512xf32, #tpu.memory_space<vmem>>, vector<16xf32>,
        tpu.vector_store %arg12[%parallel_loop3A_389, %parallel_loop3A_390], %parallel_loop3A_249 {strides = array<i32>} : memref<32x512xf32, #tpu.memory_space<vmem>>, vector<16xf32>,
        %parallel_loop3A_392 = arith.constant 16 : i32
        %parallel_loop3A_393 = arith.muli %parallel_loop3A_223, %parallel_loop3A_392 : i32
        %parallel_loop3A_394 = arith.constant 22 : i32
        %parallel_loop3A_395 = arith.index_cast %parallel_loop3A_394 : i32 to index
        %parallel_loop3A_396 = arith.index_cast %parallel_loop3A_393 : i32 to index
        %parallel_loop3A_397 = tpu.vector_load %arg12[%parallel_loop3A_395, %parallel_loop3A_396] {strides = array<i32>} : memref<32x512xf32, #tpu.memory_space<vmem>>, vector<16xf32>,
        tpu.vector_store %arg12[%parallel_loop3A_395, %parallel_loop3A_396], %parallel_loop3A_250 {strides = array<i32>} : memref<32x512xf32, #tpu.memory_space<vmem>>, vector<16xf32>,
        %parallel_loop3A_398 = arith.constant 16 : i32
        %parallel_loop3A_399 = arith.muli %parallel_loop3A_223, %parallel_loop3A_398 : i32
        %parallel_loop3A_400 = arith.constant 23 : i32
        %parallel_loop3A_401 = arith.index_cast %parallel_loop3A_400 : i32 to index
        %parallel_loop3A_402 = arith.index_cast %parallel_loop3A_399 : i32 to index
        %parallel_loop3A_403 = tpu.vector_load %arg12[%parallel_loop3A_401, %parallel_loop3A_402] {strides = array<i32>} : memref<32x512xf32, #tpu.memory_space<vmem>>, vector<16xf32>,
        tpu.vector_store %arg12[%parallel_loop3A_401, %parallel_loop3A_402], %parallel_loop3A_251 {strides = array<i32>} : memref<32x512xf32, #tpu.memory_space<vmem>>, vector<16xf32>,
        %parallel_loop3A_404 = arith.constant 16 : i32
        %parallel_loop3A_405 = arith.muli %parallel_loop3A_223, %parallel_loop3A_404 : i32
        %parallel_loop3A_406 = arith.constant 24 : i32
        %parallel_loop3A_407 = arith.index_cast %parallel_loop3A_406 : i32 to index
        %parallel_loop3A_408 = arith.index_cast %parallel_loop3A_405 : i32 to index
        %parallel_loop3A_409 = tpu.vector_load %arg12[%parallel_loop3A_407, %parallel_loop3A_408] {strides = array<i32>} : memref<32x512xf32, #tpu.memory_space<vmem>>, vector<16xf32>,
        tpu.vector_store %arg12[%parallel_loop3A_407, %parallel_loop3A_408], %parallel_loop3A_252 {strides = array<i32>} : memref<32x512xf32, #tpu.memory_space<vmem>>, vector<16xf32>,
        %parallel_loop3A_410 = arith.constant 16 : i32
        %parallel_loop3A_411 = arith.muli %parallel_loop3A_223, %parallel_loop3A_410 : i32
        %parallel_loop3A_412 = arith.constant 25 : i32
        %parallel_loop3A_413 = arith.index_cast %parallel_loop3A_412 : i32 to index
        %parallel_loop3A_414 = arith.index_cast %parallel_loop3A_411 : i32 to index
        %parallel_loop3A_415 = tpu.vector_load %arg12[%parallel_loop3A_413, %parallel_loop3A_414] {strides = array<i32>} : memref<32x512xf32, #tpu.memory_space<vmem>>, vector<16xf32>,
        tpu.vector_store %arg12[%parallel_loop3A_413, %parallel_loop3A_414], %parallel_loop3A_253 {strides = array<i32>} : memref<32x512xf32, #tpu.memory_space<vmem>>, vector<16xf32>,
        %parallel_loop3A_416 = arith.constant 16 : i32
        %parallel_loop3A_417 = arith.muli %parallel_loop3A_223, %parallel_loop3A_416 : i32
        %parallel_loop3A_418 = arith.constant 26 : i32
        %parallel_loop3A_419 = arith.index_cast %parallel_loop3A_418 : i32 to index
        %parallel_loop3A_420 = arith.index_cast %parallel_loop3A_417 : i32 to index
        %parallel_loop3A_421 = tpu.vector_load %arg12[%parallel_loop3A_419, %parallel_loop3A_420] {strides = array<i32>} : memref<32x512xf32, #tpu.memory_space<vmem>>, vector<16xf32>,
        tpu.vector_store %arg12[%parallel_loop3A_419, %parallel_loop3A_420], %parallel_loop3A_254 {strides = array<i32>} : memref<32x512xf32, #tpu.memory_space<vmem>>, vector<16xf32>,
        %parallel_loop3A_422 = arith.constant 16 : i32
        %parallel_loop3A_423 = arith.muli %parallel_loop3A_223, %parallel_loop3A_422 : i32
        %parallel_loop3A_424 = arith.constant 27 : i32
        %parallel_loop3A_425 = arith.index_cast %parallel_loop3A_424 : i32 to index
        %parallel_loop3A_426 = arith.index_cast %parallel_loop3A_423 : i32 to index
        %parallel_loop3A_427 = tpu.vector_load %arg12[%parallel_loop3A_425, %parallel_loop3A_426] {strides = array<i32>} : memref<32x512xf32, #tpu.memory_space<vmem>>, vector<16xf32>,
        tpu.vector_store %arg12[%parallel_loop3A_425, %parallel_loop3A_426], %parallel_loop3A_255 {strides = array<i32>} : memref<32x512xf32, #tpu.memory_space<vmem>>, vector<16xf32>,
        %parallel_loop3A_428 = arith.constant 16 : i32
        %parallel_loop3A_429 = arith.muli %parallel_loop3A_223, %parallel_loop3A_428 : i32
        %parallel_loop3A_430 = arith.constant 28 : i32
        %parallel_loop3A_431 = arith.index_cast %parallel_loop3A_430 : i32 to index
        %parallel_loop3A_432 = arith.index_cast %parallel_loop3A_429 : i32 to index
        %parallel_loop3A_433 = tpu.vector_load %arg12[%parallel_loop3A_431, %parallel_loop3A_432] {strides = array<i32>} : memref<32x512xf32, #tpu.memory_space<vmem>>, vector<16xf32>,
        tpu.vector_store %arg12[%parallel_loop3A_431, %parallel_loop3A_432], %parallel_loop3A_256 {strides = array<i32>} : memref<32x512xf32, #tpu.memory_space<vmem>>, vector<16xf32>,
        %parallel_loop3A_434 = arith.constant 16 : i32
        %parallel_loop3A_435 = arith.muli %parallel_loop3A_223, %parallel_loop3A_434 : i32
        %parallel_loop3A_436 = arith.constant 29 : i32
        %parallel_loop3A_437 = arith.index_cast %parallel_loop3A_436 : i32 to index
        %parallel_loop3A_438 = arith.index_cast %parallel_loop3A_435 : i32 to index
        %parallel_loop3A_439 = tpu.vector_load %arg12[%parallel_loop3A_437, %parallel_loop3A_438] {strides = array<i32>} : memref<32x512xf32, #tpu.memory_space<vmem>>, vector<16xf32>,
        tpu.vector_store %arg12[%parallel_loop3A_437, %parallel_loop3A_438], %parallel_loop3A_257 {strides = array<i32>} : memref<32x512xf32, #tpu.memory_space<vmem>>, vector<16xf32>,
        %parallel_loop3A_440 = arith.constant 16 : i32
        %parallel_loop3A_441 = arith.muli %parallel_loop3A_223, %parallel_loop3A_440 : i32
        %parallel_loop3A_442 = arith.constant 30 : i32
        %parallel_loop3A_443 = arith.index_cast %parallel_loop3A_442 : i32 to index
        %parallel_loop3A_444 = arith.index_cast %parallel_loop3A_441 : i32 to index
        %parallel_loop3A_445 = tpu.vector_load %arg12[%parallel_loop3A_443, %parallel_loop3A_444] {strides = array<i32>} : memref<32x512xf32, #tpu.memory_space<vmem>>, vector<16xf32>,
        tpu.vector_store %arg12[%parallel_loop3A_443, %parallel_loop3A_444], %parallel_loop3A_258 {strides = array<i32>} : memref<32x512xf32, #tpu.memory_space<vmem>>, vector<16xf32>,
        %parallel_loop3A_446 = arith.constant 16 : i32
        %parallel_loop3A_447 = arith.muli %parallel_loop3A_223, %parallel_loop3A_446 : i32
        %parallel_loop3A_448 = arith.constant 31 : i32
        %parallel_loop3A_449 = arith.index_cast %parallel_loop3A_448 : i32 to index
        %parallel_loop3A_450 = arith.index_cast %parallel_loop3A_447 : i32 to index
        %parallel_loop3A_451 = tpu.vector_load %arg12[%parallel_loop3A_449, %parallel_loop3A_450] {strides = array<i32>} : memref<32x512xf32, #tpu.memory_space<vmem>>, vector<16xf32>,
        tpu.vector_store %arg12[%parallel_loop3A_449, %parallel_loop3A_450], %parallel_loop3A_259 {strides = array<i32>} : memref<32x512xf32, #tpu.memory_space<vmem>>, vector<16xf32>,
      } {sc.loop_unroll_factor = 2 : i64, sc.parallel_access}
      %dma_start3A_183 = arith.constant 0 : i32
      %dma_start3A_184 = tpu.memref_slice %arg4[%add3A_170, %dma_start3A_183, %mul3A_2] : memref<100x32x16384xf32, #tpu.memory_space<hbm>> -> memref<1x32x512xf32, #tpu.memory_space<hbm>>
      %dma_start3A_185 = tpu.memref_squeeze %dma_start3A_184 : memref<1x32x512xf32, #tpu.memory_space<hbm>> -> memref<32x512xf32, #tpu.memory_space<hbm>>
      %dma_start3A_186 = arith.constant 0 : i32
      %dma_start3A_187 = tpu.memref_slice %arg4[%add3A_170, %dma_start3A_186, %mul3A_2] : memref<100x32x16384xf32, #tpu.memory_space<hbm>> -> memref<1x32x512xf32, #tpu.memory_space<hbm>>
      %dma_start3A_188 = tpu.memref_squeeze %dma_start3A_187 : memref<1x32x512xf32, #tpu.memory_space<hbm>> -> memref<32x512xf32, #tpu.memory_space<hbm>>
      tpu.enqueue_dma source(%arg12 : memref<32x512xf32, #tpu.memory_space<vmem>>) target(%dma_start3A_188 : memref<32x512xf32, #tpu.memory_space<hbm>>) target_semaphore(%arg20 : memref<!tpu.dma_semaphore, #tpu.memory_space<semaphore_mem>>)
      %add3A_189 = arith.constant 4 : i32
      %add3A_190 = arith.addi %add3A_170, %add3A_189 : i32
      %lt3A_191 = arith.constant 100 : i32
      %lt3A_192 = arith.cmpi slt, %add3A_190, %lt3A_191 : i32
      %convert_element_type3A_193 = arith.extui %lt3A_192 : i1 to i32
      %cond3A_194 = arith.constant 0 : i32
      %cond3A_195 = arith.cmpi ne, %convert_element_type3A_193, %cond3A_194 : i32
      scf.if %cond3A_195 {
        %add3A_223 = arith.constant 4 : i32
        %add3A_224 = arith.addi %add3A_170, %add3A_223 : i32
        %dma_start3A_225 = tpu.memref_slice %arg3[%add3A_224, %mul3A_2] : memref<100x16384xi32, #tpu.memory_space<hbm>> -> memref<1x512xi32, #tpu.memory_space<hbm>>
        %dma_start3A_226 = tpu.memref_squeeze %dma_start3A_225 : memref<1x512xi32, #tpu.memory_space<hbm>> -> memref<512xi32, #tpu.memory_space<hbm>>
        %dma_start3A_227 = tpu.memref_slice %arg3[%add3A_224, %mul3A_2] : memref<100x16384xi32, #tpu.memory_space<hbm>> -> memref<1x512xi32, #tpu.memory_space<hbm>>
        %dma_start3A_228 = tpu.memref_squeeze %dma_start3A_227 : memref<1x512xi32, #tpu.memory_space<hbm>> -> memref<512xi32, #tpu.memory_space<hbm>>
        tpu.enqueue_dma source(%dma_start3A_228 : memref<512xi32, #tpu.memory_space<hbm>>) target(%arg8 : memref<512xi32, #tpu.memory_space<vmem>>) target_semaphore(%arg16 : memref<!tpu.dma_semaphore, #tpu.memory_space<semaphore_mem>>)
      } else {
      }
      %add3A_196 = arith.constant 3 : i32
      %add3A_197 = arith.addi %mul3A_119, %add3A_196 : i32
      %dma_wait3A_198 = tpu.memref_slice %arg3[%add3A_197, %mul3A_2] : memref<100x16384xi32, #tpu.memory_space<hbm>> -> memref<1x512xi32, #tpu.memory_space<hbm>>
      %dma_wait3A_199 = tpu.memref_squeeze %dma_wait3A_198 : memref<1x512xi32, #tpu.memory_space<hbm>> -> memref<512xi32, #tpu.memory_space<hbm>>
      %dma_wait3A_200 = tpu.memref_slice %arg3[%add3A_197, %mul3A_2] : memref<100x16384xi32, #tpu.memory_space<hbm>> -> memref<1x512xi32, #tpu.memory_space<hbm>>
      %dma_wait3A_201 = tpu.memref_squeeze %dma_wait3A_200 : memref<1x512xi32, #tpu.memory_space<hbm>> -> memref<512xi32, #tpu.memory_space<hbm>>
      tpu.wait_dma2 semaphore(%arg17 : memref<!tpu.dma_semaphore, #tpu.memory_space<semaphore_mem>>) src(%dma_wait3A_201 : memref<512xi32, #tpu.memory_space<hbm>>) dst(%arg9 : memref<512xi32, #tpu.memory_space<vmem>>)
      %gt3A_202 = arith.constant 0 : i32
      %gt3A_203 = arith.cmpi sgt, %scan3A_117, %gt3A_202 : i32
      %convert_element_type3A_204 = arith.extui %gt3A_203 : i1 to i32
      %cond3A_205 = arith.constant 0 : i32
      %cond3A_206 = arith.cmpi ne, %convert_element_type3A_204, %cond3A_205 : i32
      scf.if %cond3A_206 {
        %sub3A = arith.constant 4 : i32
        %sub3A_223 = arith.subi %add3A_197, %sub3A : i32
        %dma_wait3A_224 = arith.constant 0 : i32
        %dma_wait3A_225 = tpu.memref_slice %arg4[%sub3A_223, %dma_wait3A_224, %mul3A_2] : memref<100x32x16384xf32, #tpu.memory_space<hbm>> -> memref<1x32x512xf32, #tpu.memory_space<hbm>>
        %dma_wait3A_226 = tpu.memref_squeeze %dma_wait3A_225 : memref<1x32x512xf32, #tpu.memory_space<hbm>> -> memref<32x512xf32, #tpu.memory_space<hbm>>
        %dma_wait3A_227 = arith.constant 0 : i32
        %dma_wait3A_228 = tpu.memref_slice %arg4[%sub3A_223, %dma_wait3A_227, %mul3A_2] : memref<100x32x16384xf32, #tpu.memory_space<hbm>> -> memref<1x32x512xf32, #tpu.memory_space<hbm>>
        %dma_wait3A_229 = tpu.memref_squeeze %dma_wait3A_228 : memref<1x32x512xf32, #tpu.memory_space<hbm>> -> memref<32x512xf32, #tpu.memory_space<hbm>>
        tpu.wait_dma2 semaphore(%arg21 : memref<!tpu.dma_semaphore, #tpu.memory_space<semaphore_mem>>) src(%arg13 : memref<32x512xf32, #tpu.memory_space<vmem>>) dst(%dma_wait3A_229 : memref<32x512xf32, #tpu.memory_space<hbm>>)
      } else {
      }
      %parallel_loop3A_207 = arith.constant 0 : i32
      %parallel_loop3A_208 = arith.constant 32 : i32
      %parallel_loop3A_209 = arith.constant 1 : i32
      scf.for %parallel_loop3A_223 = %parallel_loop3A_207 to %parallel_loop3A_208 step %parallel_loop3A_209  : i32 {
        %parallel_loop3A_224 = arith.constant 16 : i32
        %parallel_loop3A_225 = arith.muli %parallel_loop3A_223, %parallel_loop3A_224 : i32
        %parallel_loop3A_226 = arith.index_cast %parallel_loop3A_225 : i32 to index
        %parallel_loop3A_227 = tpu.vector_load %arg9[%parallel_loop3A_226] {strides = array<i32>} : memref<512xi32, #tpu.memory_space<vmem>>, vector<16xi32>,
        %parallel_loop3A_228 = tpu.vector_load_idx %arg5[%broadcast_in_dim3A_3, %parallel_loop3A_227] : memref<32x1000xf32, #tpu.memory_space<vmem>>[vector<16xi32>, vector<16xi32>], vector<16xf32>,
        %parallel_loop3A_229 = tpu.vector_load_idx %arg5[%broadcast_in_dim3A_5, %parallel_loop3A_227] : memref<32x1000xf32, #tpu.memory_space<vmem>>[vector<16xi32>, vector<16xi32>], vector<16xf32>,
        %parallel_loop3A_230 = tpu.vector_load_idx %arg5[%broadcast_in_dim3A_7, %parallel_loop3A_227] : memref<32x1000xf32, #tpu.memory_space<vmem>>[vector<16xi32>, vector<16xi32>], vector<16xf32>,
        %parallel_loop3A_231 = tpu.vector_load_idx %arg5[%broadcast_in_dim3A_9, %parallel_loop3A_227] : memref<32x1000xf32, #tpu.memory_space<vmem>>[vector<16xi32>, vector<16xi32>], vector<16xf32>,
        %parallel_loop3A_232 = tpu.vector_load_idx %arg5[%broadcast_in_dim3A_11, %parallel_loop3A_227] : memref<32x1000xf32, #tpu.memory_space<vmem>>[vector<16xi32>, vector<16xi32>], vector<16xf32>,
        %parallel_loop3A_233 = tpu.vector_load_idx %arg5[%broadcast_in_dim3A_13, %parallel_loop3A_227] : memref<32x1000xf32, #tpu.memory_space<vmem>>[vector<16xi32>, vector<16xi32>], vector<16xf32>,
        %parallel_loop3A_234 = tpu.vector_load_idx %arg5[%broadcast_in_dim3A_15, %parallel_loop3A_227] : memref<32x1000xf32, #tpu.memory_space<vmem>>[vector<16xi32>, vector<16xi32>], vector<16xf32>,
        %parallel_loop3A_235 = tpu.vector_load_idx %arg5[%broadcast_in_dim3A_17, %parallel_loop3A_227] : memref<32x1000xf32, #tpu.memory_space<vmem>>[vector<16xi32>, vector<16xi32>], vector<16xf32>,
        %parallel_loop3A_236 = tpu.vector_load_idx %arg5[%broadcast_in_dim3A_19, %parallel_loop3A_227] : memref<32x1000xf32, #tpu.memory_space<vmem>>[vector<16xi32>, vector<16xi32>], vector<16xf32>,
        %parallel_loop3A_237 = tpu.vector_load_idx %arg5[%broadcast_in_dim3A_21, %parallel_loop3A_227] : memref<32x1000xf32, #tpu.memory_space<vmem>>[vector<16xi32>, vector<16xi32>], vector<16xf32>,
        %parallel_loop3A_238 = tpu.vector_load_idx %arg5[%broadcast_in_dim3A_23, %parallel_loop3A_227] : memref<32x1000xf32, #tpu.memory_space<vmem>>[vector<16xi32>, vector<16xi32>], vector<16xf32>,
        %parallel_loop3A_239 = tpu.vector_load_idx %arg5[%broadcast_in_dim3A_25, %parallel_loop3A_227] : memref<32x1000xf32, #tpu.memory_space<vmem>>[vector<16xi32>, vector<16xi32>], vector<16xf32>,
        %parallel_loop3A_240 = tpu.vector_load_idx %arg5[%broadcast_in_dim3A_27, %parallel_loop3A_227] : memref<32x1000xf32, #tpu.memory_space<vmem>>[vector<16xi32>, vector<16xi32>], vector<16xf32>,
        %parallel_loop3A_241 = tpu.vector_load_idx %arg5[%broadcast_in_dim3A_29, %parallel_loop3A_227] : memref<32x1000xf32, #tpu.memory_space<vmem>>[vector<16xi32>, vector<16xi32>], vector<16xf32>,
        %parallel_loop3A_242 = tpu.vector_load_idx %arg5[%broadcast_in_dim3A_31, %parallel_loop3A_227] : memref<32x1000xf32, #tpu.memory_space<vmem>>[vector<16xi32>, vector<16xi32>], vector<16xf32>,
        %parallel_loop3A_243 = tpu.vector_load_idx %arg5[%broadcast_in_dim3A_33, %parallel_loop3A_227] : memref<32x1000xf32, #tpu.memory_space<vmem>>[vector<16xi32>, vector<16xi32>], vector<16xf32>,
        %parallel_loop3A_244 = tpu.vector_load_idx %arg5[%broadcast_in_dim3A_35, %parallel_loop3A_227] : memref<32x1000xf32, #tpu.memory_space<vmem>>[vector<16xi32>, vector<16xi32>], vector<16xf32>,
        %parallel_loop3A_245 = tpu.vector_load_idx %arg5[%broadcast_in_dim3A_37, %parallel_loop3A_227] : memref<32x1000xf32, #tpu.memory_space<vmem>>[vector<16xi32>, vector<16xi32>], vector<16xf32>,
        %parallel_loop3A_246 = tpu.vector_load_idx %arg5[%broadcast_in_dim3A_39, %parallel_loop3A_227] : memref<32x1000xf32, #tpu.memory_space<vmem>>[vector<16xi32>, vector<16xi32>], vector<16xf32>,
        %parallel_loop3A_247 = tpu.vector_load_idx %arg5[%broadcast_in_dim3A_41, %parallel_loop3A_227] : memref<32x1000xf32, #tpu.memory_space<vmem>>[vector<16xi32>, vector<16xi32>], vector<16xf32>,
        %parallel_loop3A_248 = tpu.vector_load_idx %arg5[%broadcast_in_dim3A_43, %parallel_loop3A_227] : memref<32x1000xf32, #tpu.memory_space<vmem>>[vector<16xi32>, vector<16xi32>], vector<16xf32>,
        %parallel_loop3A_249 = tpu.vector_load_idx %arg5[%broadcast_in_dim3A_45, %parallel_loop3A_227] : memref<32x1000xf32, #tpu.memory_space<vmem>>[vector<16xi32>, vector<16xi32>], vector<16xf32>,
        %parallel_loop3A_250 = tpu.vector_load_idx %arg5[%broadcast_in_dim3A_47, %parallel_loop3A_227] : memref<32x1000xf32, #tpu.memory_space<vmem>>[vector<16xi32>, vector<16xi32>], vector<16xf32>,
        %parallel_loop3A_251 = tpu.vector_load_idx %arg5[%broadcast_in_dim3A_49, %parallel_loop3A_227] : memref<32x1000xf32, #tpu.memory_space<vmem>>[vector<16xi32>, vector<16xi32>], vector<16xf32>,
        %parallel_loop3A_252 = tpu.vector_load_idx %arg5[%broadcast_in_dim3A_51, %parallel_loop3A_227] : memref<32x1000xf32, #tpu.memory_space<vmem>>[vector<16xi32>, vector<16xi32>], vector<16xf32>,
        %parallel_loop3A_253 = tpu.vector_load_idx %arg5[%broadcast_in_dim3A_53, %parallel_loop3A_227] : memref<32x1000xf32, #tpu.memory_space<vmem>>[vector<16xi32>, vector<16xi32>], vector<16xf32>,
        %parallel_loop3A_254 = tpu.vector_load_idx %arg5[%broadcast_in_dim3A_55, %parallel_loop3A_227] : memref<32x1000xf32, #tpu.memory_space<vmem>>[vector<16xi32>, vector<16xi32>], vector<16xf32>,
        %parallel_loop3A_255 = tpu.vector_load_idx %arg5[%broadcast_in_dim3A_57, %parallel_loop3A_227] : memref<32x1000xf32, #tpu.memory_space<vmem>>[vector<16xi32>, vector<16xi32>], vector<16xf32>,
        %parallel_loop3A_256 = tpu.vector_load_idx %arg5[%broadcast_in_dim3A_59, %parallel_loop3A_227] : memref<32x1000xf32, #tpu.memory_space<vmem>>[vector<16xi32>, vector<16xi32>], vector<16xf32>,
        %parallel_loop3A_257 = tpu.vector_load_idx %arg5[%broadcast_in_dim3A_61, %parallel_loop3A_227] : memref<32x1000xf32, #tpu.memory_space<vmem>>[vector<16xi32>, vector<16xi32>], vector<16xf32>,
        %parallel_loop3A_258 = tpu.vector_load_idx %arg5[%broadcast_in_dim3A_63, %parallel_loop3A_227] : memref<32x1000xf32, #tpu.memory_space<vmem>>[vector<16xi32>, vector<16xi32>], vector<16xf32>,
        %parallel_loop3A_259 = tpu.vector_load_idx %arg5[%broadcast_in_dim3A_65, %parallel_loop3A_227] : memref<32x1000xf32, #tpu.memory_space<vmem>>[vector<16xi32>, vector<16xi32>], vector<16xf32>,
        %parallel_loop3A_260 = arith.constant 16 : i32
        %parallel_loop3A_261 = arith.muli %parallel_loop3A_223, %parallel_loop3A_260 : i32
        %parallel_loop3A_262 = arith.constant 0 : i32
        %parallel_loop3A_263 = arith.index_cast %parallel_loop3A_262 : i32 to index
        %parallel_loop3A_264 = arith.index_cast %parallel_loop3A_261 : i32 to index
        %parallel_loop3A_265 = tpu.vector_load %arg13[%parallel_loop3A_263, %parallel_loop3A_264] {strides = array<i32>} : memref<32x512xf32, #tpu.memory_space<vmem>>, vector<16xf32>,
        tpu.vector_store %arg13[%parallel_loop3A_263, %parallel_loop3A_264], %parallel_loop3A_228 {strides = array<i32>} : memref<32x512xf32, #tpu.memory_space<vmem>>, vector<16xf32>,
        %parallel_loop3A_266 = arith.constant 16 : i32
        %parallel_loop3A_267 = arith.muli %parallel_loop3A_223, %parallel_loop3A_266 : i32
        %parallel_loop3A_268 = arith.constant 1 : i32
        %parallel_loop3A_269 = arith.index_cast %parallel_loop3A_268 : i32 to index
        %parallel_loop3A_270 = arith.index_cast %parallel_loop3A_267 : i32 to index
        %parallel_loop3A_271 = tpu.vector_load %arg13[%parallel_loop3A_269, %parallel_loop3A_270] {strides = array<i32>} : memref<32x512xf32, #tpu.memory_space<vmem>>, vector<16xf32>,
        tpu.vector_store %arg13[%parallel_loop3A_269, %parallel_loop3A_270], %parallel_loop3A_229 {strides = array<i32>} : memref<32x512xf32, #tpu.memory_space<vmem>>, vector<16xf32>,
        %parallel_loop3A_272 = arith.constant 16 : i32
        %parallel_loop3A_273 = arith.muli %parallel_loop3A_223, %parallel_loop3A_272 : i32
        %parallel_loop3A_274 = arith.constant 2 : i32
        %parallel_loop3A_275 = arith.index_cast %parallel_loop3A_274 : i32 to index
        %parallel_loop3A_276 = arith.index_cast %parallel_loop3A_273 : i32 to index
        %parallel_loop3A_277 = tpu.vector_load %arg13[%parallel_loop3A_275, %parallel_loop3A_276] {strides = array<i32>} : memref<32x512xf32, #tpu.memory_space<vmem>>, vector<16xf32>,
        tpu.vector_store %arg13[%parallel_loop3A_275, %parallel_loop3A_276], %parallel_loop3A_230 {strides = array<i32>} : memref<32x512xf32, #tpu.memory_space<vmem>>, vector<16xf32>,
        %parallel_loop3A_278 = arith.constant 16 : i32
        %parallel_loop3A_279 = arith.muli %parallel_loop3A_223, %parallel_loop3A_278 : i32
        %parallel_loop3A_280 = arith.constant 3 : i32
        %parallel_loop3A_281 = arith.index_cast %parallel_loop3A_280 : i32 to index
        %parallel_loop3A_282 = arith.index_cast %parallel_loop3A_279 : i32 to index
        %parallel_loop3A_283 = tpu.vector_load %arg13[%parallel_loop3A_281, %parallel_loop3A_282] {strides = array<i32>} : memref<32x512xf32, #tpu.memory_space<vmem>>, vector<16xf32>,
        tpu.vector_store %arg13[%parallel_loop3A_281, %parallel_loop3A_282], %parallel_loop3A_231 {strides = array<i32>} : memref<32x512xf32, #tpu.memory_space<vmem>>, vector<16xf32>,
        %parallel_loop3A_284 = arith.constant 16 : i32
        %parallel_loop3A_285 = arith.muli %parallel_loop3A_223, %parallel_loop3A_284 : i32
        %parallel_loop3A_286 = arith.constant 4 : i32
        %parallel_loop3A_287 = arith.index_cast %parallel_loop3A_286 : i32 to index
        %parallel_loop3A_288 = arith.index_cast %parallel_loop3A_285 : i32 to index
        %parallel_loop3A_289 = tpu.vector_load %arg13[%parallel_loop3A_287, %parallel_loop3A_288] {strides = array<i32>} : memref<32x512xf32, #tpu.memory_space<vmem>>, vector<16xf32>,
        tpu.vector_store %arg13[%parallel_loop3A_287, %parallel_loop3A_288], %parallel_loop3A_232 {strides = array<i32>} : memref<32x512xf32, #tpu.memory_space<vmem>>, vector<16xf32>,
        %parallel_loop3A_290 = arith.constant 16 : i32
        %parallel_loop3A_291 = arith.muli %parallel_loop3A_223, %parallel_loop3A_290 : i32
        %parallel_loop3A_292 = arith.constant 5 : i32
        %parallel_loop3A_293 = arith.index_cast %parallel_loop3A_292 : i32 to index
        %parallel_loop3A_294 = arith.index_cast %parallel_loop3A_291 : i32 to index
        %parallel_loop3A_295 = tpu.vector_load %arg13[%parallel_loop3A_293, %parallel_loop3A_294] {strides = array<i32>} : memref<32x512xf32, #tpu.memory_space<vmem>>, vector<16xf32>,
        tpu.vector_store %arg13[%parallel_loop3A_293, %parallel_loop3A_294], %parallel_loop3A_233 {strides = array<i32>} : memref<32x512xf32, #tpu.memory_space<vmem>>, vector<16xf32>,
        %parallel_loop3A_296 = arith.constant 16 : i32
        %parallel_loop3A_297 = arith.muli %parallel_loop3A_223, %parallel_loop3A_296 : i32
        %parallel_loop3A_298 = arith.constant 6 : i32
        %parallel_loop3A_299 = arith.index_cast %parallel_loop3A_298 : i32 to index
        %parallel_loop3A_300 = arith.index_cast %parallel_loop3A_297 : i32 to index
        %parallel_loop3A_301 = tpu.vector_load %arg13[%parallel_loop3A_299, %parallel_loop3A_300] {strides = array<i32>} : memref<32x512xf32, #tpu.memory_space<vmem>>, vector<16xf32>,
        tpu.vector_store %arg13[%parallel_loop3A_299, %parallel_loop3A_300], %parallel_loop3A_234 {strides = array<i32>} : memref<32x512xf32, #tpu.memory_space<vmem>>, vector<16xf32>,
        %parallel_loop3A_302 = arith.constant 16 : i32
        %parallel_loop3A_303 = arith.muli %parallel_loop3A_223, %parallel_loop3A_302 : i32
        %parallel_loop3A_304 = arith.constant 7 : i32
        %parallel_loop3A_305 = arith.index_cast %parallel_loop3A_304 : i32 to index
        %parallel_loop3A_306 = arith.index_cast %parallel_loop3A_303 : i32 to index
        %parallel_loop3A_307 = tpu.vector_load %arg13[%parallel_loop3A_305, %parallel_loop3A_306] {strides = array<i32>} : memref<32x512xf32, #tpu.memory_space<vmem>>, vector<16xf32>,
        tpu.vector_store %arg13[%parallel_loop3A_305, %parallel_loop3A_306], %parallel_loop3A_235 {strides = array<i32>} : memref<32x512xf32, #tpu.memory_space<vmem>>, vector<16xf32>,
        %parallel_loop3A_308 = arith.constant 16 : i32
        %parallel_loop3A_309 = arith.muli %parallel_loop3A_223, %parallel_loop3A_308 : i32
        %parallel_loop3A_310 = arith.constant 8 : i32
        %parallel_loop3A_311 = arith.index_cast %parallel_loop3A_310 : i32 to index
        %parallel_loop3A_312 = arith.index_cast %parallel_loop3A_309 : i32 to index
        %parallel_loop3A_313 = tpu.vector_load %arg13[%parallel_loop3A_311, %parallel_loop3A_312] {strides = array<i32>} : memref<32x512xf32, #tpu.memory_space<vmem>>, vector<16xf32>,
        tpu.vector_store %arg13[%parallel_loop3A_311, %parallel_loop3A_312], %parallel_loop3A_236 {strides = array<i32>} : memref<32x512xf32, #tpu.memory_space<vmem>>, vector<16xf32>,
        %parallel_loop3A_314 = arith.constant 16 : i32
        %parallel_loop3A_315 = arith.muli %parallel_loop3A_223, %parallel_loop3A_314 : i32
        %parallel_loop3A_316 = arith.constant 9 : i32
        %parallel_loop3A_317 = arith.index_cast %parallel_loop3A_316 : i32 to index
        %parallel_loop3A_318 = arith.index_cast %parallel_loop3A_315 : i32 to index
        %parallel_loop3A_319 = tpu.vector_load %arg13[%parallel_loop3A_317, %parallel_loop3A_318] {strides = array<i32>} : memref<32x512xf32, #tpu.memory_space<vmem>>, vector<16xf32>,
        tpu.vector_store %arg13[%parallel_loop3A_317, %parallel_loop3A_318], %parallel_loop3A_237 {strides = array<i32>} : memref<32x512xf32, #tpu.memory_space<vmem>>, vector<16xf32>,
        %parallel_loop3A_320 = arith.constant 16 : i32
        %parallel_loop3A_321 = arith.muli %parallel_loop3A_223, %parallel_loop3A_320 : i32
        %parallel_loop3A_322 = arith.constant 10 : i32
        %parallel_loop3A_323 = arith.index_cast %parallel_loop3A_322 : i32 to index
        %parallel_loop3A_324 = arith.index_cast %parallel_loop3A_321 : i32 to index
        %parallel_loop3A_325 = tpu.vector_load %arg13[%parallel_loop3A_323, %parallel_loop3A_324] {strides = array<i32>} : memref<32x512xf32, #tpu.memory_space<vmem>>, vector<16xf32>,
        tpu.vector_store %arg13[%parallel_loop3A_323, %parallel_loop3A_324], %parallel_loop3A_238 {strides = array<i32>} : memref<32x512xf32, #tpu.memory_space<vmem>>, vector<16xf32>,
        %parallel_loop3A_326 = arith.constant 16 : i32
        %parallel_loop3A_327 = arith.muli %parallel_loop3A_223, %parallel_loop3A_326 : i32
        %parallel_loop3A_328 = arith.constant 11 : i32
        %parallel_loop3A_329 = arith.index_cast %parallel_loop3A_328 : i32 to index
        %parallel_loop3A_330 = arith.index_cast %parallel_loop3A_327 : i32 to index
        %parallel_loop3A_331 = tpu.vector_load %arg13[%parallel_loop3A_329, %parallel_loop3A_330] {strides = array<i32>} : memref<32x512xf32, #tpu.memory_space<vmem>>, vector<16xf32>,
        tpu.vector_store %arg13[%parallel_loop3A_329, %parallel_loop3A_330], %parallel_loop3A_239 {strides = array<i32>} : memref<32x512xf32, #tpu.memory_space<vmem>>, vector<16xf32>,
        %parallel_loop3A_332 = arith.constant 16 : i32
        %parallel_loop3A_333 = arith.muli %parallel_loop3A_223, %parallel_loop3A_332 : i32
        %parallel_loop3A_334 = arith.constant 12 : i32
        %parallel_loop3A_335 = arith.index_cast %parallel_loop3A_334 : i32 to index
        %parallel_loop3A_336 = arith.index_cast %parallel_loop3A_333 : i32 to index
        %parallel_loop3A_337 = tpu.vector_load %arg13[%parallel_loop3A_335, %parallel_loop3A_336] {strides = array<i32>} : memref<32x512xf32, #tpu.memory_space<vmem>>, vector<16xf32>,
        tpu.vector_store %arg13[%parallel_loop3A_335, %parallel_loop3A_336], %parallel_loop3A_240 {strides = array<i32>} : memref<32x512xf32, #tpu.memory_space<vmem>>, vector<16xf32>,
        %parallel_loop3A_338 = arith.constant 16 : i32
        %parallel_loop3A_339 = arith.muli %parallel_loop3A_223, %parallel_loop3A_338 : i32
        %parallel_loop3A_340 = arith.constant 13 : i32
        %parallel_loop3A_341 = arith.index_cast %parallel_loop3A_340 : i32 to index
        %parallel_loop3A_342 = arith.index_cast %parallel_loop3A_339 : i32 to index
        %parallel_loop3A_343 = tpu.vector_load %arg13[%parallel_loop3A_341, %parallel_loop3A_342] {strides = array<i32>} : memref<32x512xf32, #tpu.memory_space<vmem>>, vector<16xf32>,
        tpu.vector_store %arg13[%parallel_loop3A_341, %parallel_loop3A_342], %parallel_loop3A_241 {strides = array<i32>} : memref<32x512xf32, #tpu.memory_space<vmem>>, vector<16xf32>,
        %parallel_loop3A_344 = arith.constant 16 : i32
        %parallel_loop3A_345 = arith.muli %parallel_loop3A_223, %parallel_loop3A_344 : i32
        %parallel_loop3A_346 = arith.constant 14 : i32
        %parallel_loop3A_347 = arith.index_cast %parallel_loop3A_346 : i32 to index
        %parallel_loop3A_348 = arith.index_cast %parallel_loop3A_345 : i32 to index
        %parallel_loop3A_349 = tpu.vector_load %arg13[%parallel_loop3A_347, %parallel_loop3A_348] {strides = array<i32>} : memref<32x512xf32, #tpu.memory_space<vmem>>, vector<16xf32>,
        tpu.vector_store %arg13[%parallel_loop3A_347, %parallel_loop3A_348], %parallel_loop3A_242 {strides = array<i32>} : memref<32x512xf32, #tpu.memory_space<vmem>>, vector<16xf32>,
        %parallel_loop3A_350 = arith.constant 16 : i32
        %parallel_loop3A_351 = arith.muli %parallel_loop3A_223, %parallel_loop3A_350 : i32
        %parallel_loop3A_352 = arith.constant 15 : i32
        %parallel_loop3A_353 = arith.index_cast %parallel_loop3A_352 : i32 to index
        %parallel_loop3A_354 = arith.index_cast %parallel_loop3A_351 : i32 to index
        %parallel_loop3A_355 = tpu.vector_load %arg13[%parallel_loop3A_353, %parallel_loop3A_354] {strides = array<i32>} : memref<32x512xf32, #tpu.memory_space<vmem>>, vector<16xf32>,
        tpu.vector_store %arg13[%parallel_loop3A_353, %parallel_loop3A_354], %parallel_loop3A_243 {strides = array<i32>} : memref<32x512xf32, #tpu.memory_space<vmem>>, vector<16xf32>,
        %parallel_loop3A_356 = arith.constant 16 : i32
        %parallel_loop3A_357 = arith.muli %parallel_loop3A_223, %parallel_loop3A_356 : i32
        %parallel_loop3A_358 = arith.constant 16 : i32
        %parallel_loop3A_359 = arith.index_cast %parallel_loop3A_358 : i32 to index
        %parallel_loop3A_360 = arith.index_cast %parallel_loop3A_357 : i32 to index
        %parallel_loop3A_361 = tpu.vector_load %arg13[%parallel_loop3A_359, %parallel_loop3A_360] {strides = array<i32>} : memref<32x512xf32, #tpu.memory_space<vmem>>, vector<16xf32>,
        tpu.vector_store %arg13[%parallel_loop3A_359, %parallel_loop3A_360], %parallel_loop3A_244 {strides = array<i32>} : memref<32x512xf32, #tpu.memory_space<vmem>>, vector<16xf32>,
        %parallel_loop3A_362 = arith.constant 16 : i32
        %parallel_loop3A_363 = arith.muli %parallel_loop3A_223, %parallel_loop3A_362 : i32
        %parallel_loop3A_364 = arith.constant 17 : i32
        %parallel_loop3A_365 = arith.index_cast %parallel_loop3A_364 : i32 to index
        %parallel_loop3A_366 = arith.index_cast %parallel_loop3A_363 : i32 to index
        %parallel_loop3A_367 = tpu.vector_load %arg13[%parallel_loop3A_365, %parallel_loop3A_366] {strides = array<i32>} : memref<32x512xf32, #tpu.memory_space<vmem>>, vector<16xf32>,
        tpu.vector_store %arg13[%parallel_loop3A_365, %parallel_loop3A_366], %parallel_loop3A_245 {strides = array<i32>} : memref<32x512xf32, #tpu.memory_space<vmem>>, vector<16xf32>,
        %parallel_loop3A_368 = arith.constant 16 : i32
        %parallel_loop3A_369 = arith.muli %parallel_loop3A_223, %parallel_loop3A_368 : i32
        %parallel_loop3A_370 = arith.constant 18 : i32
        %parallel_loop3A_371 = arith.index_cast %parallel_loop3A_370 : i32 to index
        %parallel_loop3A_372 = arith.index_cast %parallel_loop3A_369 : i32 to index
        %parallel_loop3A_373 = tpu.vector_load %arg13[%parallel_loop3A_371, %parallel_loop3A_372] {strides = array<i32>} : memref<32x512xf32, #tpu.memory_space<vmem>>, vector<16xf32>,
        tpu.vector_store %arg13[%parallel_loop3A_371, %parallel_loop3A_372], %parallel_loop3A_246 {strides = array<i32>} : memref<32x512xf32, #tpu.memory_space<vmem>>, vector<16xf32>,
        %parallel_loop3A_374 = arith.constant 16 : i32
        %parallel_loop3A_375 = arith.muli %parallel_loop3A_223, %parallel_loop3A_374 : i32
        %parallel_loop3A_376 = arith.constant 19 : i32
        %parallel_loop3A_377 = arith.index_cast %parallel_loop3A_376 : i32 to index
        %parallel_loop3A_378 = arith.index_cast %parallel_loop3A_375 : i32 to index
        %parallel_loop3A_379 = tpu.vector_load %arg13[%parallel_loop3A_377, %parallel_loop3A_378] {strides = array<i32>} : memref<32x512xf32, #tpu.memory_space<vmem>>, vector<16xf32>,
        tpu.vector_store %arg13[%parallel_loop3A_377, %parallel_loop3A_378], %parallel_loop3A_247 {strides = array<i32>} : memref<32x512xf32, #tpu.memory_space<vmem>>, vector<16xf32>,
        %parallel_loop3A_380 = arith.constant 16 : i32
        %parallel_loop3A_381 = arith.muli %parallel_loop3A_223, %parallel_loop3A_380 : i32
        %parallel_loop3A_382 = arith.constant 20 : i32
        %parallel_loop3A_383 = arith.index_cast %parallel_loop3A_382 : i32 to index
        %parallel_loop3A_384 = arith.index_cast %parallel_loop3A_381 : i32 to index
        %parallel_loop3A_385 = tpu.vector_load %arg13[%parallel_loop3A_383, %parallel_loop3A_384] {strides = array<i32>} : memref<32x512xf32, #tpu.memory_space<vmem>>, vector<16xf32>,
        tpu.vector_store %arg13[%parallel_loop3A_383, %parallel_loop3A_384], %parallel_loop3A_248 {strides = array<i32>} : memref<32x512xf32, #tpu.memory_space<vmem>>, vector<16xf32>,
        %parallel_loop3A_386 = arith.constant 16 : i32
        %parallel_loop3A_387 = arith.muli %parallel_loop3A_223, %parallel_loop3A_386 : i32
        %parallel_loop3A_388 = arith.constant 21 : i32
        %parallel_loop3A_389 = arith.index_cast %parallel_loop3A_388 : i32 to index
        %parallel_loop3A_390 = arith.index_cast %parallel_loop3A_387 : i32 to index
        %parallel_loop3A_391 = tpu.vector_load %arg13[%parallel_loop3A_389, %parallel_loop3A_390] {strides = array<i32>} : memref<32x512xf32, #tpu.memory_space<vmem>>, vector<16xf32>,
        tpu.vector_store %arg13[%parallel_loop3A_389, %parallel_loop3A_390], %parallel_loop3A_249 {strides = array<i32>} : memref<32x512xf32, #tpu.memory_space<vmem>>, vector<16xf32>,
        %parallel_loop3A_392 = arith.constant 16 : i32
        %parallel_loop3A_393 = arith.muli %parallel_loop3A_223, %parallel_loop3A_392 : i32
        %parallel_loop3A_394 = arith.constant 22 : i32
        %parallel_loop3A_395 = arith.index_cast %parallel_loop3A_394 : i32 to index
        %parallel_loop3A_396 = arith.index_cast %parallel_loop3A_393 : i32 to index
        %parallel_loop3A_397 = tpu.vector_load %arg13[%parallel_loop3A_395, %parallel_loop3A_396] {strides = array<i32>} : memref<32x512xf32, #tpu.memory_space<vmem>>, vector<16xf32>,
        tpu.vector_store %arg13[%parallel_loop3A_395, %parallel_loop3A_396], %parallel_loop3A_250 {strides = array<i32>} : memref<32x512xf32, #tpu.memory_space<vmem>>, vector<16xf32>,
        %parallel_loop3A_398 = arith.constant 16 : i32
        %parallel_loop3A_399 = arith.muli %parallel_loop3A_223, %parallel_loop3A_398 : i32
        %parallel_loop3A_400 = arith.constant 23 : i32
        %parallel_loop3A_401 = arith.index_cast %parallel_loop3A_400 : i32 to index
        %parallel_loop3A_402 = arith.index_cast %parallel_loop3A_399 : i32 to index
        %parallel_loop3A_403 = tpu.vector_load %arg13[%parallel_loop3A_401, %parallel_loop3A_402] {strides = array<i32>} : memref<32x512xf32, #tpu.memory_space<vmem>>, vector<16xf32>,
        tpu.vector_store %arg13[%parallel_loop3A_401, %parallel_loop3A_402], %parallel_loop3A_251 {strides = array<i32>} : memref<32x512xf32, #tpu.memory_space<vmem>>, vector<16xf32>,
        %parallel_loop3A_404 = arith.constant 16 : i32
        %parallel_loop3A_405 = arith.muli %parallel_loop3A_223, %parallel_loop3A_404 : i32
        %parallel_loop3A_406 = arith.constant 24 : i32
        %parallel_loop3A_407 = arith.index_cast %parallel_loop3A_406 : i32 to index
        %parallel_loop3A_408 = arith.index_cast %parallel_loop3A_405 : i32 to index
        %parallel_loop3A_409 = tpu.vector_load %arg13[%parallel_loop3A_407, %parallel_loop3A_408] {strides = array<i32>} : memref<32x512xf32, #tpu.memory_space<vmem>>, vector<16xf32>,
        tpu.vector_store %arg13[%parallel_loop3A_407, %parallel_loop3A_408], %parallel_loop3A_252 {strides = array<i32>} : memref<32x512xf32, #tpu.memory_space<vmem>>, vector<16xf32>,
        %parallel_loop3A_410 = arith.constant 16 : i32
        %parallel_loop3A_411 = arith.muli %parallel_loop3A_223, %parallel_loop3A_410 : i32
        %parallel_loop3A_412 = arith.constant 25 : i32
        %parallel_loop3A_413 = arith.index_cast %parallel_loop3A_412 : i32 to index
        %parallel_loop3A_414 = arith.index_cast %parallel_loop3A_411 : i32 to index
        %parallel_loop3A_415 = tpu.vector_load %arg13[%parallel_loop3A_413, %parallel_loop3A_414] {strides = array<i32>} : memref<32x512xf32, #tpu.memory_space<vmem>>, vector<16xf32>,
        tpu.vector_store %arg13[%parallel_loop3A_413, %parallel_loop3A_414], %parallel_loop3A_253 {strides = array<i32>} : memref<32x512xf32, #tpu.memory_space<vmem>>, vector<16xf32>,
        %parallel_loop3A_416 = arith.constant 16 : i32
        %parallel_loop3A_417 = arith.muli %parallel_loop3A_223, %parallel_loop3A_416 : i32
        %parallel_loop3A_418 = arith.constant 26 : i32
        %parallel_loop3A_419 = arith.index_cast %parallel_loop3A_418 : i32 to index
        %parallel_loop3A_420 = arith.index_cast %parallel_loop3A_417 : i32 to index
        %parallel_loop3A_421 = tpu.vector_load %arg13[%parallel_loop3A_419, %parallel_loop3A_420] {strides = array<i32>} : memref<32x512xf32, #tpu.memory_space<vmem>>, vector<16xf32>,
        tpu.vector_store %arg13[%parallel_loop3A_419, %parallel_loop3A_420], %parallel_loop3A_254 {strides = array<i32>} : memref<32x512xf32, #tpu.memory_space<vmem>>, vector<16xf32>,
        %parallel_loop3A_422 = arith.constant 16 : i32
        %parallel_loop3A_423 = arith.muli %parallel_loop3A_223, %parallel_loop3A_422 : i32
        %parallel_loop3A_424 = arith.constant 27 : i32
        %parallel_loop3A_425 = arith.index_cast %parallel_loop3A_424 : i32 to index
        %parallel_loop3A_426 = arith.index_cast %parallel_loop3A_423 : i32 to index
        %parallel_loop3A_427 = tpu.vector_load %arg13[%parallel_loop3A_425, %parallel_loop3A_426] {strides = array<i32>} : memref<32x512xf32, #tpu.memory_space<vmem>>, vector<16xf32>,
        tpu.vector_store %arg13[%parallel_loop3A_425, %parallel_loop3A_426], %parallel_loop3A_255 {strides = array<i32>} : memref<32x512xf32, #tpu.memory_space<vmem>>, vector<16xf32>,
        %parallel_loop3A_428 = arith.constant 16 : i32
        %parallel_loop3A_429 = arith.muli %parallel_loop3A_223, %parallel_loop3A_428 : i32
        %parallel_loop3A_430 = arith.constant 28 : i32
        %parallel_loop3A_431 = arith.index_cast %parallel_loop3A_430 : i32 to index
        %parallel_loop3A_432 = arith.index_cast %parallel_loop3A_429 : i32 to index
        %parallel_loop3A_433 = tpu.vector_load %arg13[%parallel_loop3A_431, %parallel_loop3A_432] {strides = array<i32>} : memref<32x512xf32, #tpu.memory_space<vmem>>, vector<16xf32>,
        tpu.vector_store %arg13[%parallel_loop3A_431, %parallel_loop3A_432], %parallel_loop3A_256 {strides = array<i32>} : memref<32x512xf32, #tpu.memory_space<vmem>>, vector<16xf32>,
        %parallel_loop3A_434 = arith.constant 16 : i32
        %parallel_loop3A_435 = arith.muli %parallel_loop3A_223, %parallel_loop3A_434 : i32
        %parallel_loop3A_436 = arith.constant 29 : i32
        %parallel_loop3A_437 = arith.index_cast %parallel_loop3A_436 : i32 to index
        %parallel_loop3A_438 = arith.index_cast %parallel_loop3A_435 : i32 to index
        %parallel_loop3A_439 = tpu.vector_load %arg13[%parallel_loop3A_437, %parallel_loop3A_438] {strides = array<i32>} : memref<32x512xf32, #tpu.memory_space<vmem>>, vector<16xf32>,
        tpu.vector_store %arg13[%parallel_loop3A_437, %parallel_loop3A_438], %parallel_loop3A_257 {strides = array<i32>} : memref<32x512xf32, #tpu.memory_space<vmem>>, vector<16xf32>,
        %parallel_loop3A_440 = arith.constant 16 : i32
        %parallel_loop3A_441 = arith.muli %parallel_loop3A_223, %parallel_loop3A_440 : i32
        %parallel_loop3A_442 = arith.constant 30 : i32
        %parallel_loop3A_443 = arith.index_cast %parallel_loop3A_442 : i32 to index
        %parallel_loop3A_444 = arith.index_cast %parallel_loop3A_441 : i32 to index
        %parallel_loop3A_445 = tpu.vector_load %arg13[%parallel_loop3A_443, %parallel_loop3A_444] {strides = array<i32>} : memref<32x512xf32, #tpu.memory_space<vmem>>, vector<16xf32>,
        tpu.vector_store %arg13[%parallel_loop3A_443, %parallel_loop3A_444], %parallel_loop3A_258 {strides = array<i32>} : memref<32x512xf32, #tpu.memory_space<vmem>>, vector<16xf32>,
        %parallel_loop3A_446 = arith.constant 16 : i32
        %parallel_loop3A_447 = arith.muli %parallel_loop3A_223, %parallel_loop3A_446 : i32
        %parallel_loop3A_448 = arith.constant 31 : i32
        %parallel_loop3A_449 = arith.index_cast %parallel_loop3A_448 : i32 to index
        %parallel_loop3A_450 = arith.index_cast %parallel_loop3A_447 : i32 to index
        %parallel_loop3A_451 = tpu.vector_load %arg13[%parallel_loop3A_449, %parallel_loop3A_450] {strides = array<i32>} : memref<32x512xf32, #tpu.memory_space<vmem>>, vector<16xf32>,
        tpu.vector_store %arg13[%parallel_loop3A_449, %parallel_loop3A_450], %parallel_loop3A_259 {strides = array<i32>} : memref<32x512xf32, #tpu.memory_space<vmem>>, vector<16xf32>,
      } {sc.loop_unroll_factor = 2 : i64, sc.parallel_access}
      %dma_start3A_210 = arith.constant 0 : i32
      %dma_start3A_211 = tpu.memref_slice %arg4[%add3A_197, %dma_start3A_210, %mul3A_2] : memref<100x32x16384xf32, #tpu.memory_space<hbm>> -> memref<1x32x512xf32, #tpu.memory_space<hbm>>
      %dma_start3A_212 = tpu.memref_squeeze %dma_start3A_211 : memref<1x32x512xf32, #tpu.memory_space<hbm>> -> memref<32x512xf32, #tpu.memory_space<hbm>>
      %dma_start3A_213 = arith.constant 0 : i32
      %dma_start3A_214 = tpu.memref_slice %arg4[%add3A_197, %dma_start3A_213, %mul3A_2] : memref<100x32x16384xf32, #tpu.memory_space<hbm>> -> memref<1x32x512xf32, #tpu.memory_space<hbm>>
      %dma_start3A_215 = tpu.memref_squeeze %dma_start3A_214 : memref<1x32x512xf32, #tpu.memory_space<hbm>> -> memref<32x512xf32, #tpu.memory_space<hbm>>
      tpu.enqueue_dma source(%arg13 : memref<32x512xf32, #tpu.memory_space<vmem>>) target(%dma_start3A_215 : memref<32x512xf32, #tpu.memory_space<hbm>>) target_semaphore(%arg21 : memref<!tpu.dma_semaphore, #tpu.memory_space<semaphore_mem>>)
      %add3A_216 = arith.constant 4 : i32
      %add3A_217 = arith.addi %add3A_197, %add3A_216 : i32
      %lt3A_218 = arith.constant 100 : i32
      %lt3A_219 = arith.cmpi slt, %add3A_217, %lt3A_218 : i32
      %convert_element_type3A_220 = arith.extui %lt3A_219 : i1 to i32
      %cond3A_221 = arith.constant 0 : i32
      %cond3A_222 = arith.cmpi ne, %convert_element_type3A_220, %cond3A_221 : i32
      scf.if %cond3A_222 {
        %add3A_223 = arith.constant 4 : i32
        %add3A_224 = arith.addi %add3A_197, %add3A_223 : i32
        %dma_start3A_225 = tpu.memref_slice %arg3[%add3A_224, %mul3A_2] : memref<100x16384xi32, #tpu.memory_space<hbm>> -> memref<1x512xi32, #tpu.memory_space<hbm>>
        %dma_start3A_226 = tpu.memref_squeeze %dma_start3A_225 : memref<1x512xi32, #tpu.memory_space<hbm>> -> memref<512xi32, #tpu.memory_space<hbm>>
        %dma_start3A_227 = tpu.memref_slice %arg3[%add3A_224, %mul3A_2] : memref<100x16384xi32, #tpu.memory_space<hbm>> -> memref<1x512xi32, #tpu.memory_space<hbm>>
        %dma_start3A_228 = tpu.memref_squeeze %dma_start3A_227 : memref<1x512xi32, #tpu.memory_space<hbm>> -> memref<512xi32, #tpu.memory_space<hbm>>
        tpu.enqueue_dma source(%dma_start3A_228 : memref<512xi32, #tpu.memory_space<hbm>>) target(%arg9 : memref<512xi32, #tpu.memory_space<vmem>>) target_semaphore(%arg17 : memref<!tpu.dma_semaphore, #tpu.memory_space<semaphore_mem>>)
      } else {
      }
    }
    %scan3A_89 = arith.constant 25 : i32
    %dma_wait3A = arith.constant 96 : i32
    %dma_wait3A_90 = arith.constant 0 : i32
    %dma_wait3A_91 = tpu.memref_slice %arg4[%dma_wait3A, %dma_wait3A_90, %mul3A_2] : memref<100x32x16384xf32, #tpu.memory_space<hbm>> -> memref<1x32x512xf32, #tpu.memory_space<hbm>>
    %dma_wait3A_92 = tpu.memref_squeeze %dma_wait3A_91 : memref<1x32x512xf32, #tpu.memory_space<hbm>> -> memref<32x512xf32, #tpu.memory_space<hbm>>
    %dma_wait3A_93 = arith.constant 0 : i32
    %dma_wait3A_94 = tpu.memref_slice %arg4[%dma_wait3A, %dma_wait3A_93, %mul3A_2] : memref<100x32x16384xf32, #tpu.memory_space<hbm>> -> memref<1x32x512xf32, #tpu.memory_space<hbm>>
    %dma_wait3A_95 = tpu.memref_squeeze %dma_wait3A_94 : memref<1x32x512xf32, #tpu.memory_space<hbm>> -> memref<32x512xf32, #tpu.memory_space<hbm>>
    tpu.wait_dma2 semaphore(%arg18 : memref<!tpu.dma_semaphore, #tpu.memory_space<semaphore_mem>>) src(%arg10 : memref<32x512xf32, #tpu.memory_space<vmem>>) dst(%dma_wait3A_95 : memref<32x512xf32, #tpu.memory_space<hbm>>)
    %dma_wait3A_96 = arith.constant 97 : i32
    %dma_wait3A_97 = arith.constant 0 : i32
    %dma_wait3A_98 = tpu.memref_slice %arg4[%dma_wait3A_96, %dma_wait3A_97, %mul3A_2] : memref<100x32x16384xf32, #tpu.memory_space<hbm>> -> memref<1x32x512xf32, #tpu.memory_space<hbm>>
    %dma_wait3A_99 = tpu.memref_squeeze %dma_wait3A_98 : memref<1x32x512xf32, #tpu.memory_space<hbm>> -> memref<32x512xf32, #tpu.memory_space<hbm>>
    %dma_wait3A_100 = arith.constant 0 : i32
    %dma_wait3A_101 = tpu.memref_slice %arg4[%dma_wait3A_96, %dma_wait3A_100, %mul3A_2] : memref<100x32x16384xf32, #tpu.memory_space<hbm>> -> memref<1x32x512xf32, #tpu.memory_space<hbm>>
    %dma_wait3A_102 = tpu.memref_squeeze %dma_wait3A_101 : memref<1x32x512xf32, #tpu.memory_space<hbm>> -> memref<32x512xf32, #tpu.memory_space<hbm>>
    tpu.wait_dma2 semaphore(%arg19 : memref<!tpu.dma_semaphore, #tpu.memory_space<semaphore_mem>>) src(%arg11 : memref<32x512xf32, #tpu.memory_space<vmem>>) dst(%dma_wait3A_102 : memref<32x512xf32, #tpu.memory_space<hbm>>)
    %dma_wait3A_103 = arith.constant 98 : i32
    %dma_wait3A_104 = arith.constant 0 : i32
    %dma_wait3A_105 = tpu.memref_slice %arg4[%dma_wait3A_103, %dma_wait3A_104, %mul3A_2] : memref<100x32x16384xf32, #tpu.memory_space<hbm>> -> memref<1x32x512xf32, #tpu.memory_space<hbm>>
    %dma_wait3A_106 = tpu.memref_squeeze %dma_wait3A_105 : memref<1x32x512xf32, #tpu.memory_space<hbm>> -> memref<32x512xf32, #tpu.memory_space<hbm>>
    %dma_wait3A_107 = arith.constant 0 : i32
    %dma_wait3A_108 = tpu.memref_slice %arg4[%dma_wait3A_103, %dma_wait3A_107, %mul3A_2] : memref<100x32x16384xf32, #tpu.memory_space<hbm>> -> memref<1x32x512xf32, #tpu.memory_space<hbm>>
    %dma_wait3A_109 = tpu.memref_squeeze %dma_wait3A_108 : memref<1x32x512xf32, #tpu.memory_space<hbm>> -> memref<32x512xf32, #tpu.memory_space<hbm>>
    tpu.wait_dma2 semaphore(%arg20 : memref<!tpu.dma_semaphore, #tpu.memory_space<semaphore_mem>>) src(%arg12 : memref<32x512xf32, #tpu.memory_space<vmem>>) dst(%dma_wait3A_109 : memref<32x512xf32, #tpu.memory_space<hbm>>)
    %dma_wait3A_110 = arith.constant 99 : i32
    %dma_wait3A_111 = arith.constant 0 : i32
    %dma_wait3A_112 = tpu.memref_slice %arg4[%dma_wait3A_110, %dma_wait3A_111, %mul3A_2] : memref<100x32x16384xf32, #tpu.memory_space<hbm>> -> memref<1x32x512xf32, #tpu.memory_space<hbm>>
    %dma_wait3A_113 = tpu.memref_squeeze %dma_wait3A_112 : memref<1x32x512xf32, #tpu.memory_space<hbm>> -> memref<32x512xf32, #tpu.memory_space<hbm>>
    %dma_wait3A_114 = arith.constant 0 : i32
    %dma_wait3A_115 = tpu.memref_slice %arg4[%dma_wait3A_110, %dma_wait3A_114, %mul3A_2] : memref<100x32x16384xf32, #tpu.memory_space<hbm>> -> memref<1x32x512xf32, #tpu.memory_space<hbm>>
    %dma_wait3A_116 = tpu.memref_squeeze %dma_wait3A_115 : memref<1x32x512xf32, #tpu.memory_space<hbm>> -> memref<32x512xf32, #tpu.memory_space<hbm>>
    tpu.wait_dma2 semaphore(%arg21 : memref<!tpu.dma_semaphore, #tpu.memory_space<semaphore_mem>>) src(%arg13 : memref<32x512xf32, #tpu.memory_space<vmem>>) dst(%dma_wait3A_116 : memref<32x512xf32, #tpu.memory_space<hbm>>)
    return
  }
}

</mosaic_0001>

<sc_bundles>
// kernel: kernel.3.cloned.1.call-start
scs
__scs_entry_jumppad:
0x0: {  	(pc) =	sbr.rel $0x88, $3  }
0x1: {  	(tag) =	ssettag $0x0;
	lr =	simm.s32 $0x1  }
0x2: {  	[smem:$0x3F9F] =	sst lr;
	_ =	strace $0xD0000000  }
0x3: {  	_ = 	snop  }
0x4: {  	_ = 	snop  }
0x5: {  	_ = 	snop  }
0x6: {  	_ = 	snop  }
0x7: {  	_ = 	snop  }
__scs_overlays_trampoline_lowered:
0x8: {  	[smem:$0x3FAE] =	sst s0  }
0x9: {  	[smem:$0x3FAF] =	sst s1  }
0xa: {  	[smem:$0x3FB0] =	sst s2  }
0xb: {  	[smem:$0x3FB1] =	sst s3  }
0xc: {  	[smem:$0x3FB2] =	sst s4  }
0xd: {  	[smem:$0x3FB3] =	sst s5  }
0xe: {  	[smem:$0x3FB4] =	sst s6  }
0xf: {  	[smem:$0x3FB5] =	sst s7  }
0x10: {  	[smem:$0x3FB6] =	sst s8  }
0x11: {  	[smem:$0x3FB7] =	sst s9;
	s0 =	simm.s32 @!p0 $0x0  }
0x12: {  	s1 =	sld [smem:$0x3F9D];
	s0 =	simm.s32 @p0 $0x1  }
0x13: {  	[smem:$0x3FB8] =	sst s0;
	s0 =	simm.s32 @!p1 $0x0  }
0x14: {  	s2 =	sld [smem:$0x3F9C];
	s0 =	simm.s32 @p1 $0x1  }
0x15: {  	[smem:$0x3FB9] =	sst s0;
	s0 =	simm.s32 @!p2 $0x0  }
0x16: {  	s3 =	sld [smem:$0x3FDB];
	s0 =	simm.s32 @p2 $0x1  }
0x17: {  	s4 =	simm.s32 $0x1BF5;
	[smem:$0x3FBB] =	sst s0  }
0x18: {  	s0 =	sld [smem:$0x3F9E];
	_ =	swait.ge [sflag:s4], $0x0  }
0x19: {  	s7 =	sld [smem:$0x3F9F]  }
0x1a: {  	s8 =	sadd.s32 $0xFFFFE003, lr  }
0x1b: {  	s9 =	sadd.s32 $0xFFFFFEF7, lr;
	s5 =	simm.s32 $0xFFFFFFFF;
	p2 =	slt.u32 s8, $0xFFFFF086  }
0x1c: {  	p1 =	slt.u32 s9, $0xF7A;
	s5 =	simm.s32 @!p2 $0x0  }
0x1d: {  	s5 =	simm.s32 @p1 $0x1;
	p0 =	seq.s32 s7, s2  }
0x1e: {  	s7 =	smul.u32 @!p0 $0xF7A, s2;
	p2 =	seq.s32 @!p0 s5, $0x0  }
0x1f: {  	s9 =	smul.u32 $0xF7A, s1;
	s8 =	simm.s32 @!p0 $0x1BF5;
	p2 =	por !p2, p0  }
0x20: {  	[sflag:s8] =	ssyncset.s32 @!p0 $0xFFFFF086;
	s6 =	sadd.s32 @!p0 s3, s7;
	s7 =	simm.s32 @!p0 $0x108  }
0x21: {  	s3 =	sadd.s32 s3, s9;
	s6 =	sadd.s32 @!p0 $0x88, s6;
	s7 =	simm.s32 @p2 $0x1082  }
0x22: {  	[simem:s7], [sflag:s8] =	dma.local @!p0 [hbm:s6], $0xF7A  }
0x23: {  	s9 =	sor.u32 $0xD0000000, s2;
	s6 =	simm.s32 $0x108;
	_ =	swait.ge @!p0 [sflag:s8], $0x0  }
0x24: {  	s3 =	sadd.s32 $0x88, s3;
	s6 =	simm.s32 @!p1 $0x1082;
	[sflag:s4] =	ssyncset.s32 $0xFFFFF086  }
0x25: {  	[simem:s6], [sflag:s4] =	dma.local [hbm:s3], $0xF7A  }
0x26: {  	[smem:$0x3F9F] =	sst s1;
	(tag) =	ssettag s2;
	_ =	strace s9  }
0x27: {  	s1 =	sld [smem:$0x3FAF]  }
0x28: {  	s2 =	sld [smem:$0x3FB0]  }
0x29: {  	s4 =	sld [smem:$0x3FB2]  }
0x2a: {  	p0 =	seq.s32 s5, $0x0;
	s5 =	sld [smem:$0x3FB3]  }
0x2b: {  	s6 =	sld [smem:$0x3FB4]  }
0x2c: {  	s7 =	sld [smem:$0x3FB5]  }
0x2d: {  	s3 =	simm.s32 $0x108;
	s8 =	sld [smem:$0x3FB6]  }
0x2e: {  	s3 =	simm.s32 @!p0 $0x1082;
	s9 =	sld [smem:$0x3FB7]  }
0x2f: {  	lr =	sadd.s32 s0, s3;
	s0 =	sld [smem:$0x3FAE]  }
0x30: {  	s3 =	sld [smem:$0x3FB1]  }
0x31: {  	[smem:$0x3FBA] =	sst s10  }
0x32: {  	s10 =	sld [smem:$0x3FB8];
	_ =	sdelay $0x3  }
0x33: {  	p0 =	seq.s32 s10, $0x1;
	s10 =	sld [smem:$0x3FBA];
	_ =	sdelay $0x3  }
0x34: {  	[smem:$0x3FBA] =	sst s10  }
0x35: {  	s10 =	sld [smem:$0x3FB9];
	_ =	sdelay $0x3  }
0x36: {  	p1 =	seq.s32 s10, $0x1;
	s10 =	sld [smem:$0x3FBA];
	_ =	sdelay $0x3  }
0x37: {  	[smem:$0x3FBA] =	sst s10  }
0x38: {  	s10 =	sld [smem:$0x3FBB]  }
0x39: {  	_ = 	snop;
	(pc) =	sbr.ind lr, $3  }
0x3a: {  	_ = 	snop  }
0x3b: {  	_ = 	snop  }
0x3c: {  	p2 =	seq.s32 s10, $0x1;
	s10 =	sld [smem:$0x3FBA]  }
0x3d: {  	_ =	shalt  }
0x3e: {  	_ =	shalt  }
0x3f: {  	_ =	shalt  }
0x40: {  	_ =	shalt  }
0x41: {  	_ =	shalt  }
0x42: {  	_ =	shalt  }
0x43: {  	_ =	shalt  }
0x44: {  	_ =	shalt  }
0x45: {  	_ =	shalt  }
0x46: {  	_ =	shalt  }
0x47: {  	_ =	shalt  }
0x48: {  	_ =	shalt  }
0x49: {  	_ =	shalt  }
0x4a: {  	_ =	shalt  }
0x4b: {  	_ =	shalt  }
0x4c: {  	_ =	shalt  }
0x4d: {  	_ =	shalt  }
0x4e: {  	_ =	shalt  }
0x4f: {  	_ =	shalt  }
0x50: {  	_ =	shalt  }
0x51: {  	_ =	shalt  }
0x52: {  	_ =	shalt  }
0x53: {  	_ =	shalt  }
0x54: {  	_ =	shalt  }
0x55: {  	_ =	shalt  }
0x56: {  	_ =	shalt  }
0x57: {  	_ =	shalt  }
0x58: {  	_ =	shalt  }
0x59: {  	_ =	shalt  }
0x5a: {  	_ =	shalt  }
0x5b: {  	_ =	shalt  }
0x5c: {  	_ =	shalt  }
0x5d: {  	_ =	shalt  }
0x5e: {  	_ =	shalt  }
0x5f: {  	_ =	shalt  }
0x60: {  	_ =	shalt  }
0x61: {  	_ =	shalt  }
0x62: {  	_ =	shalt  }
0x63: {  	_ =	shalt  }
0x64: {  	_ =	shalt  }
0x65: {  	_ =	shalt  }
0x66: {  	_ =	shalt  }
0x67: {  	_ =	shalt  }
0x68: {  	_ =	shalt  }
0x69: {  	_ =	shalt  }
0x6a: {  	_ =	shalt  }
0x6b: {  	_ =	shalt  }
0x6c: {  	_ =	shalt  }
0x6d: {  	_ =	shalt  }
0x6e: {  	_ =	shalt  }
0x6f: {  	_ =	shalt  }
0x70: {  	_ =	shalt  }
0x71: {  	_ =	shalt  }
0x72: {  	_ =	shalt  }
0x73: {  	_ =	shalt  }
0x74: {  	_ =	shalt  }
0x75: {  	_ =	shalt  }
0x76: {  	_ =	shalt  }
0x77: {  	_ =	shalt  }
0x78: {  	_ =	shalt  }
0x79: {  	_ =	shalt  }
0x7a: {  	_ =	shalt  }
0x7b: {  	_ =	shalt  }
0x7c: {  	_ =	shalt  }
0x7d: {  	_ =	shalt  }
0x7e: {  	_ =	shalt  }
0x7f: {  	_ =	shalt  }
0x80: {  	_ =	shalt  }
0x81: {  	_ =	shalt  }
0x82: {  	_ =	shalt  }
0x83: {  	_ =	shalt  }
0x84: {  	_ =	shalt  }
0x85: {  	_ =	shalt  }
0x86: {  	_ =	shalt  }
0x87: {  	_ =	shalt  }
.Lfunc_end0:
.L_simem_size_0:
called_computation_lowered:
.L_overlay_start_0:
0x88: {  	s2 =	sld [smem:$0x3FD9]  }
0x89: {  	s3 =	sld [smem:$0x3FFE];
	_ =	sdelay $0x1  }
0x8a: {  	s1 =	srdreg.scid  }
0x8b: {  	s0 =	sand.u32 $0x1, s1  }
0x8c: {  	s18 =	sshll.u32 s0, $0xA;
	s2 =	sadd.s32 s3, s2  }
0x8d: {  	s2 =	sadd.s32 s2, s18  }
0x8e: {  	[smem:$0x3FC6] =	sst s2  }
0x8f: {  	_ = 	snop  }
0x90: {  	s2 =	sld [smem:$0x3FC9]  }
0x91: {  	s19 =	sld [smem:$0x3FC8]  }
0x92: {  	s4 =	sld [smem:$0x3FD0];
	(tm) =	ssettm $0x1  }
0x93: {  	s5 =	sld [smem:$0x3FFB];
	_ =	sdelay $0x3  }
0x94: {  	_ =	strace s5  }
0x95: {  	s5 =	sld [smem:$0x3FFC];
	_ =	sdelay $0x3  }
0x96: {  	_ =	strace s5  }
0x97: {  	s5 =	sld [smem:$0x3FFD];
	_ =	sdelay $0x3  }
0x98: {  	_ =	strace s5  }
0x99: {  	_ =	strace $0x8FFFFFFF  }
0x9a: {  	s20 =	sld [smem:$0x3FDB];
	_ =	sdelay $0x1  }
0x9b: {  	s6 =	simm.s32 $_scs_section_size  }
0x9c: {  	s7 =	simm.s32 $_size__tile_overlayer_lowered;
	s8 =	simm.s32 $_tile_overlayer_lowered  }
0x9d: {  	s23 =	simm.s32 $0x1BFF;
	s22 =	sshll.u32 s8, $0x1;
	s5 =	sadd.s32 s6, s20  }
0x9e: {  	s9 =	simm.s32 $0x0;
	s21 =	sshll.u32 s7, $0x1;
	s7 =	sadd.s32 s22, s5  }
0x9f: {  	[timem:s9], [sflag:s23] =	dma.local [hbm:s7], s21  }
0xa0: {  	_ =	swait.ge [sflag:s23], s21  }
0xa1: {  	s6 =	ssub.s32 $0x0, s21;
	[sflag:s23] =	ssyncset.done $0x0  }
0xa2: {  	[sflag:s23] =	ssyncadd.s32 s6;
	_ =	sdelay $0x1  }
0xa3: {  	s24 =	simm.s32 $0x1B8B  }
0xa4: {  	_ =	swait.ge [sflag:s24], $0x1  }
0xa5: {  	[sflag:s24] =	ssyncset.done $0x0  }
0xa6: {  	s25 =	simm.s32 $0x1B8E;
	[sflag:s24] =	ssyncadd.s32 $0xFFFFFFFF  }
0xa7: {  	s26 =	simm.s32 $execute0_lowered;
	[smem:$0x3FD2] =	sst s25  }
0xa8: {  	s6 =	sshll.u32 s26, $0x1;
	_ =	strace $0x80000046;
	[dreg:$0x1] =	wrdreg $0xFFFFFFFF  }
0xa9: {  	s28 =	simm.s32 $_size_execute0_lowered;
	s5 =	sadd.s32 s5, s6;
	[dreg:$0x0] =	wrdreg $0x0  }
0xaa: {  	s6 =	sshll.u32 s28, $0x1;
	[dreg:$0x2] =	wrdreg s5  }
0xab: {  	[dreg:$0x3] =	wrdreg s6  }
0xac: {  	[dreg:$0x4] =	wrdreg $0xC0  }
0xad: {  	_ =	task [dreg:s9], $0x5FFFF  }
0xae: {  	[dreg:$0x1] =	wrdreg $0xFFFFFFFF  }
0xaf: {  	[dreg:$0x0] =	wrdreg $0x60  }
0xb0: {  	[dreg:$0x2] =	wrdreg s19  }
0xb1: {  	[dreg:$0x3] =	wrdreg s2  }
0xb2: {  	[dreg:$0x4] =	wrdreg s4  }
0xb3: {  	[dreg:$0x5] =	wrdreg $0x9  }
0xb4: {  	_ =	task.clear_ibuf [dreg:s9], $0x6FFFF;
	_ =	strace $0x90000046  }
0xb5: {  	s29 =	simm.s32 $0x9;
	_ =	strace $0x80000048  }
0xb6: {  	_ =	swait.ge [sflag:s29], $0x1  }
0xb7: {  	[sflag:s29] =	ssyncadd.s32 $0xFFFFFFFF  }
0xb8: {  	_ =	strace $0x90000048  }
0xb9: {  	_ =	sfence  }
0xba: {  	s30 =	sld [smem:$0x0];
	_ =	sdelay $0x2  }
0xbb: {  	s31 =	sshll.u32 s1, $0xD;
	s1 =	sshrl.u32 s1, $0x2  }
0xbc: {  	s3 =	sand.u32 $0x4000, s31;
	s1 =	sadd.s32 s1, s30  }
0xbd: {  	s0 =	sor.u32 s3, s0;
	s1 =	sshll.u32 s1, $0x11  }
0xbe: {  	s0 =	sor.u32 s1, s0  }
0xbf: {  	s0 =	sadd.s32 $0x8F2B, s0  }
0xc0: {  	[sflag:s0] =	ssyncadd.remote.s32 $0x1  }
0xc1: {  	_ =	sfence.sel $0xFFFF  }
0xc2: {  	[dreg:$0x0] =	wrdreg $0xFFFFFFFF;
	(pc) =	sbr.abs _section_cstart, $3  }
0xc3: {  	[dreg:$0x1] =	wrdreg $0xFFFFFFFF  }
0xc4: {  	_ =	task.clear_ibuf [dreg:s9], $0x2FFFF;
	_ =	strace $0x9FFFFFFF  }
0xc5: {  	(tm) =	ssettm $0x7FFFFFFF  }
tec
execute0_lowered:
.L_overlay_start_1:
0x0: {  	(tag) =	ssettag $0x1  }
0x1: {  	s0 =	srdreg.scid;
	s3 =	rddreg [dreg:$0x1]  }
0x2: {  	s1 =	stileid.u32;
	s4 =	rddreg [dreg:$0x2];
	s0 =	sand.u32 $0x1, s0  }
0x3: {  	s5 =	simm.s32 $0x0;
	s1 =	sshll.u32 s1, $0xD;
	s2 =	sshll.u32 s0, $0xC  }
0x4: {  	[smem:$0x7FF] =	sst s5;
	s29 =	sadd.s32 $0x10000, s4;
	s1 =	sor.u32 s2, s1  }
0x5: {  	s30 =	sadd.s32 $0x20000, s4;
	s31 =	sadd.s32 $0x30000, s4;
	[smem:$0x7F5] =	sst s1  }
0x6: {  	s0 =	ssub.s32 $0x2, s0;
	_ =	strace $0x80000047;
	[smem:$0x7FA] =	sst s29  }
0x7: {  	s25 =	sshrl.u32 s0, $0x1;
	s1 =	sshrl.u32 s1, $0x3;
	[smem:$0x7FB] =	sst s30  }
0x8: {  	s0 =	ssub.s32 s0, s25;
	s1 =	sadd.s32 s3, s1;
	[smem:$0x7FC] =	sst s31  }
.Ltmp0:
0x9: {  	s0 =	smax.u32 s0, $0x1;
	[smem:$0x7F8] =	sst s1;
	(pc) =	sbr.rel .LBB2_1-.Ltmp0, $4  }
0xa: {  	s26 =	sadd.s32 $0x10, s1;
	[smem:$0x7FD] =	sst s0  }
0xb: {  	s28 =	sadd.s32 $0x20, s1;
	[smem:$0x7F6] =	sst s26  }
0xc: {  	s1 =	sadd.s32 $0x30, s1;
	[smem:$0x7F7] =	sst s28  }
0xd: {  	s2 =	simm.s32 $0x0;
	[smem:$0x7F9] =	sst s1  }
.LBB2_24:
0xe: {  	s0 =	simm.s32 $0x5  }
0xf: {  	_ =	swait.ge [sflag:s0], $0x4000  }
0x10: {  	[sflag:s0] =	ssyncset.done $0x0  }
0x11: {  	s29 =	simm.s32 $0x6;
	[sflag:s0] =	ssyncadd.s32 $0xFFFFC000  }
0x12: {  	_ =	swait.ge [sflag:s29], $0x4000  }
0x13: {  	[sflag:s29] =	ssyncset.done $0x0  }
0x14: {  	s30 =	simm.s32 $0x7;
	[sflag:s29] =	ssyncadd.s32 $0xFFFFC000  }
0x15: {  	_ =	swait.ge [sflag:s30], $0x4000  }
0x16: {  	[sflag:s30] =	ssyncset.done $0x0  }
0x17: {  	s1 =	simm.s32 $0x8;
	[sflag:s30] =	ssyncadd.s32 $0xFFFFC000  }
0x18: {  	_ =	swait.ge [sflag:s1], $0x4000  }
0x19: {  	s2 =	sld [smem:$0x7F4]  }
0x1a: {  	s31 =	sld [smem:$0x7FD];
	_ =	sdelay $0x1  }
0x1b: {  	s2 =	sadd.s32 $0x1, s2  }
0x1c: {  	p0 =	sne.s32 s2, s31  }
.Ltmp1:
0x1d: {  	_ = 	snop;
	(pc) =	sbr.rel @!p0 .LBB2_25-.Ltmp1, $3  }
0x1e: {  	_ =	sdelay $0x1  }
0x1f: {  	[sflag:s1] =	ssyncset.done $0x0  }
0x20: {  	[sflag:s1] =	ssyncadd.s32 $0xFFFFC000  }
.LBB2_1:
0x21: {  	[smem:$0x7F4] =	sst s2  }
0x22: {  	s0 =	rddreg [dreg:$0x0];
	s22 =	simm.s32 $0x9  }
0x23: {  	[tilespmem:s5], [sflag:$0x9] =	stream.linear.gather [hbm4b:s0+s5], $0x8000, $0x38;
	[tilespmem:$0x18800] =	vst v63  }
0x24: {  	_ =	swait.ge [sflag:s22], $0x8000  }
0x25: {  	s23 =	sld [smem:$0x7F8]  }
0x26: {  	s1 =	simm.s32 $0x80;
	s24 =	simm.s32 $0x400;
	[sflag:s22] =	ssyncset.done $0x0  }
0x27: {  	s3 =	simm.s32 $0x8000;
	s25 =	sld [smem:$0x7F6];
	[sflag:s22] =	ssyncadd.s32 $0xFFFF8000  }
0x28: {  	[tilespmem:s3], [sflag:$0x1] =	stream.strided.gather [hbm4b:s23+s1], $0x200, s24, s1, $0x38;
	[tilespmem:$0x18800] =	vst v63  }
0x29: {  	s26 =	simm.s32 $0x8200;
	s28 =	sld [smem:$0x7F7]  }
0x2a: {  	[tilespmem:s26], [sflag:$0x2] =	stream.strided.gather [hbm4b:s25+s1], $0x200, s24, s1, $0x38;
	[tilespmem:$0x18800] =	vst v63  }
0x2b: {  	s29 =	simm.s32 $0x8400;
	s30 =	sld [smem:$0x7F9]  }
0x2c: {  	[tilespmem:s29], [sflag:$0x3] =	stream.strided.gather [hbm4b:s28+s1], $0x200, s24, s1, $0x38;
	[tilespmem:$0x18800] =	vst v63  }
0x2d: {  	s31 =	simm.s32 $0x8600;
	s12 =	simm.s32 $0x0  }
0x2e: {  	[tilespmem:s31], [sflag:$0x4] =	stream.strided.gather [hbm4b:s30+s1], $0x200, s24, s1, $0x38;
	[tilespmem:$0x18800] =	vst v63  }
.LBB2_2:
0x2f: {  	s0 =	simm.s32 $0x1  }
0x30: {  	_ =	swait.ge [sflag:s0], $0x200  }
0x31: {  	p0 =	seq.s32 s12, $0x0;
	[sflag:s0] =	ssyncset.done $0x0  }
0x32: {  	s9 =	simm.s32 $0x0;
	[sflag:s0] =	ssyncadd.s32 $0xFFFFFE00;
	s0 =	simm.s32 @!p0 $0x5  }
0x33: {  	s15 =	sand.u32 $0x60, s9;
	_ =	swait.ge @!p0 [sflag:s0], $0x4000  }
0x34: {  	s1 =	sand.u32 $0x180, s9;
	s10 =	sor.u32 $0x10, s15;
	[sflag:s0] =	ssyncset.done @!p0 $0x0  }
0x35: {  	s23 =	sor.u32 s10, s1;
	[sflag:s0] =	ssyncadd.s32 @!p0 $0xFFFFC000  }
0x36: {  	v0 =	vld [tilespmem:s23+$0x8000];
	_ =	sdelay $0x4  }
0x37: {  	v1 =	vshll.u32 v0, $0x3  }
0x38: {  	v0 =	vand.u32 $0x7F, v0;
	v1 =	vand.u32 $0xFFFFFC00, v1  }
0x39: {  	v0 =	vor.u32 v0, v1  }
0x3a: {  	v1 =	vor.u32 $0x80, v0  }
0x3b: {  	v2 =	vor.u32 $0x100, v0  }
0x3c: {  	s13 =	simm.s32 $0x8000;
	v3 =	vor.u32 $0x180, v0  }
0x3d: {  	v4 =	vld [tilespmem:s13+$0x0];
	v5 =	vor.u32 $0x200, v0  }
0x3e: {  	v7 =	vor.u32 $0x280, v0;
	v6 =	vld.idx.msk [tilespmem:v0+s5+$0x0], $0xffff  }
0x3f: {  	v8 =	vld.idx.msk [tilespmem:v1+s5+$0x0], $0xffff;
	v1 =	vor.u32 $0x300, v0  }
0x40: {  	v9 =	vld.idx.msk [tilespmem:v2+s5+$0x0], $0xffff;
	v2 =	vor.u32 $0x380, v0  }
0x41: {  	v10 =	vld.idx.msk [tilespmem:v3+s5+$0x0], $0xffff;
	v3 =	vadd.s32 $0x2000, v0  }
0x42: {  	v11 =	vld.idx.msk [tilespmem:v5+s5+$0x0], $0xffff;
	v5 =	vadd.s32 $0x2080, v0  }
0x43: {  	v12 =	vadd.s32 $0x2100, v0;
	v7 =	vld.idx.msk [tilespmem:v7+s5+$0x0], $0xffff  }
0x44: {  	v13 =	vld.idx.msk [tilespmem:v1+s5+$0x0], $0xffff;
	v1 =	vadd.s32 $0x2180, v0  }
0x45: {  	v14 =	vld.idx.msk [tilespmem:v2+s5+$0x0], $0xffff;
	v2 =	vadd.s32 $0x2200, v0  }
0x46: {  	v15 =	vld.idx.msk [tilespmem:v3+s5+$0x0], $0xffff;
	v3 =	vadd.s32 $0x2280, v0  }
0x47: {  	v16 =	vld.idx.msk [tilespmem:v5+s5+$0x0], $0xffff;
	v5 =	vadd.s32 $0x2300, v0  }
0x48: {  	v17 =	vadd.s32 $0x2380, v0;
	v12 =	vld.idx.msk [tilespmem:v12+s5+$0x0], $0xffff  }
0x49: {  	v18 =	vld.idx.msk [tilespmem:v1+s5+$0x0], $0xffff;
	v1 =	vadd.s32 $0x4000, v0  }
0x4a: {  	v33 =	vld.idx.msk [tilespmem:v2+s5+$0x0], $0xffff;
	v2 =	vadd.s32 $0x4080, v0  }
0x4b: {  	v34 =	vld.idx.msk [tilespmem:v3+s5+$0x0], $0xffff;
	v3 =	vadd.s32 $0x4100, v0  }
0x4c: {  	v35 =	vld.idx.msk [tilespmem:v5+s5+$0x0], $0xffff;
	v5 =	vadd.s32 $0x4180, v0  }
0x4d: {  	v22 =	vadd.s32 $0x4200, v0;
	v17 =	vld.idx.msk [tilespmem:v17+s5+$0x0], $0xffff  }
0x4e: {  	v36 =	vld.idx.msk [tilespmem:v1+s5+$0x0], $0xffff;
	v1 =	vadd.s32 $0x4280, v0  }
0x4f: {  	v19 =	vld.idx.msk [tilespmem:v2+s5+$0x0], $0xffff;
	v2 =	vadd.s32 $0x4300, v0  }
0x50: {  	v20 =	vld.idx.msk [tilespmem:v3+s5+$0x0], $0xffff;
	v3 =	vadd.s32 $0x4380, v0  }
0x51: {  	v21 =	vld.idx.msk [tilespmem:v5+s5+$0x0], $0xffff;
	v5 =	vadd.s32 $0x6000, v0  }
0x52: {  	v26 =	vadd.s32 $0x6080, v0;
	v22 =	vld.idx.msk [tilespmem:v22+s5+$0x0], $0xffff  }
0x53: {  	v32 =	vld.idx.msk [tilespmem:v1+s5+$0x0], $0xffff;
	v1 =	vadd.s32 $0x6100, v0  }
0x54: {  	v23 =	vld.idx.msk [tilespmem:v2+s5+$0x0], $0xffff;
	v2 =	vadd.s32 $0x6180, v0  }
0x55: {  	v24 =	vld.idx.msk [tilespmem:v3+s5+$0x0], $0xffff;
	v3 =	vadd.s32 $0x6200, v0  }
0x56: {  	v25 =	vld.idx.msk [tilespmem:v5+s5+$0x0], $0xffff;
	v5 =	vadd.s32 $0x6280, v0  }
0x57: {  	v37 =	vadd.s32 $0x6300, v0;
	v31 =	vld.idx.msk [tilespmem:v26+s5+$0x0], $0xffff  }
0x58: {  	v26 =	vshll.u32 v4, $0x3;
	v0 =	vadd.s32 $0x6380, v0;
	v30 =	vld.idx.msk [tilespmem:v1+s5+$0x0], $0xffff  }
0x59: {  	v1 =	vand.u32 $0x7F, v4;
	v4 =	vand.u32 $0xFFFFFC00, v26;
	v29 =	vld.idx.msk [tilespmem:v2+s5+$0x0], $0xffff  }
0x5a: {  	s4 =	sand.u32 $0xC00, s9;
	v28 =	vld.idx.msk [tilespmem:v3+s5+$0x0], $0xffff;
	v26 =	vor.u32 v1, v4  }
0x5b: {  	s24 =	sadd.s32 $0x8800, s4;
	v27 =	vld.idx.msk [tilespmem:v5+s5+$0x0], $0xffff;
	v3 =	vor.u32 $0x80, v26  }
0x5c: {  	s25 =	sor.u32 s10, s24;
	v2 =	vld.idx.msk [tilespmem:v37+s5+$0x0], $0xffff;
	v4 =	vor.u32 $0x100, v26  }
0x5d: {  	v1 =	vld.idx.msk [tilespmem:v0+s5+$0x0], $0xffff;
	[tilespmem:s25+$0x0] =	vst v6  }
0x5e: {  	[tilespmem:s25+$0x80] =	vst v8;
	v5 =	vor.u32 $0x180, v26  }
0x5f: {  	s2 =	sand.u32 $0x3, s9;
	s3 =	sor.u32 s9, s9;
	[tilespmem:s25+$0x100] =	vst v9;
	v49 =	vor.u32 $0x200, v26;
	v0 =	vld.idx.msk [tilespmem:v26+s5+$0x0], $0xffff  }
0x60: {  	s2 =	sshll.u32 s2, $0x5;
	s3 =	sor.u32 $0x380, s3;
	[tilespmem:s25+$0x180] =	vst v10;
	v38 =	vor.u32 $0x280, v26;
	v3 =	vld.idx.msk [tilespmem:v3+s5+$0x0], $0xffff  }
0x61: {  	s2 =	sadd.s32 $0x0, s2;
	v8 =	vor.u32 $0x300, v26;
	v4 =	vld.idx.msk [tilespmem:v4+s5+$0x0], $0xffff;
	[dreg:$0x7] =	wrdreg s3  }
0x62: {  	s6 =	sor.u32 $0x300, s2;
	[tilespmem:s25+$0x200] =	vst v11  }
0x63: {  	s26 =	sadd.s32 $0x10, s2;
	v5 =	vld.idx.msk [tilespmem:v5+s5+$0x0], $0xffff;
	[dreg:$0xb] =	wrdreg s6  }
0x64: {  	s8 =	sadd.s32 $0x9800, s4;
	s7 =	sor.u32 $0x300, s26;
	v6 =	vld.idx.msk [tilespmem:v49+s5+$0x0], $0xffff;
	[tilespmem:s25+$0x280] =	vst v7  }
0x65: {  	s16 =	sor.u32 s15, s8;
	v9 =	vor.u32 $0x380, v26;
	v7 =	vld.idx.msk [tilespmem:v38+s5+$0x0], $0xffff;
	[tilespmem:s7+$0x8800] =	vst v13  }
0x66: {  	s14 =	sadd.s32 $0x9880, s4;
	s11 =	sor.u32 $0x380, s26;
	v10 =	vadd.s32 $0x2000, v26;
	v8 =	vld.idx.msk [tilespmem:v8+s5+$0x0], $0xffff;
	[dreg:$0xf] =	wrdreg s16  }
0x67: {  	s18 =	sor.u32 s15, s14;
	v11 =	vadd.s32 $0x2080, v26;
	[tilespmem:s11+$0x8800] =	vst v14  }
0x68: {  	s17 =	sor.u32 s10, s8;
	[dreg:$0x13] =	wrdreg s18  }
0x69: {  	s19 =	sadd.s32 $0x9900, s4;
	s21 =	sor.u32 s10, s14;
	v50 =	vadd.s32 $0x2100, v26;
	[tilespmem:s17+$0x0] =	vst v15  }
0x6a: {  	s23 =	sor.u32 s10, s19;
	v9 =	vld.idx.msk [tilespmem:v9+s5+$0x0], $0xffff;
	[tilespmem:s21+$0x0] =	vst v16  }
0x6b: {  	s22 =	sadd.s32 $0x9980, s4;
	s25 =	sor.u32 s15, s19;
	v13 =	vadd.s32 $0x2180, v26;
	v10 =	vld.idx.msk [tilespmem:v10+s5+$0x0], $0xffff;
	[tilespmem:s23+$0x0] =	vst v12  }
0x6c: {  	s6 =	sor.u32 s10, s22;
	v11 =	vld.idx.msk [tilespmem:v11+s5+$0x0], $0xffff;
	[dreg:$0x17] =	wrdreg s25  }
0x6d: {  	s20 =	sor.u32 s15, s24;
	s24 =	sadd.s32 $0x9A00, s4;
	s2 =	sor.u32 s15, s22;
	v14 =	vadd.s32 $0x2200, v26;
	[tilespmem:s6+$0x0] =	vst v18  }
0x6e: {  	s8 =	sor.u32 s10, s24;
	v12 =	vld.idx.msk [tilespmem:v50+s5+$0x0], $0xffff;
	[dreg:$0x1b] =	wrdreg s2  }
0x6f: {  	s26 =	sadd.s32 $0x9A80, s4;
	s16 =	sor.u32 s15, s24;
	v15 =	vadd.s32 $0x2280, v26;
	[tilespmem:s8+$0x0] =	vst v33  }
0x70: {  	s14 =	sor.u32 s10, s26;
	v16 =	vadd.s32 $0x2300, v26;
	v13 =	vld.idx.msk [tilespmem:v13+s5+$0x0], $0xffff;
	[dreg:$0x1f] =	wrdreg s16  }
0x71: {  	s0 =	sor.u32 s15, s26;
	s11 =	sadd.s32 $0x9B00, s4;
	v18 =	vadd.s32 $0x4000, v26;
	[tilespmem:s14+$0x0] =	vst v34  }
0x72: {  	v51 =	vadd.s32 $0x2380, v26;
	s7 =	sor.u32 s10, s11;
	s17 =	sadd.s32 $0x9B80, s4;
	v14 =	vld.idx.msk [tilespmem:v14+s5+$0x0], $0xffff;
	[smem:$0x7F1] =	sst s0  }
0x73: {  	v52 =	vadd.s32 $0x4080, v26;
	s18 =	sadd.s32 $0xA800, s4;
	s19 =	sor.u32 s10, s17;
	[tilespmem:s7+$0x0] =	vst v35  }
0x74: {  	v53 =	vadd.s32 $0x4100, v26;
	s22 =	sor.u32 s10, s18;
	s21 =	sadd.s32 $0xA880, s4;
	v15 =	vld.idx.msk [tilespmem:v15+s5+$0x0], $0xffff;
	[tilespmem:s19+$0x0] =	vst v17  }
0x75: {  	s29 =	sadd.s32 $0xBA80, s4;
	v54 =	vadd.s32 $0x4180, v26;
	s23 =	sadd.s32 $0xA900, s4;
	s8 =	sor.u32 s10, s21;
	v16 =	vld.idx.msk [tilespmem:v16+s5+$0x0], $0xffff;
	[tilespmem:s22+$0x0] =	vst v36  }
0x76: {  	s26 =	sadd.s32 $0xAA00, s4;
	v55 =	vadd.s32 $0x4200, v26;
	s24 =	sadd.s32 $0xA980, s4;
	s25 =	sor.u32 s10, s23;
	v18 =	vld.idx.msk [tilespmem:v18+s5+$0x0], $0xffff;
	[tilespmem:s8+$0x0] =	vst v19  }
0x77: {  	v59 =	vadd.s32 $0x6000, v26;
	s3 =	sor.u32 s10, s24;
	s28 =	sor.u32 s15, s11;
	s11 =	sadd.s32 $0xAA80, s4;
	v17 =	vld.idx.msk [tilespmem:v51+s5+$0x0], $0xffff;
	[tilespmem:s25+$0x0] =	vst v20  }
0x78: {  	v56 =	vadd.s32 $0x4280, v26;
	s1 =	sor.u32 s15, s18;
	s18 =	sadd.s32 $0xAB00, s4;
	s14 =	sor.u32 s10, s26;
	v19 =	vld.idx.msk [tilespmem:v52+s5+$0x0], $0xffff;
	[tilespmem:s3+$0x0] =	vst v21  }
0x79: {  	v57 =	vadd.s32 $0x4300, v26;
	s31 =	sor.u32 s15, s17;
	s17 =	sor.u32 s15, s23;
	s19 =	sor.u32 s10, s11;
	v20 =	vld.idx.msk [tilespmem:v53+s5+$0x0], $0xffff;
	[tilespmem:s14+$0x0] =	vst v22  }
0x7a: {  	v58 =	vadd.s32 $0x4380, v26;
	s23 =	sor.u32 s10, s18;
	s16 =	sor.u32 s15, s21;
	s21 =	sadd.s32 $0xAB80, s4;
	v21 =	vld.idx.msk [tilespmem:v54+s5+$0x0], $0xffff;
	[tilespmem:s19+$0x0] =	vst v32  }
0x7b: {  	v60 =	vadd.s32 $0x6080, v26;
	s22 =	sor.u32 s15, s24;
	s24 =	sadd.s32 $0xB800, s4;
	s25 =	sor.u32 s10, s21;
	v22 =	vld.idx.msk [tilespmem:v55+s5+$0x0], $0xffff;
	[tilespmem:s23+$0x0] =	vst v23  }
0x7c: {  	v61 =	vadd.s32 $0x6100, v26;
	s30 =	sor.u32 s15, s11;
	s11 =	sor.u32 s10, s24;
	s3 =	sadd.s32 $0xB880, s4;
	v32 =	vld.idx.msk [tilespmem:v59+s5+$0x0], $0xffff;
	[tilespmem:s25+$0x0] =	vst v24  }
0x7d: {  	v62 =	vadd.s32 $0x6180, v26;
	s0 =	sor.u32 s15, s18;
	s18 =	sadd.s32 $0xB900, s4;
	s14 =	sor.u32 s10, s3;
	v23 =	vld.idx.msk [tilespmem:v56+s5+$0x0], $0xffff;
	[tilespmem:s11+$0x0] =	vst v25  }
0x7e: {  	s2 =	sadd.s32 $0xBA00, s4;
	s19 =	sor.u32 s10, s18;
	v24 =	vld.idx.msk [tilespmem:v57+s5+$0x0], $0xffff;
	s11 =	sadd.s32 $0xB980, s4;
	[tilespmem:s14+$0x0] =	vst v31  }
0x7f: {  	v63 =	vadd.s32 $0x6200, v26;
	s26 =	sor.u32 s15, s26;
	v25 =	vld.idx.msk [tilespmem:v58+s5+$0x0], $0xffff;
	s14 =	sor.u32 s15, s18;
	s18 =	sor.u32 s10, s11;
	[tilespmem:s19+$0x0] =	vst v30  }
0x80: {  	v35 =	vadd.s32 $0x6280, v26;
	s6 =	sor.u32 s15, s24;
	s23 =	sor.u32 s15, s21;
	s21 =	sor.u32 s10, s2;
	v31 =	vld.idx.msk [tilespmem:v60+s5+$0x0], $0xffff;
	[tilespmem:s18+$0x0] =	vst v29  }
0x81: {  	v33 =	vadd.s32 $0x6300, v26;
	s8 =	sadd.s32 $0xBB80, s4;
	s24 =	sshll.u32 s12, $0x2;
	s7 =	sor.u32 s15, s3;
	v30 =	vld.idx.msk [tilespmem:v61+s5+$0x0], $0xffff;
	[tilespmem:s21+$0x0] =	vst v28  }
0x82: {  	v34 =	vadd.s32 $0x6380, v26;
	s25 =	sor.u32 s10, s29;
	s19 =	sor.u32 s15, s11;
	v29 =	vld.idx.msk [tilespmem:v62+s5+$0x0], $0xffff;
	[smem:$0x7F2] =	sst s12  }
0x83: {  	s18 =	sadd.s32 $0xBB00, s4;
	s4 =	simm.s32 $0x0;
	[smem:$0x7F3] =	sst s24  }
0x84: {  	s11 =	sor.u32 s10, s18;
	s21 =	simm.s32 $0x20;
	[tilespmem:s25+$0x0] =	vst v27;
	v26 =	vld.idx.msk [tilespmem:v63+s5+$0x0], $0xffff;
	s25 =	simm.s32 $0x0  }
.LBB2_3:
0x85: {  	s12 =	sand.u32 $0x60, s21;
	v27 =	vld.idx.msk [tilespmem:v35+s5+$0x0], $0xffff;
	[tilespmem:s11+$0x0] =	vst v2;
	s11 =	sor.u32 s10, s8  }
0x86: {  	s3 =	smov.u32 s13;
	s13 =	sand.u32 $0x180, s21;
	v2 =	vld.idx.msk [tilespmem:v33+s5+$0x0], $0xffff;
	s10 =	sor.u32 $0x10, s12;
	[tilespmem:s11+$0x0] =	vst v1  }
0x87: {  	v1 =	vld.idx.msk [tilespmem:v34+s5+$0x0], $0xffff;
	[tilespmem:s20+$0x80] =	vst v3;
	s11 =	sor.u32 s10, s13  }
0x88: {  	[tilespmem:s20+$0x200] =	vst v6;
	v3 =	vld [tilespmem:s11+$0x8000]  }
0x89: {  	[tilespmem:s20+$0x100] =	vst v4  }
0x8a: {  	[tilespmem:s20+$0x180] =	vst v5  }
0x8b: {  	s24 =	sor.u32 s15, s2;
	[tilespmem:s20+$0x280] =	vst v7  }
0x8c: {  	s2 =	sor.u32 s15, s29;
	s29 =	sor.u32 s15, s8;
	s8 =	rddreg [dreg:$0xb];
	[tilespmem:s20+$0x0] =	vst v0  }
0x8d: {  	s11 =	rddreg [dreg:$0x7];
	[tilespmem:s8+$0x8800] =	vst v8;
	v0 =	vshll.u32 v3, $0x3  }
0x8e: {  	s18 =	sor.u32 s15, s18;
	s15 =	smov.u32 s12;
	s12 =	rddreg [dreg:$0xf];
	[tilespmem:s11+$0x8800] =	vst v9;
	v3 =	vand.u32 $0x7F, v3;
	v0 =	vand.u32 $0xFFFFFC00, v0  }
0x8f: {  	s20 =	rddreg [dreg:$0x13];
	[tilespmem:s12+$0x0] =	vst v10;
	v0 =	vor.u32 v3, v0  }
0x90: {  	s8 =	rddreg [dreg:$0x17];
	[tilespmem:s20+$0x0] =	vst v11;
	v3 =	vor.u32 $0x80, v0  }
0x91: {  	s13 =	smov.u32 s3;
	s11 =	rddreg [dreg:$0x1b];
	[tilespmem:s8+$0x0] =	vst v12;
	v4 =	vor.u32 $0x100, v0  }
0x92: {  	s13 =	sadd.s32 $0x20, s13;
	s20 =	sld [smem:$0x7F1];
	[tilespmem:s11+$0x0] =	vst v13;
	v5 =	vor.u32 $0x180, v0  }
0x93: {  	s12 =	rddreg [dreg:$0x1f];
	v28 =	vld [tilespmem:s13+$0x0];
	v6 =	vor.u32 $0x200, v0  }
0x94: {  	[tilespmem:s12+$0x0] =	vst v14;
	v7 =	vor.u32 $0x280, v0;
	v59 =	vld.idx.msk [tilespmem:v0+s5+$0x0], $0xffff  }
0x95: {  	v8 =	vor.u32 $0x300, v0;
	[tilespmem:s20+$0x0] =	vst v15;
	v3 =	vld.idx.msk [tilespmem:v3+s5+$0x0], $0xffff  }
0x96: {  	v9 =	vor.u32 $0x380, v0;
	[tilespmem:s28+$0x0] =	vst v16;
	v4 =	vld.idx.msk [tilespmem:v4+s5+$0x0], $0xffff  }
0x97: {  	v10 =	vadd.s32 $0x2000, v0;
	[tilespmem:s31+$0x0] =	vst v17;
	v5 =	vld.idx.msk [tilespmem:v5+s5+$0x0], $0xffff  }
0x98: {  	v11 =	vadd.s32 $0x2080, v0;
	[tilespmem:s1+$0x0] =	vst v18;
	v6 =	vld.idx.msk [tilespmem:v6+s5+$0x0], $0xffff  }
0x99: {  	v12 =	vadd.s32 $0x2100, v0;
	[tilespmem:s16+$0x0] =	vst v19;
	v7 =	vld.idx.msk [tilespmem:v7+s5+$0x0], $0xffff  }
0x9a: {  	v13 =	vadd.s32 $0x2180, v0;
	v8 =	vld.idx.msk [tilespmem:v8+s5+$0x0], $0xffff;
	[tilespmem:s17+$0x0] =	vst v20  }
0x9b: {  	v14 =	vadd.s32 $0x2200, v0;
	v9 =	vld.idx.msk [tilespmem:v9+s5+$0x0], $0xffff;
	[tilespmem:s22+$0x0] =	vst v21  }
0x9c: {  	v15 =	vadd.s32 $0x2280, v0;
	v10 =	vld.idx.msk [tilespmem:v10+s5+$0x0], $0xffff;
	[tilespmem:s26+$0x0] =	vst v22  }
0x9d: {  	v16 =	vadd.s32 $0x2300, v0;
	v11 =	vld.idx.msk [tilespmem:v11+s5+$0x0], $0xffff;
	[tilespmem:s30+$0x0] =	vst v23  }
0x9e: {  	v17 =	vadd.s32 $0x2380, v0;
	v12 =	vld.idx.msk [tilespmem:v12+s5+$0x0], $0xffff;
	[tilespmem:s0+$0x0] =	vst v24  }
0x9f: {  	v18 =	vadd.s32 $0x4000, v0;
	v13 =	vld.idx.msk [tilespmem:v13+s5+$0x0], $0xffff;
	[tilespmem:s23+$0x0] =	vst v25  }
0xa0: {  	v14 =	vld.idx.msk [tilespmem:v14+s5+$0x0], $0xffff;
	v19 =	vadd.s32 $0x4080, v0;
	[tilespmem:s6+$0x0] =	vst v32  }
0xa1: {  	v15 =	vld.idx.msk [tilespmem:v15+s5+$0x0], $0xffff;
	v20 =	vadd.s32 $0x4100, v0;
	[tilespmem:s7+$0x0] =	vst v31  }
0xa2: {  	v16 =	vld.idx.msk [tilespmem:v16+s5+$0x0], $0xffff;
	v21 =	vadd.s32 $0x4180, v0;
	[tilespmem:s14+$0x0] =	vst v30  }
0xa3: {  	v17 =	vld.idx.msk [tilespmem:v17+s5+$0x0], $0xffff;
	v22 =	vadd.s32 $0x4200, v0;
	[tilespmem:s19+$0x0] =	vst v29  }
0xa4: {  	v18 =	vld.idx.msk [tilespmem:v18+s5+$0x0], $0xffff;
	v23 =	vadd.s32 $0x4280, v0;
	[tilespmem:s24+$0x0] =	vst v26  }
0xa5: {  	v19 =	vld.idx.msk [tilespmem:v19+s5+$0x0], $0xffff;
	v24 =	vadd.s32 $0x4300, v0;
	[tilespmem:s2+$0x0] =	vst v27  }
0xa6: {  	v20 =	vld.idx.msk [tilespmem:v20+s5+$0x0], $0xffff;
	[tilespmem:s18+$0x0] =	vst v2;
	v2 =	vadd.s32 $0x4380, v0  }
0xa7: {  	v21 =	vld.idx.msk [tilespmem:v21+s5+$0x0], $0xffff;
	v26 =	vadd.s32 $0x6080, v0  }
0xa8: {  	v22 =	vld.idx.msk [tilespmem:v22+s5+$0x0], $0xffff;
	[tilespmem:s29+$0x0] =	vst v1;
	v1 =	vadd.s32 $0x6000, v0  }
0xa9: {  	v23 =	vld.idx.msk [tilespmem:v23+s5+$0x0], $0xffff;
	v27 =	vadd.s32 $0x6100, v0  }
0xaa: {  	v60 =	vadd.s32 $0x6180, v0;
	v24 =	vld.idx.msk [tilespmem:v24+s5+$0x0], $0xffff  }
0xab: {  	v25 =	vld.idx.msk [tilespmem:v2+s5+$0x0], $0xffff;
	v2 =	vadd.s32 $0x6200, v0  }
0xac: {  	v61 =	vadd.s32 $0x6300, v0;
	v31 =	vld.idx.msk [tilespmem:v26+s5+$0x0], $0xffff  }
0xad: {  	v29 =	vshll.u32 v28, $0x3;
	v32 =	vld.idx.msk [tilespmem:v1+s5+$0x0], $0xffff;
	v1 =	vadd.s32 $0x6280, v0  }
0xae: {  	v26 =	vand.u32 $0x7F, v28;
	v28 =	vand.u32 $0xFFFFFC00, v29;
	v30 =	vld.idx.msk [tilespmem:v27+s5+$0x0], $0xffff;
	v0 =	vadd.s32 $0x6380, v0  }
0xaf: {  	s9 =	sadd.s32 $0x100, s9;
	v29 =	vor.u32 v26, v28;
	v26 =	vld.idx.msk [tilespmem:v60+s5+$0x0], $0xffff  }
0xb0: {  	s24 =	sand.u32 $0xC00, s9;
	v62 =	vor.u32 $0x80, v29;
	v27 =	vld.idx.msk [tilespmem:v2+s5+$0x0], $0xffff  }
0xb1: {  	s23 =	sadd.s32 $0x8800, s24;
	v36 =	vor.u32 $0x100, v29;
	v2 =	vld.idx.msk [tilespmem:v61+s5+$0x0], $0xffff  }
0xb2: {  	s26 =	sor.u32 s10, s23;
	v37 =	vor.u32 $0x180, v29;
	v28 =	vld.idx.msk [tilespmem:v1+s5+$0x0], $0xffff  }
0xb3: {  	s25 =	sadd.s32 $0x1, s25;
	s4 =	sadd.s32 $0x2, s4;
	s22 =	sor.u32 s9, s21;
	v63 =	vor.u32 $0x200, v29;
	v1 =	vld.idx.msk [tilespmem:v0+s5+$0x0], $0xffff;
	[tilespmem:s26+$0x0] =	vst v59  }
0xb4: {  	p1 =	slt.u32 s4, $0x1E;
	s0 =	sor.u32 $0x380, s22;
	s2 =	sand.u32 $0x3, s25;
	v40 =	vor.u32 $0x280, v29;
	v0 =	vld.idx.msk [tilespmem:v29+s5+$0x0], $0xffff;
	[tilespmem:s26+$0x80] =	vst v3  }
0xb5: {  	s21 =	sadd.s32 $0x20, s21;
	[dreg:$0x7] =	wrdreg s0;
	s1 =	sshll.u32 s2, $0x5;
	v41 =	vor.u32 $0x300, v29;
	v3 =	vld.idx.msk [tilespmem:v62+s5+$0x0], $0xffff;
	[tilespmem:s26+$0x100] =	vst v4  }
0xb6: {  	s7 =	sadd.s32 $0x9800, s24;
	s12 =	sadd.s32 $0x9880, s24;
	s1 =	sadd.s32 s1, s9;
	v42 =	vor.u32 $0x380, v29;
	v4 =	vld.idx.msk [tilespmem:v36+s5+$0x0], $0xffff;
	[tilespmem:s26+$0x180] =	vst v5  }
0xb7: {  	s17 =	sadd.s32 $0x9900, s24;
	s3 =	sor.u32 $0x300, s1;
	s1 =	sadd.s32 $0x10, s1;
	v43 =	vadd.s32 $0x2000, v29;
	v5 =	vld.idx.msk [tilespmem:v37+s5+$0x0], $0xffff;
	[tilespmem:s26+$0x200] =	vst v6  }
0xb8: {  	s19 =	sadd.s32 $0x9980, s24;
	s20 =	sor.u32 s15, s23;
	s6 =	sor.u32 $0x300, s1;
	v44 =	vadd.s32 $0x2080, v29;
	v45 =	vadd.s32 $0x2100, v29;
	v6 =	vld.idx.msk [tilespmem:v63+s5+$0x0], $0xffff;
	[tilespmem:s26+$0x280] =	vst v7  }
0xb9: {  	s11 =	sor.u32 s15, s7;
	s14 =	sor.u32 s10, s7;
	s8 =	sor.u32 $0x380, s1;
	v46 =	vadd.s32 $0x2180, v29;
	v47 =	vadd.s32 $0x2200, v29;
	v48 =	vadd.s32 $0x2280, v29;
	v7 =	vld.idx.msk [tilespmem:v40+s5+$0x0], $0xffff;
	[tilespmem:s6+$0x8800] =	vst v8  }
0xba: {  	s16 =	sor.u32 s15, s12;
	s18 =	sor.u32 s10, s12;
	[dreg:$0xf] =	wrdreg s11;
	v49 =	vadd.s32 $0x2300, v29;
	v50 =	vadd.s32 $0x2380, v29;
	v62 =	vadd.s32 $0x6180, v29;
	v8 =	vld.idx.msk [tilespmem:v41+s5+$0x0], $0xffff;
	[tilespmem:s8+$0x8800] =	vst v9  }
0xbb: {  	s22 =	sor.u32 s10, s17;
	s2 =	sor.u32 s15, s17;
	[dreg:$0x13] =	wrdreg s16;
	v51 =	vadd.s32 $0x4000, v29;
	v52 =	vadd.s32 $0x4080, v29;
	v53 =	vadd.s32 $0x4100, v29;
	v9 =	vld.idx.msk [tilespmem:v42+s5+$0x0], $0xffff;
	[tilespmem:s14+$0x0] =	vst v10  }
0xbc: {  	s23 =	sadd.s32 $0x9A00, s24;
	s12 =	sadd.s32 $0x9B80, s24;
	[dreg:$0x17] =	wrdreg s2;
	v54 =	vadd.s32 $0x4180, v29;
	v55 =	vadd.s32 $0x4200, v29;
	v56 =	vadd.s32 $0x4280, v29;
	v10 =	vld.idx.msk [tilespmem:v43+s5+$0x0], $0xffff;
	[tilespmem:s18+$0x0] =	vst v11  }
0xbd: {  	s7 =	sor.u32 s10, s23;
	s16 =	sadd.s32 $0xA800, s24;
	v57 =	vadd.s32 $0x4300, v29;
	v58 =	vadd.s32 $0x4380, v29;
	v60 =	vadd.s32 $0x6080, v29;
	s26 =	sor.u32 s10, s19;
	v11 =	vld.idx.msk [tilespmem:v44+s5+$0x0], $0xffff;
	[tilespmem:s22+$0x0] =	vst v12  }
0xbe: {  	s17 =	sor.u32 s10, s12;
	s31 =	sor.u32 s15, s12;
	v35 =	vadd.s32 $0x6280, v29;
	v33 =	vadd.s32 $0x6300, v29;
	v34 =	vadd.s32 $0x6380, v29;
	s6 =	sadd.s32 $0x9A80, s24;
	v12 =	vld.idx.msk [tilespmem:v45+s5+$0x0], $0xffff;
	[tilespmem:s26+$0x0] =	vst v13  }
0xbf: {  	s12 =	sadd.s32 $0xAA80, s24;
	v61 =	vadd.s32 $0x6100, v29;
	v59 =	vadd.s32 $0x6000, v29;
	v63 =	vadd.s32 $0x6200, v29;
	s8 =	sadd.s32 $0x9B00, s24;
	s11 =	sor.u32 s10, s6;
	v29 =	vld.idx.msk [tilespmem:v62+s5+$0x0], $0xffff;
	[tilespmem:s7+$0x0] =	vst v14  }
0xc0: {  	[dreg:$0xb] =	wrdreg s3;
	s1 =	sor.u32 s15, s19;
	s14 =	sor.u32 s10, s8;
	v13 =	vld.idx.msk [tilespmem:v46+s5+$0x0], $0xffff;
	[tilespmem:s11+$0x0] =	vst v15  }
0xc1: {  	s30 =	sor.u32 s15, s12;
	s3 =	sor.u32 s15, s23;
	[dreg:$0x1b] =	wrdreg s1;
	v14 =	vld.idx.msk [tilespmem:v47+s5+$0x0], $0xffff;
	[tilespmem:s14+$0x0] =	vst v16  }
0xc2: {  	[dreg:$0x1f] =	wrdreg s3;
	s19 =	sor.u32 s10, s16;
	s18 =	sadd.s32 $0xA880, s24;
	v15 =	vld.idx.msk [tilespmem:v48+s5+$0x0], $0xffff;
	[tilespmem:s17+$0x0] =	vst v17  }
0xc3: {  	s1 =	sor.u32 s15, s16;
	s22 =	sadd.s32 $0xA900, s24;
	s23 =	sor.u32 s10, s18;
	v16 =	vld.idx.msk [tilespmem:v49+s5+$0x0], $0xffff;
	[tilespmem:s19+$0x0] =	vst v18  }
0xc4: {  	s2 =	sor.u32 s15, s6;
	s26 =	sadd.s32 $0xA980, s24;
	s3 =	sor.u32 s10, s22;
	v17 =	vld.idx.msk [tilespmem:v50+s5+$0x0], $0xffff;
	[tilespmem:s23+$0x0] =	vst v19  }
0xc5: {  	s28 =	sor.u32 s15, s8;
	s8 =	sadd.s32 $0xAA00, s24;
	s11 =	sor.u32 s10, s26;
	v18 =	vld.idx.msk [tilespmem:v51+s5+$0x0], $0xffff;
	[tilespmem:s3+$0x0] =	vst v20  }
0xc6: {  	s16 =	sor.u32 s15, s18;
	s18 =	sor.u32 s10, s8;
	s17 =	sor.u32 s15, s22;
	v19 =	vld.idx.msk [tilespmem:v52+s5+$0x0], $0xffff;
	[tilespmem:s11+$0x0] =	vst v21  }
0xc7: {  	s22 =	sor.u32 s15, s26;
	s19 =	sadd.s32 $0xAB00, s24;
	s23 =	sor.u32 s10, s12;
	v20 =	vld.idx.msk [tilespmem:v53+s5+$0x0], $0xffff;
	[tilespmem:s18+$0x0] =	vst v22  }
0xc8: {  	s26 =	sor.u32 s15, s8;
	s14 =	sor.u32 s10, s19;
	s3 =	sadd.s32 $0xAB80, s24;
	v21 =	vld.idx.msk [tilespmem:v54+s5+$0x0], $0xffff;
	[tilespmem:s23+$0x0] =	vst v23  }
0xc9: {  	s8 =	sadd.s32 $0xB980, s24;
	s11 =	sor.u32 s10, s3;
	v22 =	vld.idx.msk [tilespmem:v55+s5+$0x0], $0xffff;
	s18 =	sadd.s32 $0xB800, s24;
	[tilespmem:s14+$0x0] =	vst v24  }
0xca: {  	s0 =	sor.u32 s15, s19;
	s12 =	sadd.s32 $0xB880, s24;
	v23 =	vld.idx.msk [tilespmem:v56+s5+$0x0], $0xffff;
	s19 =	sor.u32 s10, s18;
	[tilespmem:s11+$0x0] =	vst v25  }
0xcb: {  	s23 =	sor.u32 s15, s3;
	s3 =	sadd.s32 $0xB900, s24;
	v24 =	vld.idx.msk [tilespmem:v57+s5+$0x0], $0xffff;
	s14 =	sor.u32 s10, s12;
	[tilespmem:s19+$0x0] =	vst v32  }
.Ltmp2:
0xcc: {  	s6 =	sor.u32 s15, s18;
	s18 =	sor.u32 s10, s3;
	v25 =	vld.idx.msk [tilespmem:v58+s5+$0x0], $0xffff;
	[tilespmem:s14+$0x0] =	vst v31;
	(pc) =	sbr.rel @p1 .LBB2_3-.Ltmp2, $4  }
0xcd: {  	[smem:$0x7F1] =	sst s2;
	s2 =	sadd.s32 $0xBA00, s24;
	v32 =	vld.idx.msk [tilespmem:v59+s5+$0x0], $0xffff;
	s19 =	sor.u32 s10, s8;
	[tilespmem:s18+$0x0] =	vst v30  }
0xce: {  	s29 =	sadd.s32 $0xBA80, s24;
	v31 =	vld.idx.msk [tilespmem:v60+s5+$0x0], $0xffff;
	s14 =	sor.u32 s15, s3;
	s3 =	sor.u32 s10, s2;
	[tilespmem:s19+$0x0] =	vst v26  }
0xcf: {  	s7 =	sor.u32 s15, s12;
	s12 =	sor.u32 s10, s29;
	v30 =	vld.idx.msk [tilespmem:v61+s5+$0x0], $0xffff;
	s18 =	sadd.s32 $0xBB00, s24;
	[tilespmem:s3+$0x0] =	vst v27  }
0xd0: {  	s19 =	sor.u32 s15, s8;
	v26 =	vld.idx.msk [tilespmem:v63+s5+$0x0], $0xffff;
	s8 =	sadd.s32 $0xBB80, s24;
	s11 =	sor.u32 s10, s18;
	[tilespmem:s12+$0x0] =	vst v28  }
0xd1: {  	_ =	sdelay $0x3  }
0xd2: {  	v27 =	vld.idx.msk [tilespmem:v35+s5+$0x0], $0xffff  }
0xd3: {  	[tilespmem:s11+$0x0] =	vst v2;
	v62 =	vld.idx.msk [tilespmem:v33+s5+$0x0], $0xffff  }
0xd4: {  	v63 =	vld.idx.msk [tilespmem:v34+s5+$0x0], $0xffff;
	[tilespmem:s20+$0x80] =	vst v3  }
0xd5: {  	[tilespmem:s20+$0x100] =	vst v4  }
0xd6: {  	[tilespmem:s20+$0x180] =	vst v5  }
0xd7: {  	[tilespmem:s20+$0x200] =	vst v6  }
0xd8: {  	[tilespmem:s20+$0x280] =	vst v7  }
0xd9: {  	s4 =	sor.u32 s10, s8;
	[tilespmem:s20+$0x0] =	vst v0  }
0xda: {  	[tilespmem:s4+$0x0] =	vst v1  }
0xdb: {  	s3 =	rddreg [dreg:$0xb]  }
0xdc: {  	[tilespmem:s3+$0x8800] =	vst v8  }
0xdd: {  	s3 =	rddreg [dreg:$0x7]  }
0xde: {  	[tilespmem:s3+$0x8800] =	vst v9  }
0xdf: {  	s3 =	rddreg [dreg:$0xf]  }
0xe0: {  	[tilespmem:s3+$0x0] =	vst v10  }
0xe1: {  	s3 =	rddreg [dreg:$0x13]  }
0xe2: {  	[tilespmem:s3+$0x0] =	vst v11  }
0xe3: {  	s3 =	rddreg [dreg:$0x17]  }
0xe4: {  	[tilespmem:s3+$0x0] =	vst v12  }
0xe5: {  	s3 =	rddreg [dreg:$0x1b]  }
0xe6: {  	[tilespmem:s3+$0x0] =	vst v13  }
0xe7: {  	s3 =	rddreg [dreg:$0x1f]  }
0xe8: {  	[tilespmem:s3+$0x0] =	vst v14  }
0xe9: {  	s3 =	sld [smem:$0x7F1];
	_ =	sdelay $0x2  }
0xea: {  	[tilespmem:s3+$0x0] =	vst v15  }
0xeb: {  	[tilespmem:s28+$0x0] =	vst v16  }
0xec: {  	[tilespmem:s31+$0x0] =	vst v17  }
0xed: {  	[tilespmem:s1+$0x0] =	vst v18  }
0xee: {  	[tilespmem:s16+$0x0] =	vst v19  }
0xef: {  	[tilespmem:s17+$0x0] =	vst v20  }
0xf0: {  	[tilespmem:s22+$0x0] =	vst v21  }
0xf1: {  	[tilespmem:s26+$0x0] =	vst v22  }
0xf2: {  	[tilespmem:s30+$0x0] =	vst v23  }
0xf3: {  	[tilespmem:s0+$0x0] =	vst v24  }
0xf4: {  	[tilespmem:s23+$0x0] =	vst v25  }
0xf5: {  	[tilespmem:s6+$0x0] =	vst v32  }
0xf6: {  	[tilespmem:s7+$0x0] =	vst v31  }
0xf7: {  	[tilespmem:s14+$0x0] =	vst v30  }
0xf8: {  	s21 =	sor.u32 s15, s2;
	[tilespmem:s19+$0x0] =	vst v29  }
0xf9: {  	[tilespmem:s21+$0x0] =	vst v26  }
0xfa: {  	s22 =	sor.u32 s15, s29;
	s6 =	sld [smem:$0x7F2]  }
0xfb: {  	[tilespmem:s22+$0x0] =	vst v27  }
0xfc: {  	s3 =	sld [smem:$0x7F5]  }
0xfd: {  	p1 =	sne.s32 s6, $0x18  }
.Ltmp3:
0xfe: {  	s24 =	sor.u32 s15, s18;
	s23 =	sshll.u32 s6, $0x15;
	(pc) =	sbr.rel @p1 .LBB2_6-.Ltmp3, $4  }
0xff: {  	s25 =	sor.u32 s15, s8;
	s28 =	rddreg [dreg:$0x2];
	[tilespmem:s24+$0x0] =	vst v62;
	s0 =	sor.u32 s3, s23  }
0x100: {  	s31 =	simm.s32 $0x8800;
	s29 =	simm.s32 $0x1000;
	[tilespmem:s25+$0x0] =	vst v63;
	s26 =	sshrl.u32 s0, $0x3  }
0x101: {  	s30 =	simm.s32 $0x20000;
	[smem:$0x7F0] =	sst s26;
	s0 =	sadd.s32 s28, s26  }
0x102: {  	[hbm4b:s0+s29] =	stream.strided.scatter [tilespmem:s31], [sflag:$0x5], $0x4000, s30, s29, $0x38;
	[tilespmem:$0x18800] =	vst v63  }
.Ltmp4:
0x103: {  	(pc) =	sbr.rel .LBB2_7-.Ltmp4, $4  }
0x104: {  	s0 =	simm.s32 $0x2  }
0x105: {  	_ =	swait.ge [sflag:s0], $0x200  }
0x106: {  	[sflag:s0] =	ssyncset.done $0x0  }
0x107: {  	[sflag:s0] =	ssyncadd.s32 $0xFFFFFE00  }
.LBB2_6:
0x108: {  	s0 =	sld [smem:$0x7F3];
	_ =	sdelay $0x2  }
0x109: {  	s0 =	sadd.s32 $0x4, s0  }
0x10a: {  	s1 =	sshll.u32 s0, $0x7;
	s0 =	sshll.u32 s0, $0xE  }
0x10b: {  	s1 =	sand.u32 $0x200, s1;
	s0 =	sand.u32 $0x3E0000, s0  }
0x10c: {  	s0 =	sor.u32 s0, s1  }
0x10d: {  	s28 =	rddreg [dreg:$0x1];
	s29 =	simm.s32 $0x80;
	s0 =	sor.u32 s3, s0  }
0x10e: {  	s2 =	simm.s32 $0x400;
	s30 =	simm.s32 $0x8000;
	s0 =	sshrl.u32 s0, $0x3  }
.Ltmp5:
0x10f: {  	s31 =	simm.s32 $0x2;
	s0 =	sadd.s32 s28, s0;
	(pc) =	sbr.rel @p0 .LBB2_8-.Ltmp5, $4  }
0x110: {  	[tilespmem:s30], [sflag:$0x1] =	stream.strided.gather [hbm4b:s0+s29], $0x200, s2, s29, $0x38;
	[tilespmem:$0x18800] =	vst v63  }
0x111: {  	_ =	swait.ge [sflag:s31], $0x200  }
0x112: {  	[sflag:s31] =	ssyncset.done $0x0  }
0x113: {  	[sflag:s31] =	ssyncadd.s32 $0xFFFFFE00  }
.LBB2_7:
0x114: {  	s0 =	simm.s32 $0x6  }
0x115: {  	_ =	swait.ge [sflag:s0], $0x4000  }
0x116: {  	[sflag:s0] =	ssyncset.done $0x0  }
0x117: {  	[sflag:s0] =	ssyncadd.s32 $0xFFFFC000  }
.LBB2_8:
0x118: {  	s10 =	simm.s32 $0x0  }
0x119: {  	s9 =	sand.u32 $0x60, s10  }
0x11a: {  	s0 =	sand.u32 $0x180, s10;
	s18 =	sor.u32 $0x10, s9  }
0x11b: {  	s0 =	sor.u32 s18, s0  }
0x11c: {  	v0 =	vld [tilespmem:s0+$0x8200];
	_ =	sdelay $0x4  }
0x11d: {  	v1 =	vshll.u32 v0, $0x3  }
0x11e: {  	v0 =	vand.u32 $0x7F, v0;
	v1 =	vand.u32 $0xFFFFFC00, v1  }
0x11f: {  	v0 =	vor.u32 v0, v1  }
0x120: {  	v1 =	vor.u32 $0x80, v0  }
0x121: {  	s14 =	simm.s32 $0x8200;
	v2 =	vor.u32 $0x100, v0  }
0x122: {  	s1 =	simm.s32 $0x8200;
	[dreg:$0x4] =	wrdreg s14;
	v3 =	vor.u32 $0x180, v0  }
0x123: {  	v4 =	vld [tilespmem:s1+$0x0];
	v5 =	vor.u32 $0x200, v0  }
0x124: {  	v7 =	vor.u32 $0x280, v0;
	v6 =	vld.idx.msk [tilespmem:v0+s5+$0x0], $0xffff  }
0x125: {  	v8 =	vld.idx.msk [tilespmem:v1+s5+$0x0], $0xffff;
	v1 =	vor.u32 $0x300, v0  }
0x126: {  	v9 =	vld.idx.msk [tilespmem:v2+s5+$0x0], $0xffff;
	v2 =	vor.u32 $0x380, v0  }
0x127: {  	v10 =	vld.idx.msk [tilespmem:v3+s5+$0x0], $0xffff;
	v3 =	vadd.s32 $0x2000, v0  }
0x128: {  	v11 =	vld.idx.msk [tilespmem:v5+s5+$0x0], $0xffff;
	v5 =	vadd.s32 $0x2080, v0  }
0x129: {  	v12 =	vadd.s32 $0x2100, v0;
	v7 =	vld.idx.msk [tilespmem:v7+s5+$0x0], $0xffff  }
0x12a: {  	v13 =	vld.idx.msk [tilespmem:v1+s5+$0x0], $0xffff;
	v1 =	vadd.s32 $0x2180, v0  }
0x12b: {  	v14 =	vld.idx.msk [tilespmem:v2+s5+$0x0], $0xffff;
	v2 =	vadd.s32 $0x2200, v0  }
0x12c: {  	v15 =	vld.idx.msk [tilespmem:v3+s5+$0x0], $0xffff;
	v3 =	vadd.s32 $0x2280, v0  }
0x12d: {  	v16 =	vld.idx.msk [tilespmem:v5+s5+$0x0], $0xffff;
	v5 =	vadd.s32 $0x2300, v0  }
0x12e: {  	v17 =	vadd.s32 $0x2380, v0;
	v12 =	vld.idx.msk [tilespmem:v12+s5+$0x0], $0xffff  }
0x12f: {  	v18 =	vld.idx.msk [tilespmem:v1+s5+$0x0], $0xffff;
	v1 =	vadd.s32 $0x4000, v0  }
0x130: {  	v19 =	vld.idx.msk [tilespmem:v2+s5+$0x0], $0xffff;
	v2 =	vadd.s32 $0x4080, v0  }
0x131: {  	v33 =	vld.idx.msk [tilespmem:v3+s5+$0x0], $0xffff;
	v3 =	vadd.s32 $0x4100, v0  }
0x132: {  	v34 =	vld.idx.msk [tilespmem:v5+s5+$0x0], $0xffff;
	v5 =	vadd.s32 $0x4180, v0  }
0x133: {  	v22 =	vadd.s32 $0x4200, v0;
	v17 =	vld.idx.msk [tilespmem:v17+s5+$0x0], $0xffff  }
0x134: {  	v35 =	vld.idx.msk [tilespmem:v1+s5+$0x0], $0xffff;
	v1 =	vadd.s32 $0x4280, v0  }
0x135: {  	v36 =	vld.idx.msk [tilespmem:v2+s5+$0x0], $0xffff;
	v2 =	vadd.s32 $0x4300, v0  }
0x136: {  	v20 =	vld.idx.msk [tilespmem:v3+s5+$0x0], $0xffff;
	v3 =	vadd.s32 $0x4380, v0  }
0x137: {  	v21 =	vld.idx.msk [tilespmem:v5+s5+$0x0], $0xffff;
	v5 =	vadd.s32 $0x6000, v0  }
0x138: {  	v26 =	vadd.s32 $0x6080, v0;
	v22 =	vld.idx.msk [tilespmem:v22+s5+$0x0], $0xffff  }
0x139: {  	v23 =	vld.idx.msk [tilespmem:v1+s5+$0x0], $0xffff;
	v1 =	vadd.s32 $0x6100, v0  }
0x13a: {  	v32 =	vld.idx.msk [tilespmem:v2+s5+$0x0], $0xffff;
	v2 =	vadd.s32 $0x6180, v0  }
0x13b: {  	v24 =	vld.idx.msk [tilespmem:v3+s5+$0x0], $0xffff;
	v3 =	vadd.s32 $0x6200, v0  }
0x13c: {  	v25 =	vld.idx.msk [tilespmem:v5+s5+$0x0], $0xffff;
	v5 =	vadd.s32 $0x6280, v0  }
0x13d: {  	v37 =	vadd.s32 $0x6300, v0;
	v31 =	vld.idx.msk [tilespmem:v26+s5+$0x0], $0xffff  }
0x13e: {  	v26 =	vshll.u32 v4, $0x3;
	v0 =	vadd.s32 $0x6380, v0;
	v30 =	vld.idx.msk [tilespmem:v1+s5+$0x0], $0xffff  }
0x13f: {  	v1 =	vand.u32 $0x7F, v4;
	v4 =	vand.u32 $0xFFFFFC00, v26;
	v29 =	vld.idx.msk [tilespmem:v2+s5+$0x0], $0xffff  }
0x140: {  	s21 =	sand.u32 $0xC00, s10;
	v28 =	vld.idx.msk [tilespmem:v3+s5+$0x0], $0xffff;
	v26 =	vor.u32 v1, v4  }
0x141: {  	s15 =	sadd.s32 $0xC800, s21;
	v27 =	vld.idx.msk [tilespmem:v5+s5+$0x0], $0xffff;
	v3 =	vor.u32 $0x80, v26  }
0x142: {  	s16 =	sor.u32 s18, s15;
	v2 =	vld.idx.msk [tilespmem:v37+s5+$0x0], $0xffff;
	v4 =	vor.u32 $0x100, v26  }
0x143: {  	v1 =	vld.idx.msk [tilespmem:v0+s5+$0x0], $0xffff;
	[tilespmem:s16+$0x0] =	vst v6;
	v5 =	vor.u32 $0x180, v26  }
0x144: {  	[tilespmem:s16+$0x80] =	vst v8  }
0x145: {  	[tilespmem:s16+$0x100] =	vst v9;
	v50 =	vor.u32 $0x200, v26;
	v0 =	vld.idx.msk [tilespmem:v26+s5+$0x0], $0xffff  }
0x146: {  	s2 =	sand.u32 $0x3, s10;
	s3 =	sor.u32 s10, s10;
	[tilespmem:s16+$0x180] =	vst v10;
	v38 =	vor.u32 $0x280, v26;
	v3 =	vld.idx.msk [tilespmem:v3+s5+$0x0], $0xffff  }
0x147: {  	s2 =	sshll.u32 s2, $0x5;
	s3 =	sor.u32 $0x380, s3;
	[tilespmem:s16+$0x200] =	vst v11;
	v8 =	vor.u32 $0x300, v26;
	v4 =	vld.idx.msk [tilespmem:v4+s5+$0x0], $0xffff  }
0x148: {  	s2 =	sadd.s32 $0x0, s2;
	v5 =	vld.idx.msk [tilespmem:v5+s5+$0x0], $0xffff;
	[dreg:$0x8] =	wrdreg s3  }
0x149: {  	s6 =	sadd.s32 $0x10, s2;
	s19 =	sor.u32 $0x300, s2;
	v9 =	vor.u32 $0x380, v26;
	[tilespmem:s16+$0x280] =	vst v7  }
0x14a: {  	s20 =	sadd.s32 $0xD800, s21;
	s17 =	sor.u32 $0x300, s6;
	v6 =	vld.idx.msk [tilespmem:v50+s5+$0x0], $0xffff;
	[dreg:$0xc] =	wrdreg s19  }
0x14b: {  	s23 =	sor.u32 s9, s20;
	v7 =	vld.idx.msk [tilespmem:v38+s5+$0x0], $0xffff;
	[tilespmem:s17+$0xC800] =	vst v13  }
0x14c: {  	s24 =	sadd.s32 $0xD880, s21;
	s22 =	sor.u32 $0x380, s6;
	v10 =	vadd.s32 $0x2000, v26;
	v8 =	vld.idx.msk [tilespmem:v8+s5+$0x0], $0xffff;
	[dreg:$0x10] =	wrdreg s23  }
0x14d: {  	s26 =	sor.u32 s9, s24;
	v11 =	vadd.s32 $0x2080, v26;
	[tilespmem:s22+$0xC800] =	vst v14  }
0x14e: {  	s25 =	sor.u32 s18, s20;
	v9 =	vld.idx.msk [tilespmem:v9+s5+$0x0], $0xffff;
	[dreg:$0x14] =	wrdreg s26  }
0x14f: {  	s6 =	sor.u32 s18, s24;
	v51 =	vadd.s32 $0x2100, v26;
	s3 =	sadd.s32 $0xD900, s21;
	[tilespmem:s25+$0x0] =	vst v15  }
0x150: {  	s8 =	sor.u32 s18, s3;
	v13 =	vadd.s32 $0x2180, v26;
	[tilespmem:s6+$0x0] =	vst v16  }
0x151: {  	s7 =	sadd.s32 $0xD980, s21;
	s1 =	sor.u32 s9, s3;
	v14 =	vadd.s32 $0x2200, v26;
	v10 =	vld.idx.msk [tilespmem:v10+s5+$0x0], $0xffff;
	[tilespmem:s8+$0x0] =	vst v12  }
0x152: {  	s29 =	simm.s32 $0x0;
	s12 =	sor.u32 s18, s7;
	v15 =	vadd.s32 $0x2280, v26;
	v11 =	vld.idx.msk [tilespmem:v11+s5+$0x0], $0xffff;
	[dreg:$0x18] =	wrdreg s1  }
0x153: {  	s11 =	sadd.s32 $0xDA00, s21;
	s13 =	sadd.s32 $0xDA80, s21;
	s2 =	sor.u32 s9, s7;
	v16 =	vadd.s32 $0x2300, v26;
	[tilespmem:s12+$0x0] =	vst v18  }
0x154: {  	s4 =	sor.u32 s9, s15;
	s14 =	sor.u32 s18, s11;
	v52 =	vadd.s32 $0x2380, v26;
	v12 =	vld.idx.msk [tilespmem:v51+s5+$0x0], $0xffff;
	[dreg:$0x1c] =	wrdreg s2  }
0x155: {  	s15 =	sadd.s32 $0xDB00, s21;
	s28 =	sor.u32 s9, s13;
	s16 =	sor.u32 s18, s13;
	v18 =	vadd.s32 $0x4000, v26;
	v13 =	vld.idx.msk [tilespmem:v13+s5+$0x0], $0xffff;
	[tilespmem:s14+$0x0] =	vst v19  }
0x156: {  	s7 =	sadd.s32 $0xE800, s21;
	v63 =	vadd.s32 $0x6200, v26;
	s19 =	sor.u32 s18, s15;
	s17 =	sadd.s32 $0xDB80, s21;
	v14 =	vld.idx.msk [tilespmem:v14+s5+$0x0], $0xffff;
	[tilespmem:s16+$0x0] =	vst v33  }
0x157: {  	s31 =	sor.u32 s9, s15;
	s24 =	sadd.s32 $0xE900, s21;
	v53 =	vadd.s32 $0x4100, v26;
	s20 =	sor.u32 s18, s17;
	v19 =	vadd.s32 $0x4080, v26;
	v15 =	vld.idx.msk [tilespmem:v15+s5+$0x0], $0xffff;
	[tilespmem:s19+$0x0] =	vst v34  }
0x158: {  	v54 =	vadd.s32 $0x4180, v26;
	v55 =	vadd.s32 $0x4200, v26;
	v56 =	vadd.s32 $0x4280, v26;
	s3 =	sor.u32 s9, s11;
	s23 =	sor.u32 s18, s7;
	s22 =	sadd.s32 $0xE880, s21;
	v16 =	vld.idx.msk [tilespmem:v16+s5+$0x0], $0xffff;
	[tilespmem:s20+$0x0] =	vst v17  }
0x159: {  	v57 =	vadd.s32 $0x4300, v26;
	v58 =	vadd.s32 $0x4380, v26;
	v59 =	vadd.s32 $0x6000, v26;
	s11 =	sadd.s32 $0xEA00, s21;
	s13 =	sadd.s32 $0xEA80, s21;
	s25 =	sor.u32 s18, s22;
	v17 =	vld.idx.msk [tilespmem:v52+s5+$0x0], $0xffff;
	[tilespmem:s23+$0x0] =	vst v35  }
0x15a: {  	v60 =	vadd.s32 $0x6080, v26;
	v61 =	vadd.s32 $0x6100, v26;
	v62 =	vadd.s32 $0x6180, v26;
	s15 =	sadd.s32 $0xEB00, s21;
	s26 =	sadd.s32 $0xE980, s21;
	s8 =	sor.u32 s18, s24;
	v18 =	vld.idx.msk [tilespmem:v18+s5+$0x0], $0xffff;
	[tilespmem:s25+$0x0] =	vst v36  }
0x15b: {  	s30 =	sor.u32 s9, s11;
	s0 =	sor.u32 s9, s13;
	s12 =	sor.u32 s18, s26;
	v33 =	vadd.s32 $0x6300, v26;
	v34 =	vadd.s32 $0x6380, v26;
	v35 =	vadd.s32 $0x6280, v26;
	v26 =	vld.idx.msk [tilespmem:v63+s5+$0x0], $0xffff;
	[tilespmem:s8+$0x0] =	vst v20  }
0x15c: {  	s1 =	sor.u32 s9, s17;
	s17 =	sor.u32 s9, s22;
	s14 =	sor.u32 s18, s11;
	v19 =	vld.idx.msk [tilespmem:v19+s5+$0x0], $0xffff;
	[tilespmem:s12+$0x0] =	vst v21  }
0x15d: {  	s22 =	sor.u32 s9, s24;
	s26 =	sor.u32 s9, s26;
	s19 =	sor.u32 s18, s13;
	v20 =	vld.idx.msk [tilespmem:v53+s5+$0x0], $0xffff;
	[tilespmem:s14+$0x0] =	vst v22  }
0x15e: {  	s2 =	sadd.s32 $0xFA00, s21;
	s20 =	sadd.s32 $0xEB80, s21;
	s8 =	sor.u32 s18, s15;
	v21 =	vld.idx.msk [tilespmem:v54+s5+$0x0], $0xffff;
	[tilespmem:s19+$0x0] =	vst v23  }
0x15f: {  	s11 =	sadd.s32 $0xF800, s21;
	s16 =	sor.u32 s9, s7;
	s24 =	sor.u32 s18, s20;
	v22 =	vld.idx.msk [tilespmem:v55+s5+$0x0], $0xffff;
	[tilespmem:s8+$0x0] =	vst v32  }
0x160: {  	s7 =	sor.u32 s9, s11;
	s25 =	sor.u32 s18, s11;
	s12 =	sadd.s32 $0xF880, s21;
	v23 =	vld.idx.msk [tilespmem:v56+s5+$0x0], $0xffff;
	[tilespmem:s24+$0x0] =	vst v24  }
0x161: {  	s23 =	sor.u32 s9, s15;
	s13 =	sor.u32 s18, s12;
	s14 =	sadd.s32 $0xF900, s21;
	v32 =	vld.idx.msk [tilespmem:v59+s5+$0x0], $0xffff;
	[tilespmem:s25+$0x0] =	vst v25  }
0x162: {  	s6 =	sor.u32 s9, s20;
	s20 =	sadd.s32 $0xF980, s21;
	s19 =	sor.u32 s18, s14;
	v24 =	vld.idx.msk [tilespmem:v57+s5+$0x0], $0xffff;
	[tilespmem:s13+$0x0] =	vst v31  }
0x163: {  	s11 =	sadd.s32 $0xFB80, s21;
	s15 =	sor.u32 s9, s12;
	s24 =	sor.u32 s18, s20;
	v25 =	vld.idx.msk [tilespmem:v58+s5+$0x0], $0xffff;
	[tilespmem:s19+$0x0] =	vst v30  }
0x164: {  	s14 =	sor.u32 s9, s14;
	s8 =	sadd.s32 $0xFA80, s21;
	s25 =	sor.u32 s18, s2;
	v31 =	vld.idx.msk [tilespmem:v60+s5+$0x0], $0xffff;
	[tilespmem:s24+$0x0] =	vst v29  }
0x165: {  	s20 =	sor.u32 s9, s20;
	s12 =	sor.u32 s18, s8;
	v30 =	vld.idx.msk [tilespmem:v61+s5+$0x0], $0xffff;
	s19 =	sadd.s32 $0xFB00, s21;
	[tilespmem:s25+$0x0] =	vst v28  }
0x166: {  	s21 =	simm.s32 $0x0;
	v29 =	vld.idx.msk [tilespmem:v62+s5+$0x0], $0xffff;
	s25 =	simm.s32 $0x20;
	[tilespmem:s12+$0x0] =	vst v27;
	s12 =	sor.u32 s18, s19  }
.LBB2_9:
0x167: {  	s13 =	sand.u32 $0x60, s25;
	v27 =	vld.idx.msk [tilespmem:v35+s5+$0x0], $0xffff;
	s24 =	sor.u32 s9, s2;
	[tilespmem:s12+$0x0] =	vst v2;
	s2 =	sor.u32 s18, s11  }
0x168: {  	s12 =	sand.u32 $0x180, s25;
	v2 =	vld.idx.msk [tilespmem:v33+s5+$0x0], $0xffff;
	s18 =	sor.u32 $0x10, s13;
	[tilespmem:s2+$0x0] =	vst v1  }
0x169: {  	v1 =	vld.idx.msk [tilespmem:v34+s5+$0x0], $0xffff;
	[tilespmem:s4+$0x80] =	vst v3;
	s12 =	sor.u32 s18, s12  }
0x16a: {  	[tilespmem:s4+$0x200] =	vst v6;
	v3 =	vld [tilespmem:s12+$0x8200]  }
0x16b: {  	[tilespmem:s4+$0x100] =	vst v4  }
0x16c: {  	s8 =	sor.u32 s9, s8;
	s19 =	sor.u32 s9, s19;
	[tilespmem:s4+$0x180] =	vst v5  }
0x16d: {  	s2 =	sor.u32 s9, s11;
	s9 =	smov.u32 s13;
	s13 =	rddreg [dreg:$0xc];
	[tilespmem:s4+$0x280] =	vst v7  }
0x16e: {  	s11 =	rddreg [dreg:$0x8];
	[tilespmem:s4+$0x0] =	vst v0  }
0x16f: {  	s12 =	rddreg [dreg:$0x10];
	[tilespmem:s13+$0xC800] =	vst v8;
	v0 =	vshll.u32 v3, $0x3  }
0x170: {  	s13 =	rddreg [dreg:$0x14];
	[tilespmem:s11+$0xC800] =	vst v9;
	v3 =	vand.u32 $0x7F, v3;
	v0 =	vand.u32 $0xFFFFFC00, v0  }
0x171: {  	s11 =	rddreg [dreg:$0x18];
	[tilespmem:s12+$0x0] =	vst v10;
	v0 =	vor.u32 v3, v0  }
0x172: {  	s12 =	rddreg [dreg:$0x1c];
	[tilespmem:s13+$0x0] =	vst v11;
	v3 =	vor.u32 $0x80, v0  }
0x173: {  	s13 =	rddreg [dreg:$0x4];
	[tilespmem:s11+$0x0] =	vst v12;
	v4 =	vor.u32 $0x100, v0  }
0x174: {  	s4 =	sadd.s32 $0x20, s13;
	[tilespmem:s12+$0x0] =	vst v13;
	v5 =	vor.u32 $0x180, v0  }
0x175: {  	v28 =	vld [tilespmem:s4+$0x0];
	v6 =	vor.u32 $0x200, v0  }
0x176: {  	[tilespmem:s3+$0x0] =	vst v14;
	v7 =	vor.u32 $0x280, v0;
	v59 =	vld.idx.msk [tilespmem:v0+s5+$0x0], $0xffff  }
0x177: {  	v8 =	vor.u32 $0x300, v0;
	[tilespmem:s28+$0x0] =	vst v15;
	v3 =	vld.idx.msk [tilespmem:v3+s5+$0x0], $0xffff  }
0x178: {  	v9 =	vor.u32 $0x380, v0;
	[tilespmem:s31+$0x0] =	vst v16;
	v4 =	vld.idx.msk [tilespmem:v4+s5+$0x0], $0xffff  }
0x179: {  	v10 =	vadd.s32 $0x2000, v0;
	[tilespmem:s1+$0x0] =	vst v17;
	v5 =	vld.idx.msk [tilespmem:v5+s5+$0x0], $0xffff  }
0x17a: {  	v11 =	vadd.s32 $0x2080, v0;
	[tilespmem:s16+$0x0] =	vst v18;
	v6 =	vld.idx.msk [tilespmem:v6+s5+$0x0], $0xffff  }
0x17b: {  	v12 =	vadd.s32 $0x2100, v0;
	[tilespmem:s17+$0x0] =	vst v19;
	v7 =	vld.idx.msk [tilespmem:v7+s5+$0x0], $0xffff  }
0x17c: {  	v13 =	vadd.s32 $0x2180, v0;
	v8 =	vld.idx.msk [tilespmem:v8+s5+$0x0], $0xffff;
	[tilespmem:s22+$0x0] =	vst v20  }
0x17d: {  	v14 =	vadd.s32 $0x2200, v0;
	v9 =	vld.idx.msk [tilespmem:v9+s5+$0x0], $0xffff;
	[tilespmem:s26+$0x0] =	vst v21  }
0x17e: {  	v15 =	vadd.s32 $0x2280, v0;
	v10 =	vld.idx.msk [tilespmem:v10+s5+$0x0], $0xffff;
	[tilespmem:s30+$0x0] =	vst v22  }
0x17f: {  	v16 =	vadd.s32 $0x2300, v0;
	v11 =	vld.idx.msk [tilespmem:v11+s5+$0x0], $0xffff;
	[tilespmem:s0+$0x0] =	vst v23  }
0x180: {  	v17 =	vadd.s32 $0x2380, v0;
	v12 =	vld.idx.msk [tilespmem:v12+s5+$0x0], $0xffff;
	[tilespmem:s23+$0x0] =	vst v24  }
0x181: {  	v18 =	vadd.s32 $0x4000, v0;
	v13 =	vld.idx.msk [tilespmem:v13+s5+$0x0], $0xffff;
	[tilespmem:s6+$0x0] =	vst v25  }
0x182: {  	v14 =	vld.idx.msk [tilespmem:v14+s5+$0x0], $0xffff;
	v19 =	vadd.s32 $0x4080, v0;
	[tilespmem:s7+$0x0] =	vst v32  }
0x183: {  	v15 =	vld.idx.msk [tilespmem:v15+s5+$0x0], $0xffff;
	v20 =	vadd.s32 $0x4100, v0;
	[tilespmem:s15+$0x0] =	vst v31  }
0x184: {  	v16 =	vld.idx.msk [tilespmem:v16+s5+$0x0], $0xffff;
	v21 =	vadd.s32 $0x4180, v0;
	[tilespmem:s14+$0x0] =	vst v30  }
0x185: {  	v17 =	vld.idx.msk [tilespmem:v17+s5+$0x0], $0xffff;
	v22 =	vadd.s32 $0x4200, v0;
	[tilespmem:s20+$0x0] =	vst v29  }
0x186: {  	v18 =	vld.idx.msk [tilespmem:v18+s5+$0x0], $0xffff;
	v23 =	vadd.s32 $0x4280, v0;
	[tilespmem:s24+$0x0] =	vst v26  }
0x187: {  	v19 =	vld.idx.msk [tilespmem:v19+s5+$0x0], $0xffff;
	v24 =	vadd.s32 $0x4300, v0;
	[tilespmem:s8+$0x0] =	vst v27  }
0x188: {  	v20 =	vld.idx.msk [tilespmem:v20+s5+$0x0], $0xffff;
	[tilespmem:s19+$0x0] =	vst v2;
	v2 =	vadd.s32 $0x4380, v0  }
0x189: {  	v21 =	vld.idx.msk [tilespmem:v21+s5+$0x0], $0xffff;
	v26 =	vadd.s32 $0x6080, v0  }
0x18a: {  	v22 =	vld.idx.msk [tilespmem:v22+s5+$0x0], $0xffff;
	[tilespmem:s2+$0x0] =	vst v1;
	v1 =	vadd.s32 $0x6000, v0  }
0x18b: {  	v23 =	vld.idx.msk [tilespmem:v23+s5+$0x0], $0xffff;
	v27 =	vadd.s32 $0x6100, v0  }
0x18c: {  	v60 =	vadd.s32 $0x6180, v0;
	v24 =	vld.idx.msk [tilespmem:v24+s5+$0x0], $0xffff  }
0x18d: {  	v25 =	vld.idx.msk [tilespmem:v2+s5+$0x0], $0xffff;
	v2 =	vadd.s32 $0x6200, v0  }
0x18e: {  	v61 =	vadd.s32 $0x6300, v0;
	v31 =	vld.idx.msk [tilespmem:v26+s5+$0x0], $0xffff  }
0x18f: {  	v29 =	vshll.u32 v28, $0x3;
	v32 =	vld.idx.msk [tilespmem:v1+s5+$0x0], $0xffff;
	v1 =	vadd.s32 $0x6280, v0  }
0x190: {  	v26 =	vand.u32 $0x7F, v28;
	v28 =	vand.u32 $0xFFFFFC00, v29;
	v30 =	vld.idx.msk [tilespmem:v27+s5+$0x0], $0xffff;
	v0 =	vadd.s32 $0x6380, v0  }
0x191: {  	s10 =	sadd.s32 $0x100, s10;
	v29 =	vor.u32 v26, v28;
	v26 =	vld.idx.msk [tilespmem:v60+s5+$0x0], $0xffff  }
0x192: {  	s24 =	sand.u32 $0xC00, s10;
	v62 =	vor.u32 $0x80, v29;
	v27 =	vld.idx.msk [tilespmem:v2+s5+$0x0], $0xffff  }
0x193: {  	s29 =	sadd.s32 $0x1, s29;
	s20 =	sadd.s32 $0xC800, s24;
	v36 =	vor.u32 $0x100, v29;
	v2 =	vld.idx.msk [tilespmem:v61+s5+$0x0], $0xffff  }
0x194: {  	s23 =	sand.u32 $0x3, s29;
	s22 =	sor.u32 s18, s20;
	v37 =	vor.u32 $0x180, v29;
	v28 =	vld.idx.msk [tilespmem:v1+s5+$0x0], $0xffff  }
0x195: {  	s1 =	sshll.u32 s23, $0x5;
	v63 =	vor.u32 $0x200, v29;
	v1 =	vld.idx.msk [tilespmem:v0+s5+$0x0], $0xffff;
	[tilespmem:s22+$0x0] =	vst v59  }
0x196: {  	s21 =	sadd.s32 $0x2, s21;
	s1 =	sadd.s32 s1, s10;
	v40 =	vor.u32 $0x280, v29;
	v0 =	vld.idx.msk [tilespmem:v29+s5+$0x0], $0xffff;
	[tilespmem:s22+$0x80] =	vst v3  }
0x197: {  	[dreg:$0x4] =	wrdreg s4;
	s26 =	sor.u32 $0x300, s1;
	s1 =	sadd.s32 $0x10, s1;
	v41 =	vor.u32 $0x300, v29;
	v3 =	vld.idx.msk [tilespmem:v62+s5+$0x0], $0xffff;
	[tilespmem:s22+$0x100] =	vst v4  }
0x198: {  	p2 =	slt.u32 s21, $0x1E;
	[dreg:$0xc] =	wrdreg s26;
	s3 =	sor.u32 $0x300, s1;
	v42 =	vor.u32 $0x380, v29;
	v4 =	vld.idx.msk [tilespmem:v36+s5+$0x0], $0xffff;
	[tilespmem:s22+$0x180] =	vst v5  }
0x199: {  	s7 =	sor.u32 $0x380, s1;
	s6 =	sadd.s32 $0xD800, s24;
	s11 =	sadd.s32 $0xD880, s24;
	v43 =	vadd.s32 $0x2000, v29;
	v5 =	vld.idx.msk [tilespmem:v37+s5+$0x0], $0xffff;
	[tilespmem:s22+$0x200] =	vst v6  }
0x19a: {  	s14 =	sadd.s32 $0xD900, s24;
	s16 =	sadd.s32 $0xD980, s24;
	s26 =	sadd.s32 $0xDB00, s24;
	v44 =	vadd.s32 $0x2080, v29;
	v45 =	vadd.s32 $0x2100, v29;
	v6 =	vld.idx.msk [tilespmem:v63+s5+$0x0], $0xffff;
	[tilespmem:s22+$0x280] =	vst v7  }
0x19b: {  	s19 =	sor.u32 s10, s25;
	s4 =	sor.u32 s9, s20;
	s8 =	sor.u32 s9, s6;
	v46 =	vadd.s32 $0x2180, v29;
	v47 =	vadd.s32 $0x2200, v29;
	v48 =	vadd.s32 $0x2280, v29;
	v7 =	vld.idx.msk [tilespmem:v40+s5+$0x0], $0xffff;
	[tilespmem:s3+$0xC800] =	vst v8  }
0x19c: {  	s12 =	sor.u32 s18, s6;
	s13 =	sor.u32 s9, s11;
	s15 =	sor.u32 s18, s11;
	v49 =	vadd.s32 $0x2300, v29;
	v50 =	vadd.s32 $0x2380, v29;
	v62 =	vadd.s32 $0x6180, v29;
	v8 =	vld.idx.msk [tilespmem:v41+s5+$0x0], $0xffff;
	[tilespmem:s7+$0xC800] =	vst v9  }
0x19d: {  	s17 =	sor.u32 s18, s14;
	s20 =	sor.u32 s18, s16;
	s1 =	sor.u32 s9, s16;
	v51 =	vadd.s32 $0x4000, v29;
	v52 =	vadd.s32 $0x4080, v29;
	v53 =	vadd.s32 $0x4100, v29;
	v9 =	vld.idx.msk [tilespmem:v42+s5+$0x0], $0xffff;
	[tilespmem:s12+$0x0] =	vst v10  }
0x19e: {  	s11 =	sadd.s32 $0xE800, s24;
	s31 =	sor.u32 s9, s26;
	s25 =	sadd.s32 $0x20, s25;
	v54 =	vadd.s32 $0x4180, v29;
	v55 =	vadd.s32 $0x4200, v29;
	v56 =	vadd.s32 $0x4280, v29;
	v10 =	vld.idx.msk [tilespmem:v43+s5+$0x0], $0xffff;
	[tilespmem:s15+$0x0] =	vst v11  }
0x19f: {  	s0 =	sor.u32 $0x380, s19;
	[dreg:$0x10] =	wrdreg s8;
	s19 =	sadd.s32 $0xDA00, s24;
	v57 =	vadd.s32 $0x4300, v29;
	v58 =	vadd.s32 $0x4380, v29;
	v60 =	vadd.s32 $0x6080, v29;
	v11 =	vld.idx.msk [tilespmem:v44+s5+$0x0], $0xffff;
	[tilespmem:s17+$0x0] =	vst v12  }
0x1a0: {  	[dreg:$0x14] =	wrdreg s13;
	s23 =	sor.u32 s18, s19;
	v35 =	vadd.s32 $0x6280, v29;
	v33 =	vadd.s32 $0x6300, v29;
	v34 =	vadd.s32 $0x6380, v29;
	s22 =	sadd.s32 $0xDA80, s24;
	v12 =	vld.idx.msk [tilespmem:v45+s5+$0x0], $0xffff;
	[tilespmem:s20+$0x0] =	vst v13  }
0x1a1: {  	s2 =	sor.u32 s9, s14;
	[dreg:$0x1c] =	wrdreg s1;
	v61 =	vadd.s32 $0x6100, v29;
	v59 =	vadd.s32 $0x6000, v29;
	v63 =	vadd.s32 $0x6200, v29;
	s6 =	sor.u32 s18, s22;
	v29 =	vld.idx.msk [tilespmem:v62+s5+$0x0], $0xffff;
	[tilespmem:s23+$0x0] =	vst v14  }
0x1a2: {  	s8 =	sor.u32 s18, s26;
	s13 =	sadd.s32 $0xE880, s24;
	s7 =	sadd.s32 $0xDB80, s24;
	v13 =	vld.idx.msk [tilespmem:v46+s5+$0x0], $0xffff;
	[tilespmem:s6+$0x0] =	vst v15  }
0x1a3: {  	s14 =	sor.u32 s18, s11;
	[dreg:$0x8] =	wrdreg s0;
	s12 =	sor.u32 s18, s7;
	v14 =	vld.idx.msk [tilespmem:v47+s5+$0x0], $0xffff;
	[tilespmem:s8+$0x0] =	vst v16  }
0x1a4: {  	s16 =	sor.u32 s9, s11;
	s11 =	sadd.s32 $0xEA80, s24;
	[dreg:$0x18] =	wrdreg s2;
	v15 =	vld.idx.msk [tilespmem:v48+s5+$0x0], $0xffff;
	[tilespmem:s12+$0x0] =	vst v17  }
0x1a5: {  	s3 =	sor.u32 s9, s19;
	s19 =	sor.u32 s18, s13;
	s15 =	sadd.s32 $0xE900, s24;
	v16 =	vld.idx.msk [tilespmem:v49+s5+$0x0], $0xffff;
	[tilespmem:s14+$0x0] =	vst v18  }
0x1a6: {  	s28 =	sor.u32 s9, s22;
	s22 =	sor.u32 s18, s15;
	s20 =	sadd.s32 $0xE980, s24;
	v17 =	vld.idx.msk [tilespmem:v50+s5+$0x0], $0xffff;
	[tilespmem:s19+$0x0] =	vst v19  }
0x1a7: {  	s0 =	sor.u32 s9, s11;
	s23 =	sadd.s32 $0xEA00, s24;
	s8 =	sor.u32 s18, s20;
	v18 =	vld.idx.msk [tilespmem:v51+s5+$0x0], $0xffff;
	[tilespmem:s22+$0x0] =	vst v20  }
0x1a8: {  	s2 =	sadd.s32 $0xFA00, s24;
	s17 =	sor.u32 s9, s13;
	s12 =	sor.u32 s18, s23;
	v19 =	vld.idx.msk [tilespmem:v52+s5+$0x0], $0xffff;
	[tilespmem:s8+$0x0] =	vst v21  }
0x1a9: {  	s13 =	sadd.s32 $0xEB00, s24;
	s26 =	sor.u32 s9, s20;
	s14 =	sor.u32 s18, s11;
	v20 =	vld.idx.msk [tilespmem:v53+s5+$0x0], $0xffff;
	[tilespmem:s12+$0x0] =	vst v22  }
0x1aa: {  	s19 =	sor.u32 s18, s13;
	s22 =	sor.u32 s9, s15;
	s15 =	sadd.s32 $0xEB80, s24;
	v21 =	vld.idx.msk [tilespmem:v54+s5+$0x0], $0xffff;
	[tilespmem:s14+$0x0] =	vst v23  }
0x1ab: {  	s30 =	sor.u32 s9, s23;
	s20 =	sadd.s32 $0xF800, s24;
	s8 =	sor.u32 s18, s15;
	v22 =	vld.idx.msk [tilespmem:v55+s5+$0x0], $0xffff;
	[tilespmem:s19+$0x0] =	vst v24  }
0x1ac: {  	s23 =	sor.u32 s9, s13;
	s13 =	sor.u32 s18, s20;
	s12 =	sadd.s32 $0xF880, s24;
	v23 =	vld.idx.msk [tilespmem:v56+s5+$0x0], $0xffff;
	[tilespmem:s8+$0x0] =	vst v25  }
0x1ad: {  	s6 =	sor.u32 s9, s15;
	s14 =	sadd.s32 $0xF900, s24;
	s15 =	sor.u32 s18, s12;
	v24 =	vld.idx.msk [tilespmem:v57+s5+$0x0], $0xffff;
	[tilespmem:s13+$0x0] =	vst v32  }
.Ltmp6:
0x1ae: {  	s11 =	sadd.s32 $0xF980, s24;
	s19 =	sor.u32 s18, s14;
	v25 =	vld.idx.msk [tilespmem:v58+s5+$0x0], $0xffff;
	[tilespmem:s15+$0x0] =	vst v31;
	(pc) =	sbr.rel @p2 .LBB2_9-.Ltmp6, $4  }
0x1af: {  	s1 =	sor.u32 s9, s7;
	s7 =	sor.u32 s9, s20;
	s20 =	sor.u32 s18, s11;
	v32 =	vld.idx.msk [tilespmem:v59+s5+$0x0], $0xffff;
	[tilespmem:s19+$0x0] =	vst v30  }
0x1b0: {  	s14 =	sor.u32 s9, s14;
	s8 =	sadd.s32 $0xFA80, s24;
	s13 =	sor.u32 s18, s2;
	v31 =	vld.idx.msk [tilespmem:v60+s5+$0x0], $0xffff;
	[tilespmem:s20+$0x0] =	vst v26  }
0x1b1: {  	s15 =	sor.u32 s9, s12;
	v30 =	vld.idx.msk [tilespmem:v61+s5+$0x0], $0xffff;
	s19 =	sadd.s32 $0xFB00, s24;
	[tilespmem:s13+$0x0] =	vst v27;
	s13 =	sor.u32 s18, s8  }
0x1b2: {  	s20 =	sor.u32 s9, s11;
	v26 =	vld.idx.msk [tilespmem:v63+s5+$0x0], $0xffff;
	s11 =	sadd.s32 $0xFB80, s24;
	s12 =	sor.u32 s18, s19;
	[tilespmem:s13+$0x0] =	vst v28  }
0x1b3: {  	_ =	sdelay $0x3  }
0x1b4: {  	v27 =	vld.idx.msk [tilespmem:v35+s5+$0x0], $0xffff  }
0x1b5: {  	[tilespmem:s12+$0x0] =	vst v2;
	v62 =	vld.idx.msk [tilespmem:v33+s5+$0x0], $0xffff  }
0x1b6: {  	v63 =	vld.idx.msk [tilespmem:v34+s5+$0x0], $0xffff;
	[tilespmem:s4+$0x80] =	vst v3  }
0x1b7: {  	[tilespmem:s4+$0x100] =	vst v4  }
0x1b8: {  	[tilespmem:s4+$0x180] =	vst v5  }
0x1b9: {  	[tilespmem:s4+$0x200] =	vst v6  }
0x1ba: {  	[tilespmem:s4+$0x280] =	vst v7  }
0x1bb: {  	s10 =	sor.u32 s18, s11;
	[tilespmem:s4+$0x0] =	vst v0  }
0x1bc: {  	[tilespmem:s10+$0x0] =	vst v1  }
0x1bd: {  	s4 =	rddreg [dreg:$0xc]  }
0x1be: {  	[tilespmem:s4+$0xC800] =	vst v8  }
0x1bf: {  	s4 =	rddreg [dreg:$0x8]  }
0x1c0: {  	[tilespmem:s4+$0xC800] =	vst v9  }
0x1c1: {  	s4 =	rddreg [dreg:$0x10]  }
0x1c2: {  	[tilespmem:s4+$0x0] =	vst v10  }
0x1c3: {  	s4 =	rddreg [dreg:$0x14]  }
0x1c4: {  	[tilespmem:s4+$0x0] =	vst v11  }
0x1c5: {  	s4 =	rddreg [dreg:$0x18]  }
0x1c6: {  	[tilespmem:s4+$0x0] =	vst v12  }
0x1c7: {  	s4 =	rddreg [dreg:$0x1c]  }
0x1c8: {  	[tilespmem:s4+$0x0] =	vst v13  }
0x1c9: {  	[tilespmem:s3+$0x0] =	vst v14  }
0x1ca: {  	[tilespmem:s28+$0x0] =	vst v15  }
0x1cb: {  	[tilespmem:s31+$0x0] =	vst v16  }
0x1cc: {  	[tilespmem:s1+$0x0] =	vst v17  }
0x1cd: {  	[tilespmem:s16+$0x0] =	vst v18  }
0x1ce: {  	[tilespmem:s17+$0x0] =	vst v19  }
0x1cf: {  	[tilespmem:s22+$0x0] =	vst v20  }
0x1d0: {  	[tilespmem:s26+$0x0] =	vst v21  }
0x1d1: {  	[tilespmem:s30+$0x0] =	vst v22  }
0x1d2: {  	[tilespmem:s0+$0x0] =	vst v23  }
0x1d3: {  	[tilespmem:s23+$0x0] =	vst v24  }
0x1d4: {  	[tilespmem:s6+$0x0] =	vst v25  }
0x1d5: {  	[tilespmem:s7+$0x0] =	vst v32  }
0x1d6: {  	[tilespmem:s15+$0x0] =	vst v31  }
0x1d7: {  	[tilespmem:s14+$0x0] =	vst v30  }
0x1d8: {  	s24 =	sor.u32 s9, s2;
	[tilespmem:s20+$0x0] =	vst v29  }
0x1d9: {  	s25 =	sor.u32 s9, s8;
	[tilespmem:s24+$0x0] =	vst v26  }
0x1da: {  	s26 =	sor.u32 s9, s19;
	[tilespmem:s25+$0x0] =	vst v27  }
0x1db: {  	s28 =	sor.u32 s9, s11;
	[tilespmem:s26+$0x0] =	vst v62  }
0x1dc: {  	[tilespmem:s28+$0x0] =	vst v63  }
0x1dd: {  	s0 =	sld [smem:$0x7FA]  }
.Ltmp7:
0x1de: {  	s1 =	sld [smem:$0x7F0];
	(pc) =	sbr.rel @p1 .LBB2_12-.Ltmp7, $4  }
0x1df: {  	_ = 	snop  }
0x1e0: {  	s29 =	simm.s32 $0x1000  }
0x1e1: {  	s31 =	simm.s32 $0xC800;
	s30 =	simm.s32 $0x20000;
	s0 =	sadd.s32 s1, s0  }
0x1e2: {  	[hbm4b:s0+s29] =	stream.strided.scatter [tilespmem:s31], [sflag:$0x6], $0x4000, s30, s29, $0x38;
	[tilespmem:$0x18800] =	vst v63  }
.Ltmp8:
0x1e3: {  	(pc) =	sbr.rel .LBB2_13-.Ltmp8, $4  }
0x1e4: {  	s0 =	simm.s32 $0x3  }
0x1e5: {  	_ =	swait.ge [sflag:s0], $0x200  }
0x1e6: {  	[sflag:s0] =	ssyncset.done $0x0  }
0x1e7: {  	[sflag:s0] =	ssyncadd.s32 $0xFFFFFE00  }
.LBB2_12:
0x1e8: {  	s0 =	sld [smem:$0x7F3];
	_ =	sdelay $0x2  }
0x1e9: {  	s0 =	sadd.s32 $0x5, s0  }
0x1ea: {  	s28 =	sld [smem:$0x7F5];
	s1 =	sshll.u32 s0, $0x7;
	s0 =	sshll.u32 s0, $0xE  }
0x1eb: {  	s1 =	sand.u32 $0x280, s1;
	s0 =	sand.u32 $0x3E0000, s0  }
0x1ec: {  	s0 =	sor.u32 s0, s1  }
0x1ed: {  	s29 =	rddreg [dreg:$0x1];
	s30 =	simm.s32 $0x80;
	s0 =	sor.u32 s28, s0  }
0x1ee: {  	s2 =	simm.s32 $0x400;
	s3 =	simm.s32 $0x8200;
	s0 =	sshrl.u32 s0, $0x3  }
.Ltmp9:
0x1ef: {  	s31 =	simm.s32 $0x3;
	s0 =	sadd.s32 s29, s0;
	(pc) =	sbr.rel @p0 .LBB2_14-.Ltmp9, $4  }
0x1f0: {  	[tilespmem:s3], [sflag:$0x2] =	stream.strided.gather [hbm4b:s0+s30], $0x200, s2, s30, $0x38;
	[tilespmem:$0x18800] =	vst v63  }
0x1f1: {  	_ =	swait.ge [sflag:s31], $0x200  }
0x1f2: {  	[sflag:s31] =	ssyncset.done $0x0  }
0x1f3: {  	[sflag:s31] =	ssyncadd.s32 $0xFFFFFE00  }
.LBB2_13:
0x1f4: {  	s0 =	simm.s32 $0x7  }
0x1f5: {  	_ =	swait.ge [sflag:s0], $0x4000  }
0x1f6: {  	[sflag:s0] =	ssyncset.done $0x0  }
0x1f7: {  	[sflag:s0] =	ssyncadd.s32 $0xFFFFC000  }
.LBB2_14:
0x1f8: {  	s10 =	simm.s32 $0x0  }
0x1f9: {  	s9 =	sand.u32 $0x60, s10  }
0x1fa: {  	s0 =	sand.u32 $0x180, s10;
	s18 =	sor.u32 $0x10, s9  }
0x1fb: {  	s0 =	sor.u32 s18, s0  }
0x1fc: {  	v0 =	vld [tilespmem:s0+$0x8400];
	_ =	sdelay $0x4  }
0x1fd: {  	v1 =	vshll.u32 v0, $0x3  }
0x1fe: {  	v0 =	vand.u32 $0x7F, v0;
	v1 =	vand.u32 $0xFFFFFC00, v1  }
0x1ff: {  	v0 =	vor.u32 v0, v1  }
0x200: {  	v1 =	vor.u32 $0x80, v0  }
0x201: {  	s14 =	simm.s32 $0x8400;
	v2 =	vor.u32 $0x100, v0  }
0x202: {  	s1 =	simm.s32 $0x8400;
	[dreg:$0x5] =	wrdreg s14;
	v3 =	vor.u32 $0x180, v0  }
0x203: {  	v4 =	vld [tilespmem:s1+$0x0];
	v5 =	vor.u32 $0x200, v0  }
0x204: {  	v7 =	vor.u32 $0x280, v0;
	v6 =	vld.idx.msk [tilespmem:v0+s5+$0x0], $0xffff  }
0x205: {  	v8 =	vld.idx.msk [tilespmem:v1+s5+$0x0], $0xffff;
	v1 =	vor.u32 $0x300, v0  }
0x206: {  	v9 =	vld.idx.msk [tilespmem:v2+s5+$0x0], $0xffff;
	v2 =	vor.u32 $0x380, v0  }
0x207: {  	v10 =	vld.idx.msk [tilespmem:v3+s5+$0x0], $0xffff;
	v3 =	vadd.s32 $0x2000, v0  }
0x208: {  	v11 =	vld.idx.msk [tilespmem:v5+s5+$0x0], $0xffff;
	v5 =	vadd.s32 $0x2080, v0  }
0x209: {  	v12 =	vadd.s32 $0x2100, v0;
	v7 =	vld.idx.msk [tilespmem:v7+s5+$0x0], $0xffff  }
0x20a: {  	v13 =	vld.idx.msk [tilespmem:v1+s5+$0x0], $0xffff;
	v1 =	vadd.s32 $0x2180, v0  }
0x20b: {  	v14 =	vld.idx.msk [tilespmem:v2+s5+$0x0], $0xffff;
	v2 =	vadd.s32 $0x2200, v0  }
0x20c: {  	v15 =	vld.idx.msk [tilespmem:v3+s5+$0x0], $0xffff;
	v3 =	vadd.s32 $0x2280, v0  }
0x20d: {  	v16 =	vld.idx.msk [tilespmem:v5+s5+$0x0], $0xffff;
	v5 =	vadd.s32 $0x2300, v0  }
0x20e: {  	v17 =	vadd.s32 $0x2380, v0;
	v12 =	vld.idx.msk [tilespmem:v12+s5+$0x0], $0xffff  }
0x20f: {  	v18 =	vld.idx.msk [tilespmem:v1+s5+$0x0], $0xffff;
	v1 =	vadd.s32 $0x4000, v0  }
0x210: {  	v19 =	vld.idx.msk [tilespmem:v2+s5+$0x0], $0xffff;
	v2 =	vadd.s32 $0x4080, v0  }
0x211: {  	v33 =	vld.idx.msk [tilespmem:v3+s5+$0x0], $0xffff;
	v3 =	vadd.s32 $0x4100, v0  }
0x212: {  	v34 =	vld.idx.msk [tilespmem:v5+s5+$0x0], $0xffff;
	v5 =	vadd.s32 $0x4180, v0  }
0x213: {  	v22 =	vadd.s32 $0x4200, v0;
	v17 =	vld.idx.msk [tilespmem:v17+s5+$0x0], $0xffff  }
0x214: {  	v35 =	vld.idx.msk [tilespmem:v1+s5+$0x0], $0xffff;
	v1 =	vadd.s32 $0x4280, v0  }
0x215: {  	v36 =	vld.idx.msk [tilespmem:v2+s5+$0x0], $0xffff;
	v2 =	vadd.s32 $0x4300, v0  }
0x216: {  	v20 =	vld.idx.msk [tilespmem:v3+s5+$0x0], $0xffff;
	v3 =	vadd.s32 $0x4380, v0  }
0x217: {  	v21 =	vld.idx.msk [tilespmem:v5+s5+$0x0], $0xffff;
	v5 =	vadd.s32 $0x6000, v0  }
0x218: {  	v26 =	vadd.s32 $0x6080, v0;
	v22 =	vld.idx.msk [tilespmem:v22+s5+$0x0], $0xffff  }
0x219: {  	v23 =	vld.idx.msk [tilespmem:v1+s5+$0x0], $0xffff;
	v1 =	vadd.s32 $0x6100, v0  }
0x21a: {  	v32 =	vld.idx.msk [tilespmem:v2+s5+$0x0], $0xffff;
	v2 =	vadd.s32 $0x6180, v0  }
0x21b: {  	v24 =	vld.idx.msk [tilespmem:v3+s5+$0x0], $0xffff;
	v3 =	vadd.s32 $0x6200, v0  }
0x21c: {  	v25 =	vld.idx.msk [tilespmem:v5+s5+$0x0], $0xffff;
	v5 =	vadd.s32 $0x6280, v0  }
0x21d: {  	v37 =	vadd.s32 $0x6300, v0;
	v31 =	vld.idx.msk [tilespmem:v26+s5+$0x0], $0xffff  }
0x21e: {  	v26 =	vshll.u32 v4, $0x3;
	v0 =	vadd.s32 $0x6380, v0;
	v30 =	vld.idx.msk [tilespmem:v1+s5+$0x0], $0xffff  }
0x21f: {  	v1 =	vand.u32 $0x7F, v4;
	v4 =	vand.u32 $0xFFFFFC00, v26;
	v29 =	vld.idx.msk [tilespmem:v2+s5+$0x0], $0xffff  }
0x220: {  	s21 =	sand.u32 $0xC00, s10;
	v28 =	vld.idx.msk [tilespmem:v3+s5+$0x0], $0xffff;
	v26 =	vor.u32 v1, v4  }
0x221: {  	s15 =	sadd.s32 $0x10800, s21;
	v27 =	vld.idx.msk [tilespmem:v5+s5+$0x0], $0xffff;
	v3 =	vor.u32 $0x80, v26  }
0x222: {  	s16 =	sor.u32 s18, s15;
	v2 =	vld.idx.msk [tilespmem:v37+s5+$0x0], $0xffff;
	v4 =	vor.u32 $0x100, v26  }
0x223: {  	v1 =	vld.idx.msk [tilespmem:v0+s5+$0x0], $0xffff;
	[tilespmem:s16+$0x0] =	vst v6;
	v5 =	vor.u32 $0x180, v26  }
0x224: {  	[tilespmem:s16+$0x80] =	vst v8  }
0x225: {  	[tilespmem:s16+$0x100] =	vst v9;
	v50 =	vor.u32 $0x200, v26;
	v0 =	vld.idx.msk [tilespmem:v26+s5+$0x0], $0xffff  }
0x226: {  	s2 =	sand.u32 $0x3, s10;
	s3 =	sor.u32 s10, s10;
	[tilespmem:s16+$0x180] =	vst v10;
	v38 =	vor.u32 $0x280, v26;
	v3 =	vld.idx.msk [tilespmem:v3+s5+$0x0], $0xffff  }
0x227: {  	s2 =	sshll.u32 s2, $0x5;
	s3 =	sor.u32 $0x380, s3;
	[tilespmem:s16+$0x200] =	vst v11;
	v8 =	vor.u32 $0x300, v26;
	v4 =	vld.idx.msk [tilespmem:v4+s5+$0x0], $0xffff  }
0x228: {  	s2 =	sadd.s32 $0x0, s2;
	v5 =	vld.idx.msk [tilespmem:v5+s5+$0x0], $0xffff;
	[dreg:$0x9] =	wrdreg s3  }
0x229: {  	s6 =	sadd.s32 $0x10, s2;
	s19 =	sor.u32 $0x300, s2;
	v9 =	vor.u32 $0x380, v26;
	[tilespmem:s16+$0x280] =	vst v7  }
0x22a: {  	s20 =	sadd.s32 $0x11800, s21;
	s17 =	sor.u32 $0x300, s6;
	v6 =	vld.idx.msk [tilespmem:v50+s5+$0x0], $0xffff;
	[dreg:$0xd] =	wrdreg s19  }
0x22b: {  	s23 =	sor.u32 s9, s20;
	v7 =	vld.idx.msk [tilespmem:v38+s5+$0x0], $0xffff;
	[tilespmem:s17+$0x10800] =	vst v13  }
0x22c: {  	s24 =	sadd.s32 $0x11880, s21;
	s22 =	sor.u32 $0x380, s6;
	v10 =	vadd.s32 $0x2000, v26;
	v8 =	vld.idx.msk [tilespmem:v8+s5+$0x0], $0xffff;
	[dreg:$0x11] =	wrdreg s23  }
0x22d: {  	s26 =	sor.u32 s9, s24;
	v11 =	vadd.s32 $0x2080, v26;
	[tilespmem:s22+$0x10800] =	vst v14  }
0x22e: {  	s25 =	sor.u32 s18, s20;
	v9 =	vld.idx.msk [tilespmem:v9+s5+$0x0], $0xffff;
	[dreg:$0x15] =	wrdreg s26  }
0x22f: {  	s6 =	sor.u32 s18, s24;
	v51 =	vadd.s32 $0x2100, v26;
	s3 =	sadd.s32 $0x11900, s21;
	[tilespmem:s25+$0x0] =	vst v15  }
0x230: {  	s8 =	sor.u32 s18, s3;
	v13 =	vadd.s32 $0x2180, v26;
	[tilespmem:s6+$0x0] =	vst v16  }
0x231: {  	s7 =	sadd.s32 $0x11980, s21;
	s1 =	sor.u32 s9, s3;
	v14 =	vadd.s32 $0x2200, v26;
	v10 =	vld.idx.msk [tilespmem:v10+s5+$0x0], $0xffff;
	[tilespmem:s8+$0x0] =	vst v12  }
0x232: {  	s29 =	simm.s32 $0x0;
	s12 =	sor.u32 s18, s7;
	v15 =	vadd.s32 $0x2280, v26;
	v11 =	vld.idx.msk [tilespmem:v11+s5+$0x0], $0xffff;
	[dreg:$0x19] =	wrdreg s1  }
0x233: {  	s11 =	sadd.s32 $0x11A00, s21;
	s13 =	sadd.s32 $0x11A80, s21;
	s2 =	sor.u32 s9, s7;
	v16 =	vadd.s32 $0x2300, v26;
	[tilespmem:s12+$0x0] =	vst v18  }
0x234: {  	s4 =	sor.u32 s9, s15;
	s14 =	sor.u32 s18, s11;
	v52 =	vadd.s32 $0x2380, v26;
	v12 =	vld.idx.msk [tilespmem:v51+s5+$0x0], $0xffff;
	[dreg:$0x1d] =	wrdreg s2  }
0x235: {  	s15 =	sadd.s32 $0x11B00, s21;
	s28 =	sor.u32 s9, s13;
	s16 =	sor.u32 s18, s13;
	v18 =	vadd.s32 $0x4000, v26;
	v13 =	vld.idx.msk [tilespmem:v13+s5+$0x0], $0xffff;
	[tilespmem:s14+$0x0] =	vst v19  }
0x236: {  	s7 =	sadd.s32 $0x12800, s21;
	v63 =	vadd.s32 $0x6200, v26;
	s19 =	sor.u32 s18, s15;
	s17 =	sadd.s32 $0x11B80, s21;
	v14 =	vld.idx.msk [tilespmem:v14+s5+$0x0], $0xffff;
	[tilespmem:s16+$0x0] =	vst v33  }
0x237: {  	s31 =	sor.u32 s9, s15;
	s24 =	sadd.s32 $0x12900, s21;
	v53 =	vadd.s32 $0x4100, v26;
	s20 =	sor.u32 s18, s17;
	v19 =	vadd.s32 $0x4080, v26;
	v15 =	vld.idx.msk [tilespmem:v15+s5+$0x0], $0xffff;
	[tilespmem:s19+$0x0] =	vst v34  }
0x238: {  	v54 =	vadd.s32 $0x4180, v26;
	v55 =	vadd.s32 $0x4200, v26;
	v56 =	vadd.s32 $0x4280, v26;
	s3 =	sor.u32 s9, s11;
	s23 =	sor.u32 s18, s7;
	s22 =	sadd.s32 $0x12880, s21;
	v16 =	vld.idx.msk [tilespmem:v16+s5+$0x0], $0xffff;
	[tilespmem:s20+$0x0] =	vst v17  }
0x239: {  	v57 =	vadd.s32 $0x4300, v26;
	v58 =	vadd.s32 $0x4380, v26;
	v59 =	vadd.s32 $0x6000, v26;
	s11 =	sadd.s32 $0x12A00, s21;
	s13 =	sadd.s32 $0x12A80, s21;
	s25 =	sor.u32 s18, s22;
	v17 =	vld.idx.msk [tilespmem:v52+s5+$0x0], $0xffff;
	[tilespmem:s23+$0x0] =	vst v35  }
0x23a: {  	v60 =	vadd.s32 $0x6080, v26;
	v61 =	vadd.s32 $0x6100, v26;
	v62 =	vadd.s32 $0x6180, v26;
	s15 =	sadd.s32 $0x12B00, s21;
	s26 =	sadd.s32 $0x12980, s21;
	s8 =	sor.u32 s18, s24;
	v18 =	vld.idx.msk [tilespmem:v18+s5+$0x0], $0xffff;
	[tilespmem:s25+$0x0] =	vst v36  }
0x23b: {  	s30 =	sor.u32 s9, s11;
	s0 =	sor.u32 s9, s13;
	s12 =	sor.u32 s18, s26;
	v33 =	vadd.s32 $0x6300, v26;
	v34 =	vadd.s32 $0x6380, v26;
	v35 =	vadd.s32 $0x6280, v26;
	v26 =	vld.idx.msk [tilespmem:v63+s5+$0x0], $0xffff;
	[tilespmem:s8+$0x0] =	vst v20  }
0x23c: {  	s1 =	sor.u32 s9, s17;
	s17 =	sor.u32 s9, s22;
	s14 =	sor.u32 s18, s11;
	v19 =	vld.idx.msk [tilespmem:v19+s5+$0x0], $0xffff;
	[tilespmem:s12+$0x0] =	vst v21  }
0x23d: {  	s22 =	sor.u32 s9, s24;
	s26 =	sor.u32 s9, s26;
	s19 =	sor.u32 s18, s13;
	v20 =	vld.idx.msk [tilespmem:v53+s5+$0x0], $0xffff;
	[tilespmem:s14+$0x0] =	vst v22  }
0x23e: {  	s2 =	sadd.s32 $0x13A00, s21;
	s20 =	sadd.s32 $0x12B80, s21;
	s8 =	sor.u32 s18, s15;
	v21 =	vld.idx.msk [tilespmem:v54+s5+$0x0], $0xffff;
	[tilespmem:s19+$0x0] =	vst v23  }
0x23f: {  	s11 =	sadd.s32 $0x13800, s21;
	s16 =	sor.u32 s9, s7;
	s24 =	sor.u32 s18, s20;
	v22 =	vld.idx.msk [tilespmem:v55+s5+$0x0], $0xffff;
	[tilespmem:s8+$0x0] =	vst v32  }
0x240: {  	s7 =	sor.u32 s9, s11;
	s25 =	sor.u32 s18, s11;
	s12 =	sadd.s32 $0x13880, s21;
	v23 =	vld.idx.msk [tilespmem:v56+s5+$0x0], $0xffff;
	[tilespmem:s24+$0x0] =	vst v24  }
0x241: {  	s23 =	sor.u32 s9, s15;
	s13 =	sor.u32 s18, s12;
	s14 =	sadd.s32 $0x13900, s21;
	v32 =	vld.idx.msk [tilespmem:v59+s5+$0x0], $0xffff;
	[tilespmem:s25+$0x0] =	vst v25  }
0x242: {  	s6 =	sor.u32 s9, s20;
	s20 =	sadd.s32 $0x13980, s21;
	s19 =	sor.u32 s18, s14;
	v24 =	vld.idx.msk [tilespmem:v57+s5+$0x0], $0xffff;
	[tilespmem:s13+$0x0] =	vst v31  }
0x243: {  	s11 =	sadd.s32 $0x13B80, s21;
	s15 =	sor.u32 s9, s12;
	s24 =	sor.u32 s18, s20;
	v25 =	vld.idx.msk [tilespmem:v58+s5+$0x0], $0xffff;
	[tilespmem:s19+$0x0] =	vst v30  }
0x244: {  	s14 =	sor.u32 s9, s14;
	s8 =	sadd.s32 $0x13A80, s21;
	s25 =	sor.u32 s18, s2;
	v31 =	vld.idx.msk [tilespmem:v60+s5+$0x0], $0xffff;
	[tilespmem:s24+$0x0] =	vst v29  }
0x245: {  	s20 =	sor.u32 s9, s20;
	s12 =	sor.u32 s18, s8;
	v30 =	vld.idx.msk [tilespmem:v61+s5+$0x0], $0xffff;
	s19 =	sadd.s32 $0x13B00, s21;
	[tilespmem:s25+$0x0] =	vst v28  }
0x246: {  	s21 =	simm.s32 $0x0;
	v29 =	vld.idx.msk [tilespmem:v62+s5+$0x0], $0xffff;
	s25 =	simm.s32 $0x20;
	[tilespmem:s12+$0x0] =	vst v27;
	s12 =	sor.u32 s18, s19  }
.LBB2_15:
0x247: {  	s13 =	sand.u32 $0x60, s25;
	v27 =	vld.idx.msk [tilespmem:v35+s5+$0x0], $0xffff;
	s24 =	sor.u32 s9, s2;
	[tilespmem:s12+$0x0] =	vst v2;
	s2 =	sor.u32 s18, s11  }
0x248: {  	s12 =	sand.u32 $0x180, s25;
	v2 =	vld.idx.msk [tilespmem:v33+s5+$0x0], $0xffff;
	s18 =	sor.u32 $0x10, s13;
	[tilespmem:s2+$0x0] =	vst v1  }
0x249: {  	v1 =	vld.idx.msk [tilespmem:v34+s5+$0x0], $0xffff;
	[tilespmem:s4+$0x80] =	vst v3;
	s12 =	sor.u32 s18, s12  }
0x24a: {  	[tilespmem:s4+$0x200] =	vst v6;
	v3 =	vld [tilespmem:s12+$0x8400]  }
0x24b: {  	[tilespmem:s4+$0x100] =	vst v4  }
0x24c: {  	s8 =	sor.u32 s9, s8;
	s19 =	sor.u32 s9, s19;
	[tilespmem:s4+$0x180] =	vst v5  }
0x24d: {  	s2 =	sor.u32 s9, s11;
	s9 =	smov.u32 s13;
	s13 =	rddreg [dreg:$0xd];
	[tilespmem:s4+$0x280] =	vst v7  }
0x24e: {  	s11 =	rddreg [dreg:$0x9];
	[tilespmem:s4+$0x0] =	vst v0  }
0x24f: {  	s12 =	rddreg [dreg:$0x11];
	[tilespmem:s13+$0x10800] =	vst v8;
	v0 =	vshll.u32 v3, $0x3  }
0x250: {  	s13 =	rddreg [dreg:$0x15];
	[tilespmem:s11+$0x10800] =	vst v9;
	v3 =	vand.u32 $0x7F, v3;
	v0 =	vand.u32 $0xFFFFFC00, v0  }
0x251: {  	s11 =	rddreg [dreg:$0x19];
	[tilespmem:s12+$0x0] =	vst v10;
	v0 =	vor.u32 v3, v0  }
0x252: {  	s12 =	rddreg [dreg:$0x1d];
	[tilespmem:s13+$0x0] =	vst v11;
	v3 =	vor.u32 $0x80, v0  }
0x253: {  	s13 =	rddreg [dreg:$0x5];
	[tilespmem:s11+$0x0] =	vst v12;
	v4 =	vor.u32 $0x100, v0  }
0x254: {  	s4 =	sadd.s32 $0x20, s13;
	[tilespmem:s12+$0x0] =	vst v13;
	v5 =	vor.u32 $0x180, v0  }
0x255: {  	v28 =	vld [tilespmem:s4+$0x0];
	v6 =	vor.u32 $0x200, v0  }
0x256: {  	[tilespmem:s3+$0x0] =	vst v14;
	v7 =	vor.u32 $0x280, v0;
	v59 =	vld.idx.msk [tilespmem:v0+s5+$0x0], $0xffff  }
0x257: {  	v8 =	vor.u32 $0x300, v0;
	[tilespmem:s28+$0x0] =	vst v15;
	v3 =	vld.idx.msk [tilespmem:v3+s5+$0x0], $0xffff  }
0x258: {  	v9 =	vor.u32 $0x380, v0;
	[tilespmem:s31+$0x0] =	vst v16;
	v4 =	vld.idx.msk [tilespmem:v4+s5+$0x0], $0xffff  }
0x259: {  	v10 =	vadd.s32 $0x2000, v0;
	[tilespmem:s1+$0x0] =	vst v17;
	v5 =	vld.idx.msk [tilespmem:v5+s5+$0x0], $0xffff  }
0x25a: {  	v11 =	vadd.s32 $0x2080, v0;
	[tilespmem:s16+$0x0] =	vst v18;
	v6 =	vld.idx.msk [tilespmem:v6+s5+$0x0], $0xffff  }
0x25b: {  	v12 =	vadd.s32 $0x2100, v0;
	[tilespmem:s17+$0x0] =	vst v19;
	v7 =	vld.idx.msk [tilespmem:v7+s5+$0x0], $0xffff  }
0x25c: {  	v13 =	vadd.s32 $0x2180, v0;
	v8 =	vld.idx.msk [tilespmem:v8+s5+$0x0], $0xffff;
	[tilespmem:s22+$0x0] =	vst v20  }
0x25d: {  	v14 =	vadd.s32 $0x2200, v0;
	v9 =	vld.idx.msk [tilespmem:v9+s5+$0x0], $0xffff;
	[tilespmem:s26+$0x0] =	vst v21  }
0x25e: {  	v15 =	vadd.s32 $0x2280, v0;
	v10 =	vld.idx.msk [tilespmem:v10+s5+$0x0], $0xffff;
	[tilespmem:s30+$0x0] =	vst v22  }
0x25f: {  	v16 =	vadd.s32 $0x2300, v0;
	v11 =	vld.idx.msk [tilespmem:v11+s5+$0x0], $0xffff;
	[tilespmem:s0+$0x0] =	vst v23  }
0x260: {  	v17 =	vadd.s32 $0x2380, v0;
	v12 =	vld.idx.msk [tilespmem:v12+s5+$0x0], $0xffff;
	[tilespmem:s23+$0x0] =	vst v24  }
0x261: {  	v18 =	vadd.s32 $0x4000, v0;
	v13 =	vld.idx.msk [tilespmem:v13+s5+$0x0], $0xffff;
	[tilespmem:s6+$0x0] =	vst v25  }
0x262: {  	v14 =	vld.idx.msk [tilespmem:v14+s5+$0x0], $0xffff;
	v19 =	vadd.s32 $0x4080, v0;
	[tilespmem:s7+$0x0] =	vst v32  }
0x263: {  	v15 =	vld.idx.msk [tilespmem:v15+s5+$0x0], $0xffff;
	v20 =	vadd.s32 $0x4100, v0;
	[tilespmem:s15+$0x0] =	vst v31  }
0x264: {  	v16 =	vld.idx.msk [tilespmem:v16+s5+$0x0], $0xffff;
	v21 =	vadd.s32 $0x4180, v0;
	[tilespmem:s14+$0x0] =	vst v30  }
0x265: {  	v17 =	vld.idx.msk [tilespmem:v17+s5+$0x0], $0xffff;
	v22 =	vadd.s32 $0x4200, v0;
	[tilespmem:s20+$0x0] =	vst v29  }
0x266: {  	v18 =	vld.idx.msk [tilespmem:v18+s5+$0x0], $0xffff;
	v23 =	vadd.s32 $0x4280, v0;
	[tilespmem:s24+$0x0] =	vst v26  }
0x267: {  	v19 =	vld.idx.msk [tilespmem:v19+s5+$0x0], $0xffff;
	v24 =	vadd.s32 $0x4300, v0;
	[tilespmem:s8+$0x0] =	vst v27  }
0x268: {  	v20 =	vld.idx.msk [tilespmem:v20+s5+$0x0], $0xffff;
	[tilespmem:s19+$0x0] =	vst v2;
	v2 =	vadd.s32 $0x4380, v0  }
0x269: {  	v21 =	vld.idx.msk [tilespmem:v21+s5+$0x0], $0xffff;
	v26 =	vadd.s32 $0x6080, v0  }
0x26a: {  	v22 =	vld.idx.msk [tilespmem:v22+s5+$0x0], $0xffff;
	[tilespmem:s2+$0x0] =	vst v1;
	v1 =	vadd.s32 $0x6000, v0  }
0x26b: {  	v23 =	vld.idx.msk [tilespmem:v23+s5+$0x0], $0xffff;
	v27 =	vadd.s32 $0x6100, v0  }
0x26c: {  	v60 =	vadd.s32 $0x6180, v0;
	v24 =	vld.idx.msk [tilespmem:v24+s5+$0x0], $0xffff  }
0x26d: {  	v25 =	vld.idx.msk [tilespmem:v2+s5+$0x0], $0xffff;
	v2 =	vadd.s32 $0x6200, v0  }
0x26e: {  	v61 =	vadd.s32 $0x6300, v0;
	v31 =	vld.idx.msk [tilespmem:v26+s5+$0x0], $0xffff  }
0x26f: {  	v29 =	vshll.u32 v28, $0x3;
	v32 =	vld.idx.msk [tilespmem:v1+s5+$0x0], $0xffff;
	v1 =	vadd.s32 $0x6280, v0  }
0x270: {  	v26 =	vand.u32 $0x7F, v28;
	v28 =	vand.u32 $0xFFFFFC00, v29;
	v30 =	vld.idx.msk [tilespmem:v27+s5+$0x0], $0xffff;
	v0 =	vadd.s32 $0x6380, v0  }
0x271: {  	s10 =	sadd.s32 $0x100, s10;
	v29 =	vor.u32 v26, v28;
	v26 =	vld.idx.msk [tilespmem:v60+s5+$0x0], $0xffff  }
0x272: {  	s24 =	sand.u32 $0xC00, s10;
	v62 =	vor.u32 $0x80, v29;
	v27 =	vld.idx.msk [tilespmem:v2+s5+$0x0], $0xffff  }
0x273: {  	s29 =	sadd.s32 $0x1, s29;
	s20 =	sadd.s32 $0x10800, s24;
	v36 =	vor.u32 $0x100, v29;
	v2 =	vld.idx.msk [tilespmem:v61+s5+$0x0], $0xffff  }
0x274: {  	s23 =	sand.u32 $0x3, s29;
	s22 =	sor.u32 s18, s20;
	v37 =	vor.u32 $0x180, v29;
	v28 =	vld.idx.msk [tilespmem:v1+s5+$0x0], $0xffff  }
0x275: {  	s1 =	sshll.u32 s23, $0x5;
	v63 =	vor.u32 $0x200, v29;
	v1 =	vld.idx.msk [tilespmem:v0+s5+$0x0], $0xffff;
	[tilespmem:s22+$0x0] =	vst v59  }
0x276: {  	s21 =	sadd.s32 $0x2, s21;
	s1 =	sadd.s32 s1, s10;
	v40 =	vor.u32 $0x280, v29;
	v0 =	vld.idx.msk [tilespmem:v29+s5+$0x0], $0xffff;
	[tilespmem:s22+$0x80] =	vst v3  }
0x277: {  	[dreg:$0x5] =	wrdreg s4;
	s26 =	sor.u32 $0x300, s1;
	s1 =	sadd.s32 $0x10, s1;
	v41 =	vor.u32 $0x300, v29;
	v3 =	vld.idx.msk [tilespmem:v62+s5+$0x0], $0xffff;
	[tilespmem:s22+$0x100] =	vst v4  }
0x278: {  	p2 =	slt.u32 s21, $0x1E;
	[dreg:$0xd] =	wrdreg s26;
	s3 =	sor.u32 $0x300, s1;
	v42 =	vor.u32 $0x380, v29;
	v4 =	vld.idx.msk [tilespmem:v36+s5+$0x0], $0xffff;
	[tilespmem:s22+$0x180] =	vst v5  }
0x279: {  	s7 =	sor.u32 $0x380, s1;
	s6 =	sadd.s32 $0x11800, s24;
	s11 =	sadd.s32 $0x11880, s24;
	v43 =	vadd.s32 $0x2000, v29;
	v5 =	vld.idx.msk [tilespmem:v37+s5+$0x0], $0xffff;
	[tilespmem:s22+$0x200] =	vst v6  }
0x27a: {  	s14 =	sadd.s32 $0x11900, s24;
	s16 =	sadd.s32 $0x11980, s24;
	s26 =	sadd.s32 $0x11B00, s24;
	v44 =	vadd.s32 $0x2080, v29;
	v45 =	vadd.s32 $0x2100, v29;
	v6 =	vld.idx.msk [tilespmem:v63+s5+$0x0], $0xffff;
	[tilespmem:s22+$0x280] =	vst v7  }
0x27b: {  	s19 =	sor.u32 s10, s25;
	s4 =	sor.u32 s9, s20;
	s8 =	sor.u32 s9, s6;
	v46 =	vadd.s32 $0x2180, v29;
	v47 =	vadd.s32 $0x2200, v29;
	v48 =	vadd.s32 $0x2280, v29;
	v7 =	vld.idx.msk [tilespmem:v40+s5+$0x0], $0xffff;
	[tilespmem:s3+$0x10800] =	vst v8  }
0x27c: {  	s12 =	sor.u32 s18, s6;
	s13 =	sor.u32 s9, s11;
	s15 =	sor.u32 s18, s11;
	v49 =	vadd.s32 $0x2300, v29;
	v50 =	vadd.s32 $0x2380, v29;
	v62 =	vadd.s32 $0x6180, v29;
	v8 =	vld.idx.msk [tilespmem:v41+s5+$0x0], $0xffff;
	[tilespmem:s7+$0x10800] =	vst v9  }
0x27d: {  	s17 =	sor.u32 s18, s14;
	s20 =	sor.u32 s18, s16;
	s1 =	sor.u32 s9, s16;
	v51 =	vadd.s32 $0x4000, v29;
	v52 =	vadd.s32 $0x4080, v29;
	v53 =	vadd.s32 $0x4100, v29;
	v9 =	vld.idx.msk [tilespmem:v42+s5+$0x0], $0xffff;
	[tilespmem:s12+$0x0] =	vst v10  }
0x27e: {  	s11 =	sadd.s32 $0x12800, s24;
	s31 =	sor.u32 s9, s26;
	s25 =	sadd.s32 $0x20, s25;
	v54 =	vadd.s32 $0x4180, v29;
	v55 =	vadd.s32 $0x4200, v29;
	v56 =	vadd.s32 $0x4280, v29;
	v10 =	vld.idx.msk [tilespmem:v43+s5+$0x0], $0xffff;
	[tilespmem:s15+$0x0] =	vst v11  }
0x27f: {  	s0 =	sor.u32 $0x380, s19;
	[dreg:$0x11] =	wrdreg s8;
	s19 =	sadd.s32 $0x11A00, s24;
	v57 =	vadd.s32 $0x4300, v29;
	v58 =	vadd.s32 $0x4380, v29;
	v60 =	vadd.s32 $0x6080, v29;
	v11 =	vld.idx.msk [tilespmem:v44+s5+$0x0], $0xffff;
	[tilespmem:s17+$0x0] =	vst v12  }
0x280: {  	[dreg:$0x15] =	wrdreg s13;
	s23 =	sor.u32 s18, s19;
	v35 =	vadd.s32 $0x6280, v29;
	v33 =	vadd.s32 $0x6300, v29;
	v34 =	vadd.s32 $0x6380, v29;
	s22 =	sadd.s32 $0x11A80, s24;
	v12 =	vld.idx.msk [tilespmem:v45+s5+$0x0], $0xffff;
	[tilespmem:s20+$0x0] =	vst v13  }
0x281: {  	s2 =	sor.u32 s9, s14;
	[dreg:$0x1d] =	wrdreg s1;
	v61 =	vadd.s32 $0x6100, v29;
	v59 =	vadd.s32 $0x6000, v29;
	v63 =	vadd.s32 $0x6200, v29;
	s6 =	sor.u32 s18, s22;
	v29 =	vld.idx.msk [tilespmem:v62+s5+$0x0], $0xffff;
	[tilespmem:s23+$0x0] =	vst v14  }
0x282: {  	s8 =	sor.u32 s18, s26;
	s13 =	sadd.s32 $0x12880, s24;
	s7 =	sadd.s32 $0x11B80, s24;
	v13 =	vld.idx.msk [tilespmem:v46+s5+$0x0], $0xffff;
	[tilespmem:s6+$0x0] =	vst v15  }
0x283: {  	s14 =	sor.u32 s18, s11;
	[dreg:$0x9] =	wrdreg s0;
	s12 =	sor.u32 s18, s7;
	v14 =	vld.idx.msk [tilespmem:v47+s5+$0x0], $0xffff;
	[tilespmem:s8+$0x0] =	vst v16  }
0x284: {  	s16 =	sor.u32 s9, s11;
	s11 =	sadd.s32 $0x12A80, s24;
	[dreg:$0x19] =	wrdreg s2;
	v15 =	vld.idx.msk [tilespmem:v48+s5+$0x0], $0xffff;
	[tilespmem:s12+$0x0] =	vst v17  }
0x285: {  	s3 =	sor.u32 s9, s19;
	s19 =	sor.u32 s18, s13;
	s15 =	sadd.s32 $0x12900, s24;
	v16 =	vld.idx.msk [tilespmem:v49+s5+$0x0], $0xffff;
	[tilespmem:s14+$0x0] =	vst v18  }
0x286: {  	s28 =	sor.u32 s9, s22;
	s22 =	sor.u32 s18, s15;
	s20 =	sadd.s32 $0x12980, s24;
	v17 =	vld.idx.msk [tilespmem:v50+s5+$0x0], $0xffff;
	[tilespmem:s19+$0x0] =	vst v19  }
0x287: {  	s0 =	sor.u32 s9, s11;
	s23 =	sadd.s32 $0x12A00, s24;
	s8 =	sor.u32 s18, s20;
	v18 =	vld.idx.msk [tilespmem:v51+s5+$0x0], $0xffff;
	[tilespmem:s22+$0x0] =	vst v20  }
0x288: {  	s2 =	sadd.s32 $0x13A00, s24;
	s17 =	sor.u32 s9, s13;
	s12 =	sor.u32 s18, s23;
	v19 =	vld.idx.msk [tilespmem:v52+s5+$0x0], $0xffff;
	[tilespmem:s8+$0x0] =	vst v21  }
0x289: {  	s13 =	sadd.s32 $0x12B00, s24;
	s26 =	sor.u32 s9, s20;
	s14 =	sor.u32 s18, s11;
	v20 =	vld.idx.msk [tilespmem:v53+s5+$0x0], $0xffff;
	[tilespmem:s12+$0x0] =	vst v22  }
0x28a: {  	s19 =	sor.u32 s18, s13;
	s22 =	sor.u32 s9, s15;
	s15 =	sadd.s32 $0x12B80, s24;
	v21 =	vld.idx.msk [tilespmem:v54+s5+$0x0], $0xffff;
	[tilespmem:s14+$0x0] =	vst v23  }
0x28b: {  	s30 =	sor.u32 s9, s23;
	s20 =	sadd.s32 $0x13800, s24;
	s8 =	sor.u32 s18, s15;
	v22 =	vld.idx.msk [tilespmem:v55+s5+$0x0], $0xffff;
	[tilespmem:s19+$0x0] =	vst v24  }
0x28c: {  	s23 =	sor.u32 s9, s13;
	s13 =	sor.u32 s18, s20;
	s12 =	sadd.s32 $0x13880, s24;
	v23 =	vld.idx.msk [tilespmem:v56+s5+$0x0], $0xffff;
	[tilespmem:s8+$0x0] =	vst v25  }
0x28d: {  	s6 =	sor.u32 s9, s15;
	s14 =	sadd.s32 $0x13900, s24;
	s15 =	sor.u32 s18, s12;
	v24 =	vld.idx.msk [tilespmem:v57+s5+$0x0], $0xffff;
	[tilespmem:s13+$0x0] =	vst v32  }
.Ltmp10:
0x28e: {  	s11 =	sadd.s32 $0x13980, s24;
	s19 =	sor.u32 s18, s14;
	v25 =	vld.idx.msk [tilespmem:v58+s5+$0x0], $0xffff;
	[tilespmem:s15+$0x0] =	vst v31;
	(pc) =	sbr.rel @p2 .LBB2_15-.Ltmp10, $4  }
0x28f: {  	s1 =	sor.u32 s9, s7;
	s7 =	sor.u32 s9, s20;
	s20 =	sor.u32 s18, s11;
	v32 =	vld.idx.msk [tilespmem:v59+s5+$0x0], $0xffff;
	[tilespmem:s19+$0x0] =	vst v30  }
0x290: {  	s14 =	sor.u32 s9, s14;
	s8 =	sadd.s32 $0x13A80, s24;
	s13 =	sor.u32 s18, s2;
	v31 =	vld.idx.msk [tilespmem:v60+s5+$0x0], $0xffff;
	[tilespmem:s20+$0x0] =	vst v26  }
0x291: {  	s15 =	sor.u32 s9, s12;
	v30 =	vld.idx.msk [tilespmem:v61+s5+$0x0], $0xffff;
	s19 =	sadd.s32 $0x13B00, s24;
	[tilespmem:s13+$0x0] =	vst v27;
	s13 =	sor.u32 s18, s8  }
0x292: {  	s20 =	sor.u32 s9, s11;
	v26 =	vld.idx.msk [tilespmem:v63+s5+$0x0], $0xffff;
	s11 =	sadd.s32 $0x13B80, s24;
	s12 =	sor.u32 s18, s19;
	[tilespmem:s13+$0x0] =	vst v28  }
0x293: {  	_ =	sdelay $0x3  }
0x294: {  	v27 =	vld.idx.msk [tilespmem:v35+s5+$0x0], $0xffff  }
0x295: {  	[tilespmem:s12+$0x0] =	vst v2;
	v62 =	vld.idx.msk [tilespmem:v33+s5+$0x0], $0xffff  }
0x296: {  	v63 =	vld.idx.msk [tilespmem:v34+s5+$0x0], $0xffff;
	[tilespmem:s4+$0x80] =	vst v3  }
0x297: {  	[tilespmem:s4+$0x100] =	vst v4  }
0x298: {  	[tilespmem:s4+$0x180] =	vst v5  }
0x299: {  	[tilespmem:s4+$0x200] =	vst v6  }
0x29a: {  	[tilespmem:s4+$0x280] =	vst v7  }
0x29b: {  	s10 =	sor.u32 s18, s11;
	[tilespmem:s4+$0x0] =	vst v0  }
0x29c: {  	[tilespmem:s10+$0x0] =	vst v1  }
0x29d: {  	s4 =	rddreg [dreg:$0xd]  }
0x29e: {  	[tilespmem:s4+$0x10800] =	vst v8  }
0x29f: {  	s4 =	rddreg [dreg:$0x9]  }
0x2a0: {  	[tilespmem:s4+$0x10800] =	vst v9  }
0x2a1: {  	s4 =	rddreg [dreg:$0x11]  }
0x2a2: {  	[tilespmem:s4+$0x0] =	vst v10  }
0x2a3: {  	s4 =	rddreg [dreg:$0x15]  }
0x2a4: {  	[tilespmem:s4+$0x0] =	vst v11  }
0x2a5: {  	s4 =	rddreg [dreg:$0x19]  }
0x2a6: {  	[tilespmem:s4+$0x0] =	vst v12  }
0x2a7: {  	s4 =	rddreg [dreg:$0x1d]  }
0x2a8: {  	[tilespmem:s4+$0x0] =	vst v13  }
0x2a9: {  	[tilespmem:s3+$0x0] =	vst v14  }
0x2aa: {  	[tilespmem:s28+$0x0] =	vst v15  }
0x2ab: {  	[tilespmem:s31+$0x0] =	vst v16  }
0x2ac: {  	[tilespmem:s1+$0x0] =	vst v17  }
0x2ad: {  	[tilespmem:s16+$0x0] =	vst v18  }
0x2ae: {  	[tilespmem:s17+$0x0] =	vst v19  }
0x2af: {  	[tilespmem:s22+$0x0] =	vst v20  }
0x2b0: {  	[tilespmem:s26+$0x0] =	vst v21  }
0x2b1: {  	[tilespmem:s30+$0x0] =	vst v22  }
0x2b2: {  	[tilespmem:s0+$0x0] =	vst v23  }
0x2b3: {  	[tilespmem:s23+$0x0] =	vst v24  }
0x2b4: {  	[tilespmem:s6+$0x0] =	vst v25  }
0x2b5: {  	[tilespmem:s7+$0x0] =	vst v32  }
0x2b6: {  	[tilespmem:s15+$0x0] =	vst v31  }
0x2b7: {  	[tilespmem:s14+$0x0] =	vst v30  }
0x2b8: {  	s24 =	sor.u32 s9, s2;
	[tilespmem:s20+$0x0] =	vst v29  }
0x2b9: {  	s25 =	sor.u32 s9, s8;
	[tilespmem:s24+$0x0] =	vst v26  }
0x2ba: {  	s26 =	sor.u32 s9, s19;
	[tilespmem:s25+$0x0] =	vst v27  }
0x2bb: {  	s28 =	sor.u32 s9, s11;
	[tilespmem:s26+$0x0] =	vst v62  }
0x2bc: {  	[tilespmem:s28+$0x0] =	vst v63  }
0x2bd: {  	s0 =	sld [smem:$0x7FB]  }
.Ltmp11:
0x2be: {  	s1 =	sld [smem:$0x7F0];
	(pc) =	sbr.rel @p1 .LBB2_18-.Ltmp11, $4  }
0x2bf: {  	_ = 	snop  }
0x2c0: {  	s29 =	simm.s32 $0x1000  }
0x2c1: {  	s31 =	simm.s32 $0x10800;
	s30 =	simm.s32 $0x20000;
	s0 =	sadd.s32 s1, s0  }
0x2c2: {  	[hbm4b:s0+s29] =	stream.strided.scatter [tilespmem:s31], [sflag:$0x7], $0x4000, s30, s29, $0x38;
	[tilespmem:$0x18800] =	vst v63  }
.Ltmp12:
0x2c3: {  	(pc) =	sbr.rel .LBB2_19-.Ltmp12, $4  }
0x2c4: {  	s0 =	simm.s32 $0x4  }
0x2c5: {  	_ =	swait.ge [sflag:s0], $0x200  }
0x2c6: {  	[sflag:s0] =	ssyncset.done $0x0  }
0x2c7: {  	[sflag:s0] =	ssyncadd.s32 $0xFFFFFE00  }
.LBB2_18:
0x2c8: {  	s0 =	sld [smem:$0x7F3];
	_ =	sdelay $0x2  }
0x2c9: {  	s0 =	sadd.s32 $0x6, s0  }
0x2ca: {  	s28 =	sld [smem:$0x7F5];
	s1 =	sshll.u32 s0, $0x7;
	s0 =	sshll.u32 s0, $0xE  }
0x2cb: {  	s1 =	sand.u32 $0x300, s1;
	s0 =	sand.u32 $0x3E0000, s0  }
0x2cc: {  	s0 =	sor.u32 s0, s1  }
0x2cd: {  	s29 =	rddreg [dreg:$0x1];
	s30 =	simm.s32 $0x80;
	s0 =	sor.u32 s28, s0  }
0x2ce: {  	s2 =	simm.s32 $0x400;
	s3 =	simm.s32 $0x8400;
	s0 =	sshrl.u32 s0, $0x3  }
.Ltmp13:
0x2cf: {  	s31 =	simm.s32 $0x4;
	s0 =	sadd.s32 s29, s0;
	(pc) =	sbr.rel @p0 .LBB2_20-.Ltmp13, $4  }
0x2d0: {  	[tilespmem:s3], [sflag:$0x3] =	stream.strided.gather [hbm4b:s0+s30], $0x200, s2, s30, $0x38;
	[tilespmem:$0x18800] =	vst v63  }
0x2d1: {  	_ =	swait.ge [sflag:s31], $0x200  }
0x2d2: {  	[sflag:s31] =	ssyncset.done $0x0  }
0x2d3: {  	[sflag:s31] =	ssyncadd.s32 $0xFFFFFE00  }
.LBB2_19:
0x2d4: {  	s0 =	simm.s32 $0x8  }
0x2d5: {  	_ =	swait.ge [sflag:s0], $0x4000  }
0x2d6: {  	[sflag:s0] =	ssyncset.done $0x0  }
0x2d7: {  	[sflag:s0] =	ssyncadd.s32 $0xFFFFC000  }
.LBB2_20:
0x2d8: {  	s10 =	simm.s32 $0x0  }
0x2d9: {  	s9 =	sand.u32 $0x60, s10  }
0x2da: {  	s0 =	sand.u32 $0x180, s10;
	s18 =	sor.u32 $0x10, s9  }
0x2db: {  	s0 =	sor.u32 s18, s0  }
0x2dc: {  	v0 =	vld [tilespmem:s0+$0x8600];
	_ =	sdelay $0x4  }
0x2dd: {  	v1 =	vshll.u32 v0, $0x3  }
0x2de: {  	v0 =	vand.u32 $0x7F, v0;
	v1 =	vand.u32 $0xFFFFFC00, v1  }
0x2df: {  	v0 =	vor.u32 v0, v1  }
0x2e0: {  	v1 =	vor.u32 $0x80, v0  }
0x2e1: {  	s14 =	simm.s32 $0x8600;
	v2 =	vor.u32 $0x100, v0  }
0x2e2: {  	s1 =	simm.s32 $0x8600;
	[dreg:$0x6] =	wrdreg s14;
	v3 =	vor.u32 $0x180, v0  }
0x2e3: {  	v4 =	vld [tilespmem:s1+$0x0];
	v5 =	vor.u32 $0x200, v0  }
0x2e4: {  	v7 =	vor.u32 $0x280, v0;
	v6 =	vld.idx.msk [tilespmem:v0+s5+$0x0], $0xffff  }
0x2e5: {  	v8 =	vld.idx.msk [tilespmem:v1+s5+$0x0], $0xffff;
	v1 =	vor.u32 $0x300, v0  }
0x2e6: {  	v9 =	vld.idx.msk [tilespmem:v2+s5+$0x0], $0xffff;
	v2 =	vor.u32 $0x380, v0  }
0x2e7: {  	v10 =	vld.idx.msk [tilespmem:v3+s5+$0x0], $0xffff;
	v3 =	vadd.s32 $0x2000, v0  }
0x2e8: {  	v11 =	vld.idx.msk [tilespmem:v5+s5+$0x0], $0xffff;
	v5 =	vadd.s32 $0x2080, v0  }
0x2e9: {  	v12 =	vadd.s32 $0x2100, v0;
	v7 =	vld.idx.msk [tilespmem:v7+s5+$0x0], $0xffff  }
0x2ea: {  	v13 =	vld.idx.msk [tilespmem:v1+s5+$0x0], $0xffff;
	v1 =	vadd.s32 $0x2180, v0  }
0x2eb: {  	v14 =	vld.idx.msk [tilespmem:v2+s5+$0x0], $0xffff;
	v2 =	vadd.s32 $0x2200, v0  }
0x2ec: {  	v15 =	vld.idx.msk [tilespmem:v3+s5+$0x0], $0xffff;
	v3 =	vadd.s32 $0x2280, v0  }
0x2ed: {  	v16 =	vld.idx.msk [tilespmem:v5+s5+$0x0], $0xffff;
	v5 =	vadd.s32 $0x2300, v0  }
0x2ee: {  	v17 =	vadd.s32 $0x2380, v0;
	v12 =	vld.idx.msk [tilespmem:v12+s5+$0x0], $0xffff  }
0x2ef: {  	v18 =	vld.idx.msk [tilespmem:v1+s5+$0x0], $0xffff;
	v1 =	vadd.s32 $0x4000, v0  }
0x2f0: {  	v19 =	vld.idx.msk [tilespmem:v2+s5+$0x0], $0xffff;
	v2 =	vadd.s32 $0x4080, v0  }
0x2f1: {  	v33 =	vld.idx.msk [tilespmem:v3+s5+$0x0], $0xffff;
	v3 =	vadd.s32 $0x4100, v0  }
0x2f2: {  	v34 =	vld.idx.msk [tilespmem:v5+s5+$0x0], $0xffff;
	v5 =	vadd.s32 $0x4180, v0  }
0x2f3: {  	v22 =	vadd.s32 $0x4200, v0;
	v17 =	vld.idx.msk [tilespmem:v17+s5+$0x0], $0xffff  }
0x2f4: {  	v35 =	vld.idx.msk [tilespmem:v1+s5+$0x0], $0xffff;
	v1 =	vadd.s32 $0x4280, v0  }
0x2f5: {  	v36 =	vld.idx.msk [tilespmem:v2+s5+$0x0], $0xffff;
	v2 =	vadd.s32 $0x4300, v0  }
0x2f6: {  	v20 =	vld.idx.msk [tilespmem:v3+s5+$0x0], $0xffff;
	v3 =	vadd.s32 $0x4380, v0  }
0x2f7: {  	v21 =	vld.idx.msk [tilespmem:v5+s5+$0x0], $0xffff;
	v5 =	vadd.s32 $0x6000, v0  }
0x2f8: {  	v26 =	vadd.s32 $0x6080, v0;
	v22 =	vld.idx.msk [tilespmem:v22+s5+$0x0], $0xffff  }
0x2f9: {  	v23 =	vld.idx.msk [tilespmem:v1+s5+$0x0], $0xffff;
	v1 =	vadd.s32 $0x6100, v0  }
0x2fa: {  	v32 =	vld.idx.msk [tilespmem:v2+s5+$0x0], $0xffff;
	v2 =	vadd.s32 $0x6180, v0  }
0x2fb: {  	v24 =	vld.idx.msk [tilespmem:v3+s5+$0x0], $0xffff;
	v3 =	vadd.s32 $0x6200, v0  }
0x2fc: {  	v25 =	vld.idx.msk [tilespmem:v5+s5+$0x0], $0xffff;
	v5 =	vadd.s32 $0x6280, v0  }
0x2fd: {  	v37 =	vadd.s32 $0x6300, v0;
	v31 =	vld.idx.msk [tilespmem:v26+s5+$0x0], $0xffff  }
0x2fe: {  	v26 =	vshll.u32 v4, $0x3;
	v0 =	vadd.s32 $0x6380, v0;
	v30 =	vld.idx.msk [tilespmem:v1+s5+$0x0], $0xffff  }
0x2ff: {  	v1 =	vand.u32 $0x7F, v4;
	v4 =	vand.u32 $0xFFFFFC00, v26;
	v29 =	vld.idx.msk [tilespmem:v2+s5+$0x0], $0xffff  }
0x300: {  	s21 =	sand.u32 $0xC00, s10;
	v28 =	vld.idx.msk [tilespmem:v3+s5+$0x0], $0xffff;
	v26 =	vor.u32 v1, v4  }
0x301: {  	s15 =	sadd.s32 $0x14800, s21;
	v27 =	vld.idx.msk [tilespmem:v5+s5+$0x0], $0xffff;
	v3 =	vor.u32 $0x80, v26  }
0x302: {  	s16 =	sor.u32 s18, s15;
	v2 =	vld.idx.msk [tilespmem:v37+s5+$0x0], $0xffff;
	v4 =	vor.u32 $0x100, v26  }
0x303: {  	v1 =	vld.idx.msk [tilespmem:v0+s5+$0x0], $0xffff;
	[tilespmem:s16+$0x0] =	vst v6;
	v5 =	vor.u32 $0x180, v26  }
0x304: {  	[tilespmem:s16+$0x80] =	vst v8  }
0x305: {  	[tilespmem:s16+$0x100] =	vst v9;
	v50 =	vor.u32 $0x200, v26;
	v0 =	vld.idx.msk [tilespmem:v26+s5+$0x0], $0xffff  }
0x306: {  	s2 =	sand.u32 $0x3, s10;
	s3 =	sor.u32 s10, s10;
	[tilespmem:s16+$0x180] =	vst v10;
	v38 =	vor.u32 $0x280, v26;
	v3 =	vld.idx.msk [tilespmem:v3+s5+$0x0], $0xffff  }
0x307: {  	s2 =	sshll.u32 s2, $0x5;
	s3 =	sor.u32 $0x380, s3;
	[tilespmem:s16+$0x200] =	vst v11;
	v8 =	vor.u32 $0x300, v26;
	v4 =	vld.idx.msk [tilespmem:v4+s5+$0x0], $0xffff  }
0x308: {  	s2 =	sadd.s32 $0x0, s2;
	v5 =	vld.idx.msk [tilespmem:v5+s5+$0x0], $0xffff;
	[dreg:$0xa] =	wrdreg s3  }
0x309: {  	s6 =	sadd.s32 $0x10, s2;
	s19 =	sor.u32 $0x300, s2;
	v9 =	vor.u32 $0x380, v26;
	[tilespmem:s16+$0x280] =	vst v7  }
0x30a: {  	s20 =	sadd.s32 $0x15800, s21;
	s17 =	sor.u32 $0x300, s6;
	v6 =	vld.idx.msk [tilespmem:v50+s5+$0x0], $0xffff;
	[dreg:$0xe] =	wrdreg s19  }
0x30b: {  	s23 =	sor.u32 s9, s20;
	v7 =	vld.idx.msk [tilespmem:v38+s5+$0x0], $0xffff;
	[tilespmem:s17+$0x14800] =	vst v13  }
0x30c: {  	s24 =	sadd.s32 $0x15880, s21;
	s22 =	sor.u32 $0x380, s6;
	v10 =	vadd.s32 $0x2000, v26;
	v8 =	vld.idx.msk [tilespmem:v8+s5+$0x0], $0xffff;
	[dreg:$0x12] =	wrdreg s23  }
0x30d: {  	s26 =	sor.u32 s9, s24;
	v11 =	vadd.s32 $0x2080, v26;
	[tilespmem:s22+$0x14800] =	vst v14  }
0x30e: {  	s25 =	sor.u32 s18, s20;
	v9 =	vld.idx.msk [tilespmem:v9+s5+$0x0], $0xffff;
	[dreg:$0x16] =	wrdreg s26  }
0x30f: {  	s6 =	sor.u32 s18, s24;
	v51 =	vadd.s32 $0x2100, v26;
	s3 =	sadd.s32 $0x15900, s21;
	[tilespmem:s25+$0x0] =	vst v15  }
0x310: {  	s8 =	sor.u32 s18, s3;
	v13 =	vadd.s32 $0x2180, v26;
	[tilespmem:s6+$0x0] =	vst v16  }
0x311: {  	s7 =	sadd.s32 $0x15980, s21;
	s1 =	sor.u32 s9, s3;
	v14 =	vadd.s32 $0x2200, v26;
	v10 =	vld.idx.msk [tilespmem:v10+s5+$0x0], $0xffff;
	[tilespmem:s8+$0x0] =	vst v12  }
0x312: {  	s29 =	simm.s32 $0x0;
	s12 =	sor.u32 s18, s7;
	v15 =	vadd.s32 $0x2280, v26;
	v11 =	vld.idx.msk [tilespmem:v11+s5+$0x0], $0xffff;
	[dreg:$0x1a] =	wrdreg s1  }
0x313: {  	s11 =	sadd.s32 $0x15A00, s21;
	s13 =	sadd.s32 $0x15A80, s21;
	s2 =	sor.u32 s9, s7;
	v16 =	vadd.s32 $0x2300, v26;
	[tilespmem:s12+$0x0] =	vst v18  }
0x314: {  	s4 =	sor.u32 s9, s15;
	s14 =	sor.u32 s18, s11;
	v52 =	vadd.s32 $0x2380, v26;
	v12 =	vld.idx.msk [tilespmem:v51+s5+$0x0], $0xffff;
	[dreg:$0x1e] =	wrdreg s2  }
0x315: {  	s15 =	sadd.s32 $0x15B00, s21;
	s28 =	sor.u32 s9, s13;
	s16 =	sor.u32 s18, s13;
	v18 =	vadd.s32 $0x4000, v26;
	v13 =	vld.idx.msk [tilespmem:v13+s5+$0x0], $0xffff;
	[tilespmem:s14+$0x0] =	vst v19  }
0x316: {  	s7 =	sadd.s32 $0x16800, s21;
	v63 =	vadd.s32 $0x6200, v26;
	s19 =	sor.u32 s18, s15;
	s17 =	sadd.s32 $0x15B80, s21;
	v14 =	vld.idx.msk [tilespmem:v14+s5+$0x0], $0xffff;
	[tilespmem:s16+$0x0] =	vst v33  }
0x317: {  	s31 =	sor.u32 s9, s15;
	s24 =	sadd.s32 $0x16900, s21;
	v53 =	vadd.s32 $0x4100, v26;
	s20 =	sor.u32 s18, s17;
	v19 =	vadd.s32 $0x4080, v26;
	v15 =	vld.idx.msk [tilespmem:v15+s5+$0x0], $0xffff;
	[tilespmem:s19+$0x0] =	vst v34  }
0x318: {  	v54 =	vadd.s32 $0x4180, v26;
	v55 =	vadd.s32 $0x4200, v26;
	v56 =	vadd.s32 $0x4280, v26;
	s3 =	sor.u32 s9, s11;
	s23 =	sor.u32 s18, s7;
	s22 =	sadd.s32 $0x16880, s21;
	v16 =	vld.idx.msk [tilespmem:v16+s5+$0x0], $0xffff;
	[tilespmem:s20+$0x0] =	vst v17  }
0x319: {  	v57 =	vadd.s32 $0x4300, v26;
	v58 =	vadd.s32 $0x4380, v26;
	v59 =	vadd.s32 $0x6000, v26;
	s11 =	sadd.s32 $0x16A00, s21;
	s13 =	sadd.s32 $0x16A80, s21;
	s25 =	sor.u32 s18, s22;
	v17 =	vld.idx.msk [tilespmem:v52+s5+$0x0], $0xffff;
	[tilespmem:s23+$0x0] =	vst v35  }
0x31a: {  	v60 =	vadd.s32 $0x6080, v26;
	v61 =	vadd.s32 $0x6100, v26;
	v62 =	vadd.s32 $0x6180, v26;
	s15 =	sadd.s32 $0x16B00, s21;
	s26 =	sadd.s32 $0x16980, s21;
	s8 =	sor.u32 s18, s24;
	v18 =	vld.idx.msk [tilespmem:v18+s5+$0x0], $0xffff;
	[tilespmem:s25+$0x0] =	vst v36  }
0x31b: {  	s30 =	sor.u32 s9, s11;
	s0 =	sor.u32 s9, s13;
	s12 =	sor.u32 s18, s26;
	v33 =	vadd.s32 $0x6300, v26;
	v34 =	vadd.s32 $0x6380, v26;
	v35 =	vadd.s32 $0x6280, v26;
	v26 =	vld.idx.msk [tilespmem:v63+s5+$0x0], $0xffff;
	[tilespmem:s8+$0x0] =	vst v20  }
0x31c: {  	s1 =	sor.u32 s9, s17;
	s17 =	sor.u32 s9, s22;
	s14 =	sor.u32 s18, s11;
	v19 =	vld.idx.msk [tilespmem:v19+s5+$0x0], $0xffff;
	[tilespmem:s12+$0x0] =	vst v21  }
0x31d: {  	s22 =	sor.u32 s9, s24;
	s26 =	sor.u32 s9, s26;
	s19 =	sor.u32 s18, s13;
	v20 =	vld.idx.msk [tilespmem:v53+s5+$0x0], $0xffff;
	[tilespmem:s14+$0x0] =	vst v22  }
0x31e: {  	s2 =	sadd.s32 $0x17A00, s21;
	s20 =	sadd.s32 $0x16B80, s21;
	s8 =	sor.u32 s18, s15;
	v21 =	vld.idx.msk [tilespmem:v54+s5+$0x0], $0xffff;
	[tilespmem:s19+$0x0] =	vst v23  }
0x31f: {  	s11 =	sadd.s32 $0x17800, s21;
	s16 =	sor.u32 s9, s7;
	s24 =	sor.u32 s18, s20;
	v22 =	vld.idx.msk [tilespmem:v55+s5+$0x0], $0xffff;
	[tilespmem:s8+$0x0] =	vst v32  }
0x320: {  	s7 =	sor.u32 s9, s11;
	s25 =	sor.u32 s18, s11;
	s12 =	sadd.s32 $0x17880, s21;
	v23 =	vld.idx.msk [tilespmem:v56+s5+$0x0], $0xffff;
	[tilespmem:s24+$0x0] =	vst v24  }
0x321: {  	s23 =	sor.u32 s9, s15;
	s13 =	sor.u32 s18, s12;
	s14 =	sadd.s32 $0x17900, s21;
	v32 =	vld.idx.msk [tilespmem:v59+s5+$0x0], $0xffff;
	[tilespmem:s25+$0x0] =	vst v25  }
0x322: {  	s6 =	sor.u32 s9, s20;
	s20 =	sadd.s32 $0x17980, s21;
	s19 =	sor.u32 s18, s14;
	v24 =	vld.idx.msk [tilespmem:v57+s5+$0x0], $0xffff;
	[tilespmem:s13+$0x0] =	vst v31  }
0x323: {  	s11 =	sadd.s32 $0x17B80, s21;
	s15 =	sor.u32 s9, s12;
	s24 =	sor.u32 s18, s20;
	v25 =	vld.idx.msk [tilespmem:v58+s5+$0x0], $0xffff;
	[tilespmem:s19+$0x0] =	vst v30  }
0x324: {  	s14 =	sor.u32 s9, s14;
	s8 =	sadd.s32 $0x17A80, s21;
	s25 =	sor.u32 s18, s2;
	v31 =	vld.idx.msk [tilespmem:v60+s5+$0x0], $0xffff;
	[tilespmem:s24+$0x0] =	vst v29  }
0x325: {  	s20 =	sor.u32 s9, s20;
	s12 =	sor.u32 s18, s8;
	v30 =	vld.idx.msk [tilespmem:v61+s5+$0x0], $0xffff;
	s19 =	sadd.s32 $0x17B00, s21;
	[tilespmem:s25+$0x0] =	vst v28  }
0x326: {  	s21 =	simm.s32 $0x0;
	v29 =	vld.idx.msk [tilespmem:v62+s5+$0x0], $0xffff;
	s25 =	simm.s32 $0x20;
	[tilespmem:s12+$0x0] =	vst v27;
	s12 =	sor.u32 s18, s19  }
.LBB2_21:
0x327: {  	s13 =	sand.u32 $0x60, s25;
	v27 =	vld.idx.msk [tilespmem:v35+s5+$0x0], $0xffff;
	s24 =	sor.u32 s9, s2;
	[tilespmem:s12+$0x0] =	vst v2;
	s2 =	sor.u32 s18, s11  }
0x328: {  	s12 =	sand.u32 $0x180, s25;
	v2 =	vld.idx.msk [tilespmem:v33+s5+$0x0], $0xffff;
	s18 =	sor.u32 $0x10, s13;
	[tilespmem:s2+$0x0] =	vst v1  }
0x329: {  	v1 =	vld.idx.msk [tilespmem:v34+s5+$0x0], $0xffff;
	[tilespmem:s4+$0x80] =	vst v3;
	s12 =	sor.u32 s18, s12  }
0x32a: {  	[tilespmem:s4+$0x200] =	vst v6;
	v3 =	vld [tilespmem:s12+$0x8600]  }
0x32b: {  	[tilespmem:s4+$0x100] =	vst v4  }
0x32c: {  	s8 =	sor.u32 s9, s8;
	s19 =	sor.u32 s9, s19;
	[tilespmem:s4+$0x180] =	vst v5  }
0x32d: {  	s2 =	sor.u32 s9, s11;
	s9 =	smov.u32 s13;
	s13 =	rddreg [dreg:$0xe];
	[tilespmem:s4+$0x280] =	vst v7  }
0x32e: {  	s11 =	rddreg [dreg:$0xa];
	[tilespmem:s4+$0x0] =	vst v0  }
0x32f: {  	s12 =	rddreg [dreg:$0x12];
	[tilespmem:s13+$0x14800] =	vst v8;
	v0 =	vshll.u32 v3, $0x3  }
0x330: {  	s13 =	rddreg [dreg:$0x16];
	[tilespmem:s11+$0x14800] =	vst v9;
	v3 =	vand.u32 $0x7F, v3;
	v0 =	vand.u32 $0xFFFFFC00, v0  }
0x331: {  	s11 =	rddreg [dreg:$0x1a];
	[tilespmem:s12+$0x0] =	vst v10;
	v0 =	vor.u32 v3, v0  }
0x332: {  	s12 =	rddreg [dreg:$0x1e];
	[tilespmem:s13+$0x0] =	vst v11;
	v3 =	vor.u32 $0x80, v0  }
0x333: {  	s13 =	rddreg [dreg:$0x6];
	[tilespmem:s11+$0x0] =	vst v12;
	v4 =	vor.u32 $0x100, v0  }
0x334: {  	s4 =	sadd.s32 $0x20, s13;
	[tilespmem:s12+$0x0] =	vst v13;
	v5 =	vor.u32 $0x180, v0  }
0x335: {  	v28 =	vld [tilespmem:s4+$0x0];
	v6 =	vor.u32 $0x200, v0  }
0x336: {  	[tilespmem:s3+$0x0] =	vst v14;
	v7 =	vor.u32 $0x280, v0;
	v59 =	vld.idx.msk [tilespmem:v0+s5+$0x0], $0xffff  }
0x337: {  	v8 =	vor.u32 $0x300, v0;
	[tilespmem:s28+$0x0] =	vst v15;
	v3 =	vld.idx.msk [tilespmem:v3+s5+$0x0], $0xffff  }
0x338: {  	v9 =	vor.u32 $0x380, v0;
	[tilespmem:s31+$0x0] =	vst v16;
	v4 =	vld.idx.msk [tilespmem:v4+s5+$0x0], $0xffff  }
0x339: {  	v10 =	vadd.s32 $0x2000, v0;
	[tilespmem:s1+$0x0] =	vst v17;
	v5 =	vld.idx.msk [tilespmem:v5+s5+$0x0], $0xffff  }
0x33a: {  	v11 =	vadd.s32 $0x2080, v0;
	[tilespmem:s16+$0x0] =	vst v18;
	v6 =	vld.idx.msk [tilespmem:v6+s5+$0x0], $0xffff  }
0x33b: {  	v12 =	vadd.s32 $0x2100, v0;
	[tilespmem:s17+$0x0] =	vst v19;
	v7 =	vld.idx.msk [tilespmem:v7+s5+$0x0], $0xffff  }
0x33c: {  	v13 =	vadd.s32 $0x2180, v0;
	v8 =	vld.idx.msk [tilespmem:v8+s5+$0x0], $0xffff;
	[tilespmem:s22+$0x0] =	vst v20  }
0x33d: {  	v14 =	vadd.s32 $0x2200, v0;
	v9 =	vld.idx.msk [tilespmem:v9+s5+$0x0], $0xffff;
	[tilespmem:s26+$0x0] =	vst v21  }
0x33e: {  	v15 =	vadd.s32 $0x2280, v0;
	v10 =	vld.idx.msk [tilespmem:v10+s5+$0x0], $0xffff;
	[tilespmem:s30+$0x0] =	vst v22  }
0x33f: {  	v16 =	vadd.s32 $0x2300, v0;
	v11 =	vld.idx.msk [tilespmem:v11+s5+$0x0], $0xffff;
	[tilespmem:s0+$0x0] =	vst v23  }
0x340: {  	v17 =	vadd.s32 $0x2380, v0;
	v12 =	vld.idx.msk [tilespmem:v12+s5+$0x0], $0xffff;
	[tilespmem:s23+$0x0] =	vst v24  }
0x341: {  	v18 =	vadd.s32 $0x4000, v0;
	v13 =	vld.idx.msk [tilespmem:v13+s5+$0x0], $0xffff;
	[tilespmem:s6+$0x0] =	vst v25  }
0x342: {  	v14 =	vld.idx.msk [tilespmem:v14+s5+$0x0], $0xffff;
	v19 =	vadd.s32 $0x4080, v0;
	[tilespmem:s7+$0x0] =	vst v32  }
0x343: {  	v15 =	vld.idx.msk [tilespmem:v15+s5+$0x0], $0xffff;
	v20 =	vadd.s32 $0x4100, v0;
	[tilespmem:s15+$0x0] =	vst v31  }
0x344: {  	v16 =	vld.idx.msk [tilespmem:v16+s5+$0x0], $0xffff;
	v21 =	vadd.s32 $0x4180, v0;
	[tilespmem:s14+$0x0] =	vst v30  }
0x345: {  	v17 =	vld.idx.msk [tilespmem:v17+s5+$0x0], $0xffff;
	v22 =	vadd.s32 $0x4200, v0;
	[tilespmem:s20+$0x0] =	vst v29  }
0x346: {  	v18 =	vld.idx.msk [tilespmem:v18+s5+$0x0], $0xffff;
	v23 =	vadd.s32 $0x4280, v0;
	[tilespmem:s24+$0x0] =	vst v26  }
0x347: {  	v19 =	vld.idx.msk [tilespmem:v19+s5+$0x0], $0xffff;
	v24 =	vadd.s32 $0x4300, v0;
	[tilespmem:s8+$0x0] =	vst v27  }
0x348: {  	v20 =	vld.idx.msk [tilespmem:v20+s5+$0x0], $0xffff;
	[tilespmem:s19+$0x0] =	vst v2;
	v2 =	vadd.s32 $0x4380, v0  }
0x349: {  	v21 =	vld.idx.msk [tilespmem:v21+s5+$0x0], $0xffff;
	v26 =	vadd.s32 $0x6080, v0  }
0x34a: {  	v22 =	vld.idx.msk [tilespmem:v22+s5+$0x0], $0xffff;
	[tilespmem:s2+$0x0] =	vst v1;
	v1 =	vadd.s32 $0x6000, v0  }
0x34b: {  	v23 =	vld.idx.msk [tilespmem:v23+s5+$0x0], $0xffff;
	v27 =	vadd.s32 $0x6100, v0  }
0x34c: {  	v60 =	vadd.s32 $0x6180, v0;
	v24 =	vld.idx.msk [tilespmem:v24+s5+$0x0], $0xffff  }
0x34d: {  	v25 =	vld.idx.msk [tilespmem:v2+s5+$0x0], $0xffff;
	v2 =	vadd.s32 $0x6200, v0  }
0x34e: {  	v61 =	vadd.s32 $0x6300, v0;
	v31 =	vld.idx.msk [tilespmem:v26+s5+$0x0], $0xffff  }
0x34f: {  	v29 =	vshll.u32 v28, $0x3;
	v32 =	vld.idx.msk [tilespmem:v1+s5+$0x0], $0xffff;
	v1 =	vadd.s32 $0x6280, v0  }
0x350: {  	v26 =	vand.u32 $0x7F, v28;
	v28 =	vand.u32 $0xFFFFFC00, v29;
	v30 =	vld.idx.msk [tilespmem:v27+s5+$0x0], $0xffff;
	v0 =	vadd.s32 $0x6380, v0  }
0x351: {  	s10 =	sadd.s32 $0x100, s10;
	v29 =	vor.u32 v26, v28;
	v26 =	vld.idx.msk [tilespmem:v60+s5+$0x0], $0xffff  }
0x352: {  	s24 =	sand.u32 $0xC00, s10;
	v62 =	vor.u32 $0x80, v29;
	v27 =	vld.idx.msk [tilespmem:v2+s5+$0x0], $0xffff  }
0x353: {  	s29 =	sadd.s32 $0x1, s29;
	s20 =	sadd.s32 $0x14800, s24;
	v36 =	vor.u32 $0x100, v29;
	v2 =	vld.idx.msk [tilespmem:v61+s5+$0x0], $0xffff  }
0x354: {  	s23 =	sand.u32 $0x3, s29;
	s22 =	sor.u32 s18, s20;
	v37 =	vor.u32 $0x180, v29;
	v28 =	vld.idx.msk [tilespmem:v1+s5+$0x0], $0xffff  }
0x355: {  	s1 =	sshll.u32 s23, $0x5;
	v63 =	vor.u32 $0x200, v29;
	v1 =	vld.idx.msk [tilespmem:v0+s5+$0x0], $0xffff;
	[tilespmem:s22+$0x0] =	vst v59  }
0x356: {  	s21 =	sadd.s32 $0x2, s21;
	s1 =	sadd.s32 s1, s10;
	v40 =	vor.u32 $0x280, v29;
	v0 =	vld.idx.msk [tilespmem:v29+s5+$0x0], $0xffff;
	[tilespmem:s22+$0x80] =	vst v3  }
0x357: {  	[dreg:$0x6] =	wrdreg s4;
	s26 =	sor.u32 $0x300, s1;
	s1 =	sadd.s32 $0x10, s1;
	v41 =	vor.u32 $0x300, v29;
	v3 =	vld.idx.msk [tilespmem:v62+s5+$0x0], $0xffff;
	[tilespmem:s22+$0x100] =	vst v4  }
0x358: {  	p0 =	slt.u32 s21, $0x1E;
	[dreg:$0xe] =	wrdreg s26;
	s3 =	sor.u32 $0x300, s1;
	v42 =	vor.u32 $0x380, v29;
	v4 =	vld.idx.msk [tilespmem:v36+s5+$0x0], $0xffff;
	[tilespmem:s22+$0x180] =	vst v5  }
0x359: {  	s7 =	sor.u32 $0x380, s1;
	s6 =	sadd.s32 $0x15800, s24;
	s11 =	sadd.s32 $0x15880, s24;
	v43 =	vadd.s32 $0x2000, v29;
	v5 =	vld.idx.msk [tilespmem:v37+s5+$0x0], $0xffff;
	[tilespmem:s22+$0x200] =	vst v6  }
0x35a: {  	s14 =	sadd.s32 $0x15900, s24;
	s16 =	sadd.s32 $0x15980, s24;
	s26 =	sadd.s32 $0x15B00, s24;
	v44 =	vadd.s32 $0x2080, v29;
	v45 =	vadd.s32 $0x2100, v29;
	v6 =	vld.idx.msk [tilespmem:v63+s5+$0x0], $0xffff;
	[tilespmem:s22+$0x280] =	vst v7  }
0x35b: {  	s19 =	sor.u32 s10, s25;
	s4 =	sor.u32 s9, s20;
	s8 =	sor.u32 s9, s6;
	v46 =	vadd.s32 $0x2180, v29;
	v47 =	vadd.s32 $0x2200, v29;
	v48 =	vadd.s32 $0x2280, v29;
	v7 =	vld.idx.msk [tilespmem:v40+s5+$0x0], $0xffff;
	[tilespmem:s3+$0x14800] =	vst v8  }
0x35c: {  	s12 =	sor.u32 s18, s6;
	s13 =	sor.u32 s9, s11;
	s15 =	sor.u32 s18, s11;
	v49 =	vadd.s32 $0x2300, v29;
	v50 =	vadd.s32 $0x2380, v29;
	v62 =	vadd.s32 $0x6180, v29;
	v8 =	vld.idx.msk [tilespmem:v41+s5+$0x0], $0xffff;
	[tilespmem:s7+$0x14800] =	vst v9  }
0x35d: {  	s17 =	sor.u32 s18, s14;
	s20 =	sor.u32 s18, s16;
	s1 =	sor.u32 s9, s16;
	v51 =	vadd.s32 $0x4000, v29;
	v52 =	vadd.s32 $0x4080, v29;
	v53 =	vadd.s32 $0x4100, v29;
	v9 =	vld.idx.msk [tilespmem:v42+s5+$0x0], $0xffff;
	[tilespmem:s12+$0x0] =	vst v10  }
0x35e: {  	s11 =	sadd.s32 $0x16800, s24;
	s31 =	sor.u32 s9, s26;
	s25 =	sadd.s32 $0x20, s25;
	v54 =	vadd.s32 $0x4180, v29;
	v55 =	vadd.s32 $0x4200, v29;
	v56 =	vadd.s32 $0x4280, v29;
	v10 =	vld.idx.msk [tilespmem:v43+s5+$0x0], $0xffff;
	[tilespmem:s15+$0x0] =	vst v11  }
0x35f: {  	s0 =	sor.u32 $0x380, s19;
	[dreg:$0x12] =	wrdreg s8;
	s19 =	sadd.s32 $0x15A00, s24;
	v57 =	vadd.s32 $0x4300, v29;
	v58 =	vadd.s32 $0x4380, v29;
	v60 =	vadd.s32 $0x6080, v29;
	v11 =	vld.idx.msk [tilespmem:v44+s5+$0x0], $0xffff;
	[tilespmem:s17+$0x0] =	vst v12  }
0x360: {  	[dreg:$0x16] =	wrdreg s13;
	s23 =	sor.u32 s18, s19;
	v35 =	vadd.s32 $0x6280, v29;
	v33 =	vadd.s32 $0x6300, v29;
	v34 =	vadd.s32 $0x6380, v29;
	s22 =	sadd.s32 $0x15A80, s24;
	v12 =	vld.idx.msk [tilespmem:v45+s5+$0x0], $0xffff;
	[tilespmem:s20+$0x0] =	vst v13  }
0x361: {  	s2 =	sor.u32 s9, s14;
	[dreg:$0x1e] =	wrdreg s1;
	v61 =	vadd.s32 $0x6100, v29;
	v59 =	vadd.s32 $0x6000, v29;
	v63 =	vadd.s32 $0x6200, v29;
	s6 =	sor.u32 s18, s22;
	v29 =	vld.idx.msk [tilespmem:v62+s5+$0x0], $0xffff;
	[tilespmem:s23+$0x0] =	vst v14  }
0x362: {  	s8 =	sor.u32 s18, s26;
	s13 =	sadd.s32 $0x16880, s24;
	s7 =	sadd.s32 $0x15B80, s24;
	v13 =	vld.idx.msk [tilespmem:v46+s5+$0x0], $0xffff;
	[tilespmem:s6+$0x0] =	vst v15  }
0x363: {  	s14 =	sor.u32 s18, s11;
	[dreg:$0xa] =	wrdreg s0;
	s12 =	sor.u32 s18, s7;
	v14 =	vld.idx.msk [tilespmem:v47+s5+$0x0], $0xffff;
	[tilespmem:s8+$0x0] =	vst v16  }
0x364: {  	s16 =	sor.u32 s9, s11;
	s11 =	sadd.s32 $0x16A80, s24;
	[dreg:$0x1a] =	wrdreg s2;
	v15 =	vld.idx.msk [tilespmem:v48+s5+$0x0], $0xffff;
	[tilespmem:s12+$0x0] =	vst v17  }
0x365: {  	s3 =	sor.u32 s9, s19;
	s19 =	sor.u32 s18, s13;
	s15 =	sadd.s32 $0x16900, s24;
	v16 =	vld.idx.msk [tilespmem:v49+s5+$0x0], $0xffff;
	[tilespmem:s14+$0x0] =	vst v18  }
0x366: {  	s28 =	sor.u32 s9, s22;
	s22 =	sor.u32 s18, s15;
	s20 =	sadd.s32 $0x16980, s24;
	v17 =	vld.idx.msk [tilespmem:v50+s5+$0x0], $0xffff;
	[tilespmem:s19+$0x0] =	vst v19  }
0x367: {  	s0 =	sor.u32 s9, s11;
	s23 =	sadd.s32 $0x16A00, s24;
	s8 =	sor.u32 s18, s20;
	v18 =	vld.idx.msk [tilespmem:v51+s5+$0x0], $0xffff;
	[tilespmem:s22+$0x0] =	vst v20  }
0x368: {  	s2 =	sadd.s32 $0x17A00, s24;
	s17 =	sor.u32 s9, s13;
	s12 =	sor.u32 s18, s23;
	v19 =	vld.idx.msk [tilespmem:v52+s5+$0x0], $0xffff;
	[tilespmem:s8+$0x0] =	vst v21  }
0x369: {  	s13 =	sadd.s32 $0x16B00, s24;
	s26 =	sor.u32 s9, s20;
	s14 =	sor.u32 s18, s11;
	v20 =	vld.idx.msk [tilespmem:v53+s5+$0x0], $0xffff;
	[tilespmem:s12+$0x0] =	vst v22  }
0x36a: {  	s19 =	sor.u32 s18, s13;
	s22 =	sor.u32 s9, s15;
	s15 =	sadd.s32 $0x16B80, s24;
	v21 =	vld.idx.msk [tilespmem:v54+s5+$0x0], $0xffff;
	[tilespmem:s14+$0x0] =	vst v23  }
0x36b: {  	s30 =	sor.u32 s9, s23;
	s20 =	sadd.s32 $0x17800, s24;
	s8 =	sor.u32 s18, s15;
	v22 =	vld.idx.msk [tilespmem:v55+s5+$0x0], $0xffff;
	[tilespmem:s19+$0x0] =	vst v24  }
0x36c: {  	s23 =	sor.u32 s9, s13;
	s13 =	sor.u32 s18, s20;
	s12 =	sadd.s32 $0x17880, s24;
	v23 =	vld.idx.msk [tilespmem:v56+s5+$0x0], $0xffff;
	[tilespmem:s8+$0x0] =	vst v25  }
0x36d: {  	s6 =	sor.u32 s9, s15;
	s14 =	sadd.s32 $0x17900, s24;
	s15 =	sor.u32 s18, s12;
	v24 =	vld.idx.msk [tilespmem:v57+s5+$0x0], $0xffff;
	[tilespmem:s13+$0x0] =	vst v32  }
.Ltmp14:
0x36e: {  	s11 =	sadd.s32 $0x17980, s24;
	s19 =	sor.u32 s18, s14;
	v25 =	vld.idx.msk [tilespmem:v58+s5+$0x0], $0xffff;
	[tilespmem:s15+$0x0] =	vst v31;
	(pc) =	sbr.rel @p0 .LBB2_21-.Ltmp14, $4  }
0x36f: {  	s1 =	sor.u32 s9, s7;
	s7 =	sor.u32 s9, s20;
	s20 =	sor.u32 s18, s11;
	v32 =	vld.idx.msk [tilespmem:v59+s5+$0x0], $0xffff;
	[tilespmem:s19+$0x0] =	vst v30  }
0x370: {  	s14 =	sor.u32 s9, s14;
	s8 =	sadd.s32 $0x17A80, s24;
	s13 =	sor.u32 s18, s2;
	v31 =	vld.idx.msk [tilespmem:v60+s5+$0x0], $0xffff;
	[tilespmem:s20+$0x0] =	vst v26  }
0x371: {  	s15 =	sor.u32 s9, s12;
	v30 =	vld.idx.msk [tilespmem:v61+s5+$0x0], $0xffff;
	s19 =	sadd.s32 $0x17B00, s24;
	[tilespmem:s13+$0x0] =	vst v27;
	s13 =	sor.u32 s18, s8  }
0x372: {  	s20 =	sor.u32 s9, s11;
	v26 =	vld.idx.msk [tilespmem:v63+s5+$0x0], $0xffff;
	s11 =	sadd.s32 $0x17B80, s24;
	s12 =	sor.u32 s18, s19;
	[tilespmem:s13+$0x0] =	vst v28  }
0x373: {  	_ =	sdelay $0x3  }
0x374: {  	v27 =	vld.idx.msk [tilespmem:v35+s5+$0x0], $0xffff  }
0x375: {  	[tilespmem:s12+$0x0] =	vst v2;
	v62 =	vld.idx.msk [tilespmem:v33+s5+$0x0], $0xffff  }
0x376: {  	v63 =	vld.idx.msk [tilespmem:v34+s5+$0x0], $0xffff;
	[tilespmem:s4+$0x80] =	vst v3  }
0x377: {  	[tilespmem:s4+$0x100] =	vst v4  }
0x378: {  	[tilespmem:s4+$0x180] =	vst v5  }
0x379: {  	[tilespmem:s4+$0x200] =	vst v6  }
0x37a: {  	[tilespmem:s4+$0x280] =	vst v7  }
0x37b: {  	s10 =	sor.u32 s18, s11;
	[tilespmem:s4+$0x0] =	vst v0  }
0x37c: {  	[tilespmem:s10+$0x0] =	vst v1  }
0x37d: {  	s4 =	rddreg [dreg:$0xe]  }
0x37e: {  	[tilespmem:s4+$0x14800] =	vst v8  }
0x37f: {  	s4 =	rddreg [dreg:$0xa]  }
0x380: {  	[tilespmem:s4+$0x14800] =	vst v9  }
0x381: {  	s4 =	rddreg [dreg:$0x12]  }
0x382: {  	[tilespmem:s4+$0x0] =	vst v10  }
0x383: {  	s4 =	rddreg [dreg:$0x16]  }
0x384: {  	[tilespmem:s4+$0x0] =	vst v11  }
0x385: {  	s4 =	rddreg [dreg:$0x1a]  }
0x386: {  	[tilespmem:s4+$0x0] =	vst v12  }
0x387: {  	s4 =	rddreg [dreg:$0x1e]  }
0x388: {  	[tilespmem:s4+$0x0] =	vst v13  }
0x389: {  	[tilespmem:s3+$0x0] =	vst v14  }
0x38a: {  	[tilespmem:s28+$0x0] =	vst v15  }
0x38b: {  	[tilespmem:s31+$0x0] =	vst v16  }
0x38c: {  	[tilespmem:s1+$0x0] =	vst v17  }
0x38d: {  	[tilespmem:s16+$0x0] =	vst v18  }
0x38e: {  	[tilespmem:s17+$0x0] =	vst v19  }
0x38f: {  	[tilespmem:s22+$0x0] =	vst v20  }
0x390: {  	[tilespmem:s26+$0x0] =	vst v21  }
0x391: {  	[tilespmem:s30+$0x0] =	vst v22  }
0x392: {  	[tilespmem:s0+$0x0] =	vst v23  }
0x393: {  	[tilespmem:s23+$0x0] =	vst v24  }
0x394: {  	[tilespmem:s6+$0x0] =	vst v25  }
0x395: {  	[tilespmem:s7+$0x0] =	vst v32  }
0x396: {  	[tilespmem:s15+$0x0] =	vst v31  }
0x397: {  	[tilespmem:s14+$0x0] =	vst v30  }
0x398: {  	s24 =	sor.u32 s9, s2;
	[tilespmem:s20+$0x0] =	vst v29  }
0x399: {  	s25 =	sor.u32 s9, s8;
	[tilespmem:s24+$0x0] =	vst v26  }
0x39a: {  	s26 =	sor.u32 s9, s19;
	[tilespmem:s25+$0x0] =	vst v27  }
0x39b: {  	s28 =	sor.u32 s9, s11;
	[tilespmem:s26+$0x0] =	vst v62  }
0x39c: {  	[tilespmem:s28+$0x0] =	vst v63  }
0x39d: {  	s12 =	sld [smem:$0x7F2];
	_ =	sdelay $0x2  }
0x39e: {  	s0 =	sld [smem:$0x7FC];
	p0 =	seq.s32 s12, $0x18  }
.Ltmp15:
0x39f: {  	s1 =	sld [smem:$0x7F0];
	(pc) =	sbr.rel @p0 .LBB2_24-.Ltmp15, $4  }
0x3a0: {  	_ = 	snop  }
0x3a1: {  	s29 =	simm.s32 $0x1000  }
0x3a2: {  	s31 =	simm.s32 $0x14800;
	s30 =	simm.s32 $0x20000;
	s0 =	sadd.s32 s1, s0  }
0x3a3: {  	[hbm4b:s0+s29] =	stream.strided.scatter [tilespmem:s31], [sflag:$0x8], $0x4000, s30, s29, $0x38;
	[tilespmem:$0x18800] =	vst v63  }
0x3a4: {  	s0 =	sld [smem:$0x7F3];
	_ =	sdelay $0x2  }
0x3a5: {  	s0 =	sadd.s32 $0x7, s0  }
0x3a6: {  	s29 =	sld [smem:$0x7F5];
	s1 =	sshll.u32 s0, $0x7;
	s0 =	sshll.u32 s0, $0xE  }
0x3a7: {  	s1 =	sand.u32 $0x380, s1;
	s0 =	sand.u32 $0x3E0000, s0  }
.Ltmp16:
0x3a8: {  	s0 =	sor.u32 s0, s1;
	(pc) =	sbr.rel .LBB2_2-.Ltmp16, $4  }
0x3a9: {  	s30 =	rddreg [dreg:$0x1];
	s0 =	sor.u32 s29, s0  }
0x3aa: {  	s31 =	simm.s32 $0x80;
	s2 =	simm.s32 $0x400;
	s0 =	sshrl.u32 s0, $0x3  }
0x3ab: {  	s3 =	simm.s32 $0x8600;
	s12 =	sadd.s32 $0x1, s12;
	s0 =	sadd.s32 s30, s0  }
0x3ac: {  	[tilespmem:s3], [sflag:$0x4] =	stream.strided.gather [hbm4b:s0+s31], $0x200, s2, s31, $0x38;
	[tilespmem:$0x18800] =	vst v63  }
.LBB2_25:
0x3ad: {  	_ =	sfence.sel $0x180000  }
0x3ae: {  	[bflag:$0x0] =	sbarrier.arrive $0xFFFF  }
0x3af: {  	_ =	strace $0x90000047  }
0x3b0: {  	s0 =	stileid.u32;
	[bflag:$0x2] =	sbarrier.arrive $0xFFFF  }
0x3b1: {  	p0 =	sne.s32 s0, $0x0;
	s0 =	rddreg [dreg:$0x3]  }
0x3b2: {  	s0 =	sadd.s32 @!p0 $0x100000, s0  }
0x3b3: {  	[sflag:s0] =	ssyncadd.tile.s32 @!p0 $0x1;
	_ =	shalt  }
.Lfunc_end2:
_tile_overlayer_lowered:
.L_overlay_start_2:
0x3b4: {  	(tag) =	ssettag $0x2  }
0x3b5: {  	s0 =	rddreg [dreg:$0x0];
	s2 =	stileid.u32  }
0x3b6: {  	s1 =	rddreg [dreg:$0x1];
	p0 =	sne.s32 s2, $0x0  }
0x3b7: {  	s3 =	rddreg [dreg:$0x2];
	[bflag:$0x3] =	sbarrier.arrive $0xFFFF;
	s2 =	simm.s32 @!p0 $0x1C09  }
0x3b8: {  	[timem:s3], [sflag:s2] =	dma.local @!p0 [hbm:s0], s1  }
0x3b9: {  	s0 =	simm.s32 @!p0 $0x9  }
0x3ba: {  	_ =	swait.ge @!p0 [sflag:s0], s1  }
0x3bb: {  	s1 =	ssub.s32 @!p0 $0x0, s1;
	[sflag:s0] =	ssyncset.done @!p0 $0x0  }
0x3bc: {  	[sflag:s0] =	ssyncadd.s32 @!p0 s1  }
0x3bd: {  	[bflag:$0x3] =	sbarrier.arrive $0xFFFF  }
0x3be: {  	_ =	shalt  }

</sc_bundles>
